<compile_context>
chip_gen: v7x
topology: tpu7x:2x2x1
jax: 0.10.2.dev20260603
libtpu: 0.0.44.dev20260713+nightly
codegen_flags: <defaults>
</compile_context>

<pallas_src>
import jax
import jax.numpy as jnp
from jax.experimental import pallas as pl
from jax.experimental.pallas import tpu as pltpu
from jax.experimental.pallas import tpu_sc as plsc

BT = 128
FCH = 1024
SC_W = 128
COL_SPLIT = 4


def _sc_mesh():
    return plsc.VectorSubcoreMesh(core_axis_name="c", subcore_axis_name="s")


def _expand(idx, split):
    return (
        idx[:, None] * split + jnp.arange(split, dtype=jnp.int32)[None, :]
    ).reshape(1, -1)


def _sc_gather_rows(src, idx, split=COL_SPLIT):
    n_out = idx.shape[0]
    _, d = src.shape
    ds = d // split
    srcv = src.reshape(-1, ds)
    nx = n_out * split
    idx4 = _expand(idx, split)

    @pl.kernel(out_type=jax.ShapeDtypeStruct((nx, ds), src.dtype), mesh=_sc_mesh())
    def k(s_hbm, i_hbm, o_hbm):
        def body(i_vmem, o_vmem):
            pltpu.sync_copy(s_hbm.at[i_vmem.at[0]], o_vmem)

        pltpu.emit_pipeline(
            body,
            grid=(nx // SC_W,),
            in_specs=[pl.BlockSpec((1, SC_W), lambda i: (0, i))],
            out_specs=[pl.BlockSpec((SC_W, ds), lambda i: (i, 0))],
            core_axis_name=("c", "s"),
            dimension_semantics=(pltpu.PARALLEL,),
        )(i_hbm, o_hbm)

    return k(srcv, idx4).reshape(n_out, d)


def _sc_scatter_rows(src, idx, n_out, split=COL_SPLIT):
    t, d = src.shape
    ds = d // split
    srcv = src.reshape(-1, ds)
    nx = t * split
    idx4 = _expand(idx, split)

    @pl.kernel(
        out_type=jax.ShapeDtypeStruct((n_out * split, ds), src.dtype),
        mesh=_sc_mesh(),
    )
    def k(s_hbm, i_hbm, o_hbm):
        def body(s_vmem, i_vmem):
            pltpu.sync_copy(s_vmem, o_hbm.at[i_vmem.at[0]])

        pltpu.emit_pipeline(
            body,
            grid=(nx // SC_W,),
            in_specs=[
                pl.BlockSpec((SC_W, ds), lambda i: (i, 0)),
                pl.BlockSpec((1, SC_W), lambda i: (0, i)),
            ],
            out_specs=[],
            core_axis_name=("c", "s"),
            dimension_semantics=(pltpu.PARALLEL,),
        )(s_hbm, i_hbm)

    return k(srcv, idx4).reshape(n_out, d)


def _sc_scatter_tw(tw128, idx, n_out):
    t, lanes = tw128.shape

    @pl.kernel(
        out_type=jax.ShapeDtypeStruct((n_out, lanes), tw128.dtype), mesh=_sc_mesh()
    )
    def k(s_hbm, i_hbm, o_hbm):
        def body(s_vmem, i_vmem):
            pltpu.sync_copy(s_vmem, o_hbm.at[i_vmem.at[0]])

        pltpu.emit_pipeline(
            body,
            grid=(t // SC_W,),
            in_specs=[
                pl.BlockSpec((SC_W, lanes), lambda i: (i, 0)),
                pl.BlockSpec((1, SC_W), lambda i: (0, i)),
            ],
            out_specs=[],
            core_axis_name=("c", "s"),
            dimension_semantics=(pltpu.PARALLEL,),
        )(s_hbm, i_hbm)

    return k(tw128, idx.reshape(1, t))


def _fused_body(meta_ref, x_ref, tw_ref, b_ref, w1_hbm, w2_hbm, y_ref,
                w1b, w2b, w1c, w2c, sems):
    cap, d = x_ref.shape
    e_total, f, _ = w1_hbm.shape
    fch = w1b.shape[1]
    nf = f // fch
    k_total = e_total * nf

    nslot = w1b.shape[0]

    def issue(k):
        slot = jax.lax.rem(k, nslot)
        e = k // nf
        fc = jax.lax.rem(k, nf)
        pltpu.make_async_copy(
            w1_hbm.at[e, pl.ds(fc * fch, fch), :], w1b.at[slot], sems.at[slot, 0]
        ).start()
        pltpu.make_async_copy(
            w2_hbm.at[e, pl.ds(fc * fch, fch), :], w2b.at[slot], sems.at[slot, 1]
        ).start()

    y_ref[...] = jnp.zeros_like(y_ref)
    issue(0)
    issue(1)

    def chunk_body(k, carry):
        slot = jax.lax.rem(k, nslot)
        e = k // nf
        fc = jax.lax.rem(k, nf)

        @pl.when(k + 2 < k_total)
        def _():
            issue(k + 2)

        pltpu.make_async_copy(
            w1_hbm.at[e, pl.ds(fc * fch, fch), :], w1b.at[slot], sems.at[slot, 0]
        ).wait()
        pltpu.make_async_copy(
            w2_hbm.at[e, pl.ds(fc * fch, fch), :], w2b.at[slot], sems.at[slot, 1]
        ).wait()
        w1c[...] = w1b[slot].astype(jnp.bfloat16)
        w2c[...] = w2b[slot].astype(jnp.bfloat16)

        off8 = meta_ref[0, e]
        n = meta_ref[1, e]
        ntile = (n + BT - 1) // BT

        def tile_body(ti, c2):
            ob = off8 * 8 + ti * BT
            rows = ob + jax.lax.broadcasted_iota(jnp.int32, (BT, 1), 0)
            valid = rows < off8 * 8 + n
            xb = jnp.where(valid, x_ref[pl.ds(ob, BT), :], 0.0).astype(jnp.bfloat16)
            h = jax.lax.dot_general(
                xb, w1c[...], (((1,), (1,)), ((), ())),
                preferred_element_type=jnp.float32,
            )
            a = (0.5 * h * (1.0 + jax.lax.erf(h * 0.7071067811865476))).astype(
                jnp.bfloat16
            )
            yt = jax.lax.dot_general(
                a, w2c[...], (((1,), (0,)), ((), ())),
                preferred_element_type=jnp.float32,
            )
            y_ref[pl.ds(ob, BT), :] += yt
            return c2

        jax.lax.fori_loop(0, ntile, tile_body, 0)
        return carry

    jax.lax.fori_loop(0, k_total, chunk_body, 0)
    y_ref[...] = y_ref[...] * tw_ref[:, :1] + b_ref[...]


def _fused_mlp(meta, x_sorted, tw_sorted, w1r, w2r, bias2d):
    cap, d = x_sorted.shape
    e, f, _ = w1r.shape
    fch = min(FCH, f)
    return pl.pallas_call(
        _fused_body,
        grid_spec=pltpu.PrefetchScalarGridSpec(
            num_scalar_prefetch=1,
            grid=(1,),
            in_specs=[
                pl.BlockSpec((cap, d), lambda i, s: (0, 0)),
                pl.BlockSpec((cap, tw_sorted.shape[1]), lambda i, s: (0, 0)),
                pl.BlockSpec((1, d), lambda i, s: (0, 0)),
                pl.BlockSpec(memory_space=pl.ANY),
                pl.BlockSpec(memory_space=pl.ANY),
            ],
            out_specs=pl.BlockSpec((cap, d), lambda i, s: (0, 0)),
            scratch_shapes=[
                pltpu.VMEM((3, fch, d), jnp.float32),
                pltpu.VMEM((3, fch, d), jnp.float32),
                pltpu.VMEM((fch, d), jnp.bfloat16),
                pltpu.VMEM((fch, d), jnp.bfloat16),
                pltpu.SemaphoreType.DMA((3, 2)),
            ],
        ),
        out_shape=jax.ShapeDtypeStruct((cap, d), jnp.float32),
    )(meta, x_sorted, tw_sorted, bias2d, w1r, w2r)


def _routing(top_experts, e):
    t = top_experts.shape[0]
    eidx = top_experts[:, 0].astype(jnp.int32)
    oh = (eidx[:, None] == jnp.arange(e, dtype=jnp.int32)[None, :]).astype(jnp.int32)
    csum = jnp.cumsum(oh, axis=0)
    counts = csum[-1]
    aligned = ((counts + 7) // 8) * 8
    aoff = jnp.concatenate(
        [jnp.zeros((1,), jnp.int32), jnp.cumsum(aligned).astype(jnp.int32)]
    )
    rank = jnp.sum(oh * csum, axis=1) - 1
    pos_token = jnp.sum(oh * aoff[None, :e], axis=1) + rank
    meta = jnp.stack([aoff[:e] // 8, counts])
    return pos_token.astype(jnp.int32), meta


def kernel(x, weights, top_weights, top_experts, w1, w2, bias):
    t, d = x.shape
    e = weights.shape[1]
    f = w1.shape[0] // e
    cap = ((t + e * 8 + BT + BT - 1) // BT) * BT

    pos_token, meta = _routing(top_experts, e)

    tw128 = jnp.broadcast_to(top_weights[:, :1], (t, 128))
    x_sorted = _sc_scatter_rows(x, pos_token, cap)
    tw_sorted = _sc_scatter_tw(tw128, pos_token, cap)

    w1r = w1.reshape(e, f, d)
    w2r = w2.reshape(e, f, d)
    y_sorted = _fused_mlp(meta, x_sorted, tw_sorted, w1r, w2r, bias.reshape(1, d))

    return _sc_gather_rows(y_sorted, pos_token)

# --- scband reference (transcript-rebuilt; emitter-appended) ---
"""Pipeline reference for scband-nomic-experts-42829413875911 (READ-ONLY COPY).

The authoritative reference and input builder live on the scoring server;
editing this copy changes nothing except your own understanding.
"""

import jax, jax.numpy as jnp
import numpy as np

E = 16
TOPK = 1
D = 1024
F = 4096
T = 2048


def setup_inputs(seed: int = 0) -> dict:
    key = jax.random.key(seed)
    ks = jax.random.split(key, 6)
    x = jax.random.normal(ks[0], (T, D), dtype=jnp.float32)
    weights = jax.nn.softmax(jax.random.normal(ks[1], (T, E), dtype=jnp.float32), axis=-1)
    top_experts = jax.random.randint(ks[2], (T, TOPK), 0, E, dtype=jnp.int64 if jax.config.jax_enable_x64 else jnp.int32)
    top_weights = jax.random.uniform(ks[3], (T, TOPK), dtype=jnp.float32)
    w1 = jax.random.normal(ks[4], (E * F, D), dtype=jnp.float32) * 0.02
    w2 = jax.random.normal(ks[5], (E * F, D), dtype=jnp.float32) * 0.02
    bias = jnp.zeros((D,), dtype=jnp.float32)
    return {"x": x, "weights": weights, "top_weights": top_weights, "top_experts": top_experts, "w1": w1, "w2": w2, "bias": bias}


def reference(x, weights, top_weights, top_experts, w1, w2, bias):
    # Faithful math to NomicExperts.forward: for each expert, run the expert MLP
    # on its assigned tokens (here expressed densely via a one-hot gate so shapes
    # are static), scale by top_weights, and accumulate (index_add equivalent).
    w1v = w1.reshape(E, F, D)
    w2v = w2.reshape(E, F, D)
    onehot = jax.nn.one_hot(top_experts, E, dtype=x.dtype)  # [T, K, E]
    gate = jnp.sum(onehot * top_weights[..., None], axis=1)  # [T, E]
    out = jnp.zeros_like(x)
    for e in range(E):
        x1 = x @ w1v[e].T                      # [T, F]
        act = jax.nn.gelu(x1, approximate=False)
        x2 = act @ w2v[e]                      # [T, D]
        out = out + x2 * gate[:, e:e + 1]
    return out + bias

if __name__ == "__main__":
    import jax
    _d = setup_inputs()
    print(jax.jit(kernel)(*tuple(_d.values())))

</pallas_src>

<mosaic_0001>
#map = affine_map<(d0, d1) -> (0, 0)>
module attributes {stable_mosaic.version = 14 : i64} {
  func.func @k(%arg0: i32, %arg1: i32, %arg2: memref<8192x256xf32, #tpu.memory_space<hbm>>, %arg3: memref<1x8192xi32, #tpu.memory_space<hbm>>, %arg4: memref<9216x256xf32, #tpu.memory_space<hbm>>) attributes {dimension_semantics = [#tpu.dimension_semantics<core_parallel>, #tpu.dimension_semantics<subcore_parallel>], iteration_bounds = array<i64: 2, 16>, scalar_prefetch = 0 : i64, scratch_operands = 0 : i64, tpu.core_type = #tpu.core_type<sc_vector_subcore>, window_params = [{transform_indices = #map}, {transform_indices = #map}, {transform_indices = #map}]} {
    %mul3A = arith.constant 1 : i32
    %mul3A_0 = arith.muli %arg1, %mul3A : i32
    %add3A = arith.constant 0 : i32
    %add3A_1 = arith.addi %add3A, %mul3A_0 : i32
    %mul3A_2 = arith.constant 16 : i32
    %mul3A_3 = arith.muli %arg0, %mul3A_2 : i32
    %add3A_4 = arith.addi %add3A_1, %mul3A_3 : i32
    %mul3A_5 = arith.constant 2 : i32
    %mul3A_6 = arith.muli %add3A_4, %mul3A_5 : i32
    "tpu.region"() ({
      %run_scoped3A = memref.alloca() : memref<2x128x256xf32, #tpu.memory_space<vmem>>
      %run_scoped3A_7 = tpu.sem_alloc : memref<2x!tpu.dma_semaphore, #tpu.memory_space<semaphore_mem>>
      %run_scoped3A_8 = memref.alloca() : memref<2x1x128xi32, #tpu.memory_space<vmem>>
      %run_scoped3A_9 = tpu.sem_alloc : memref<2x!tpu.dma_semaphore, #tpu.memory_space<semaphore_mem>>
      %add3A_10 = arith.constant 0 : i32
      %add3A_11 = arith.addi %add3A_10, %mul3A_6 : i32
      %select_n3A = arith.constant true
      %select_n3A_12 = arith.constant 0 : i32
      %select_n3A_13 = arith.constant -1 : i32
      %select_n3A_14 = arith.select %select_n3A, %select_n3A_13, %select_n3A_12 : i32
      %eq3A = arith.constant -1 : i32
      %eq3A_15 = arith.cmpi eq, %select_n3A_14, %eq3A : i32
      %select_n3A_16 = arith.constant 1 : i32
      %select_n3A_17 = arith.select %eq3A_15, %select_n3A_16, %select_n3A_14 : i32
      %add3A_18 = arith.addi %select_n3A_17, %mul3A_6 : i32
      %select_n3A_19 = arith.constant true
      %select_n3A_20 = arith.constant 0 : i32
      %select_n3A_21 = arith.constant 1 : i32
      %select_n3A_22 = arith.select %select_n3A_19, %select_n3A_21, %select_n3A_20 : i32
      %eq3A_23 = arith.constant 2 : i32
      %eq3A_24 = arith.cmpi eq, %select_n3A_22, %eq3A_23 : i32
      %select_n3A_25 = arith.constant 0 : i32
      %select_n3A_26 = arith.select %eq3A_24, %select_n3A_25, %select_n3A_22 : i32
      %add3A_27 = arith.addi %select_n3A_26, %mul3A_6 : i32
      %add3A_28 = arith.constant 1 : i32
      %add3A_29 = arith.addi %select_n3A_26, %add3A_28 : i32
      %select_n3A_30 = arith.constant true
      %select_n3A_31 = arith.select %select_n3A_30, %add3A_29, %select_n3A_26 : i32
      %eq3A_32 = arith.constant 2 : i32
      %eq3A_33 = arith.cmpi eq, %select_n3A_31, %eq3A_32 : i32
      %select_n3A_34 = arith.constant 0 : i32
      %select_n3A_35 = arith.select %eq3A_33, %select_n3A_34, %select_n3A_31 : i32
      %add3A_36 = arith.addi %select_n3A_35, %mul3A_6 : i32
      "tpu.trace_start"() <{level = 10 : i32, message = "ep_initialize_0"}> : () -> ()
      %rem3A = arith.constant 0 : i32
      %rem3A_37 = arith.constant 2 : i32
      %rem3A_38 = arith.remui %rem3A, %rem3A_37 : i32
      %mul3A_39 = arith.constant 128 : i32
      %mul3A_40 = arith.muli %mul3A_39, %add3A_11 : i32
      %dma_start3A = arith.constant 0 : i32
      %dma_start3A_41 = arith.constant 0 : i32
      %dma_start3A_42 = tpu.memref_slice %run_scoped3A[%rem3A_38, %dma_start3A, %dma_start3A_41] : memref<2x128x256xf32, #tpu.memory_space<vmem>> -> memref<1x128x256xf32, #tpu.memory_space<vmem>>
      %dma_start3A_43 = tpu.memref_squeeze %dma_start3A_42 : memref<1x128x256xf32, #tpu.memory_space<vmem>> -> memref<128x256xf32, #tpu.memory_space<vmem>>
      %dma_start3A_44 = arith.constant 0 : i32
      %dma_start3A_45 = tpu.memref_slice %arg2[%mul3A_40, %dma_start3A_44] : memref<8192x256xf32, #tpu.memory_space<hbm>> -> memref<128x256xf32, #tpu.memory_space<hbm>>
      %dma_start3A_46 = tpu.memref_slice %run_scoped3A_7[%rem3A_38] : memref<2x!tpu.dma_semaphore, #tpu.memory_space<semaphore_mem>> -> memref<1x!tpu.dma_semaphore, #tpu.memory_space<semaphore_mem>>
      %dma_start3A_47 = tpu.memref_squeeze %dma_start3A_46 : memref<1x!tpu.dma_semaphore, #tpu.memory_space<semaphore_mem>> -> memref<!tpu.dma_semaphore, #tpu.memory_space<semaphore_mem>>
      %dma_start3A_48 = arith.constant 0 : i32
      %dma_start3A_49 = arith.constant 0 : i32
      %dma_start3A_50 = tpu.memref_slice %run_scoped3A[%rem3A_38, %dma_start3A_48, %dma_start3A_49] : memref<2x128x256xf32, #tpu.memory_space<vmem>> -> memref<1x128x256xf32, #tpu.memory_space<vmem>>
      %dma_start3A_51 = tpu.memref_squeeze %dma_start3A_50 : memref<1x128x256xf32, #tpu.memory_space<vmem>> -> memref<128x256xf32, #tpu.memory_space<vmem>>
      %dma_start3A_52 = arith.constant 0 : i32
      %dma_start3A_53 = tpu.memref_slice %arg2[%mul3A_40, %dma_start3A_52] : memref<8192x256xf32, #tpu.memory_space<hbm>> -> memref<128x256xf32, #tpu.memory_space<hbm>>
      tpu.enqueue_dma source(%dma_start3A_53 : memref<128x256xf32, #tpu.memory_space<hbm>>) target(%dma_start3A_51 : memref<128x256xf32, #tpu.memory_space<vmem>>) target_semaphore(%dma_start3A_47 : memref<!tpu.dma_semaphore, #tpu.memory_space<semaphore_mem>>)
      %add3A_54 = arith.constant 0 : i32
      %add3A_55 = arith.constant 1 : i32
      %add3A_56 = arith.addi %add3A_54, %add3A_55 : i32
      %select_n3A_57 = arith.constant true
      %select_n3A_58 = arith.constant 0 : i32
      %select_n3A_59 = arith.select %select_n3A_57, %add3A_56, %select_n3A_58 : i32
      %rem3A_60 = arith.constant 0 : i32
      %rem3A_61 = arith.constant 2 : i32
      %rem3A_62 = arith.remui %rem3A_60, %rem3A_61 : i32
      %mul3A_63 = arith.constant 128 : i32
      %mul3A_64 = arith.muli %mul3A_63, %add3A_11 : i32
      %dma_start3A_65 = arith.constant 0 : i32
      %dma_start3A_66 = arith.constant 0 : i32
      %dma_start3A_67 = tpu.memref_slice %run_scoped3A_8[%rem3A_62, %dma_start3A_65, %dma_start3A_66] : memref<2x1x128xi32, #tpu.memory_space<vmem>> -> memref<1x1x128xi32, #tpu.memory_space<vmem>>
      %dma_start3A_68 = tpu.memref_squeeze %dma_start3A_67 : memref<1x1x128xi32, #tpu.memory_space<vmem>> -> memref<1x128xi32, #tpu.memory_space<vmem>>
      %dma_start3A_69 = arith.constant 0 : i32
      %dma_start3A_70 = tpu.memref_slice %arg3[%dma_start3A_69, %mul3A_64] : memref<1x8192xi32, #tpu.memory_space<hbm>> -> memref<1x128xi32, #tpu.memory_space<hbm>>
      %dma_start3A_71 = tpu.memref_slice %run_scoped3A_9[%rem3A_62] : memref<2x!tpu.dma_semaphore, #tpu.memory_space<semaphore_mem>> -> memref<1x!tpu.dma_semaphore, #tpu.memory_space<semaphore_mem>>
      %dma_start3A_72 = tpu.memref_squeeze %dma_start3A_71 : memref<1x!tpu.dma_semaphore, #tpu.memory_space<semaphore_mem>> -> memref<!tpu.dma_semaphore, #tpu.memory_space<semaphore_mem>>
      %dma_start3A_73 = arith.constant 0 : i32
      %dma_start3A_74 = arith.constant 0 : i32
      %dma_start3A_75 = tpu.memref_slice %run_scoped3A_8[%rem3A_62, %dma_start3A_73, %dma_start3A_74] : memref<2x1x128xi32, #tpu.memory_space<vmem>> -> memref<1x1x128xi32, #tpu.memory_space<vmem>>
      %dma_start3A_76 = tpu.memref_squeeze %dma_start3A_75 : memref<1x1x128xi32, #tpu.memory_space<vmem>> -> memref<1x128xi32, #tpu.memory_space<vmem>>
      %dma_start3A_77 = arith.constant 0 : i32
      %dma_start3A_78 = tpu.memref_slice %arg3[%dma_start3A_77, %mul3A_64] : memref<1x8192xi32, #tpu.memory_space<hbm>> -> memref<1x128xi32, #tpu.memory_space<hbm>>
      tpu.enqueue_dma source(%dma_start3A_78 : memref<1x128xi32, #tpu.memory_space<hbm>>) target(%dma_start3A_76 : memref<1x128xi32, #tpu.memory_space<vmem>>) target_semaphore(%dma_start3A_72 : memref<!tpu.dma_semaphore, #tpu.memory_space<semaphore_mem>>)
      %add3A_79 = arith.constant 0 : i32
      %add3A_80 = arith.constant 1 : i32
      %add3A_81 = arith.addi %add3A_79, %add3A_80 : i32
      %select_n3A_82 = arith.constant true
      %select_n3A_83 = arith.constant 0 : i32
      %select_n3A_84 = arith.select %select_n3A_82, %add3A_81, %select_n3A_83 : i32
      "tpu.trace_stop"() : () -> ()
      %scan3A = arith.constant 0 : i32
      %scan3A_85 = arith.constant 0 : i32
      %scan3A_86 = arith.constant 0 : i32
      %scan3A_87 = arith.constant 0 : i32
      %scan3A_88 = arith.constant 2 : i32
      %scan3A_89 = arith.addi %scan3A_87, %scan3A_88 : i32
      %scan3A_90 = arith.constant 1 : i32
      %scan3A_91:5 = scf.for %scan3A_128 = %scan3A_87 to %scan3A_89 step %scan3A_90 iter_args(%scan3A_129 = %select_n3A_59, %scan3A_130 = %scan3A, %scan3A_131 = %select_n3A_84, %scan3A_132 = %scan3A_85, %scan3A_133 = %scan3A_86) -> (i32, i32, i32, i32, i32)  : i32 {
        %eq3A_134 = arith.constant 0 : i32
        %eq3A_135 = arith.cmpi eq, %scan3A_128, %eq3A_134 : i32
        %eq3A_136 = arith.constant 1 : i32
        %eq3A_137 = arith.cmpi eq, %scan3A_128, %eq3A_136 : i32
        %add3A_138 = arith.addi %scan3A_133, %mul3A_6 : i32
        %sub3A_139 = arith.constant 1 : i32
        %sub3A_140 = arith.subi %scan3A_133, %sub3A_139 : i32
        %select_n3A_141 = arith.constant true
        %select_n3A_142 = arith.select %select_n3A_141, %sub3A_140, %scan3A_133 : i32
        %eq3A_143 = arith.constant -1 : i32
        %eq3A_144 = arith.cmpi eq, %select_n3A_142, %eq3A_143 : i32
        %select_n3A_145 = arith.constant 1 : i32
        %select_n3A_146 = arith.select %eq3A_144, %select_n3A_145, %select_n3A_142 : i32
        %add3A_147 = arith.addi %select_n3A_146, %mul3A_6 : i32
        %add3A_148 = arith.constant 1 : i32
        %add3A_149 = arith.addi %scan3A_133, %add3A_148 : i32
        %select_n3A_150 = arith.constant true
        %select_n3A_151 = arith.select %select_n3A_150, %add3A_149, %scan3A_133 : i32
        %eq3A_152 = arith.constant 2 : i32
        %eq3A_153 = arith.cmpi eq, %select_n3A_151, %eq3A_152 : i32
        %select_n3A_154 = arith.constant 0 : i32
        %select_n3A_155 = arith.select %eq3A_153, %select_n3A_154, %select_n3A_151 : i32
        %add3A_156 = arith.addi %select_n3A_155, %mul3A_6 : i32
        %add3A_157 = arith.constant 1 : i32
        %add3A_158 = arith.addi %select_n3A_155, %add3A_157 : i32
        %select_n3A_159 = arith.constant true
        %select_n3A_160 = arith.select %select_n3A_159, %add3A_158, %select_n3A_155 : i32
        %eq3A_161 = arith.constant 2 : i32
        %eq3A_162 = arith.cmpi eq, %select_n3A_160, %eq3A_161 : i32
        %select_n3A_163 = arith.constant 0 : i32
        %select_n3A_164 = arith.select %eq3A_162, %select_n3A_163, %select_n3A_160 : i32
        %add3A_165 = arith.addi %select_n3A_164, %mul3A_6 : i32
        %ne3A = arith.cmpi ne, %add3A_138, %add3A_156 : i32
        %or3A = arith.constant false
        %or3A_166 = arith.ori %or3A, %ne3A : i1
        %or3A_167 = arith.constant false
        %or3A_168 = arith.ori %or3A_166, %or3A_167 : i1
        %ge3A = arith.constant 1 : i32
        %ge3A_169 = arith.cmpi sge, %scan3A_128, %ge3A : i32
        %not3A = arith.constant true
        %not3A_170 = arith.xori %ge3A_169, %not3A : i1
        %and3A = arith.andi %or3A_168, %not3A_170 : i1
        %convert_element_type3A = arith.extui %and3A : i1 to i32
        %cond3A = arith.constant 0 : i32
        %cond3A_171 = arith.cmpi ne, %convert_element_type3A, %cond3A : i32
        scf.if %cond3A_171 {
          "tpu.trace_start"() <{level = 10 : i32, message = "ep_copy_in"}> : () -> ()
          %rem3A_282 = arith.constant 2 : i32
          %rem3A_283 = arith.remui %scan3A_129, %rem3A_282 : i32
          %mul3A_284 = arith.constant 128 : i32
          %mul3A_285 = arith.muli %mul3A_284, %add3A_156 : i32
          %dma_start3A_286 = arith.constant 0 : i32
          %dma_start3A_287 = arith.constant 0 : i32
          %dma_start3A_288 = tpu.memref_slice %run_scoped3A[%rem3A_283, %dma_start3A_286, %dma_start3A_287] : memref<2x128x256xf32, #tpu.memory_space<vmem>> -> memref<1x128x256xf32, #tpu.memory_space<vmem>>
          %dma_start3A_289 = tpu.memref_squeeze %dma_start3A_288 : memref<1x128x256xf32, #tpu.memory_space<vmem>> -> memref<128x256xf32, #tpu.memory_space<vmem>>
          %dma_start3A_290 = arith.constant 0 : i32
          %dma_start3A_291 = tpu.memref_slice %arg2[%mul3A_285, %dma_start3A_290] : memref<8192x256xf32, #tpu.memory_space<hbm>> -> memref<128x256xf32, #tpu.memory_space<hbm>>
          %dma_start3A_292 = tpu.memref_slice %run_scoped3A_7[%rem3A_283] : memref<2x!tpu.dma_semaphore, #tpu.memory_space<semaphore_mem>> -> memref<1x!tpu.dma_semaphore, #tpu.memory_space<semaphore_mem>>
          %dma_start3A_293 = tpu.memref_squeeze %dma_start3A_292 : memref<1x!tpu.dma_semaphore, #tpu.memory_space<semaphore_mem>> -> memref<!tpu.dma_semaphore, #tpu.memory_space<semaphore_mem>>
          %dma_start3A_294 = arith.constant 0 : i32
          %dma_start3A_295 = arith.constant 0 : i32
          %dma_start3A_296 = tpu.memref_slice %run_scoped3A[%rem3A_283, %dma_start3A_294, %dma_start3A_295] : memref<2x128x256xf32, #tpu.memory_space<vmem>> -> memref<1x128x256xf32, #tpu.memory_space<vmem>>
          %dma_start3A_297 = tpu.memref_squeeze %dma_start3A_296 : memref<1x128x256xf32, #tpu.memory_space<vmem>> -> memref<128x256xf32, #tpu.memory_space<vmem>>
          %dma_start3A_298 = arith.constant 0 : i32
          %dma_start3A_299 = tpu.memref_slice %arg2[%mul3A_285, %dma_start3A_298] : memref<8192x256xf32, #tpu.memory_space<hbm>> -> memref<128x256xf32, #tpu.memory_space<hbm>>
          tpu.enqueue_dma source(%dma_start3A_299 : memref<128x256xf32, #tpu.memory_space<hbm>>) target(%dma_start3A_297 : memref<128x256xf32, #tpu.memory_space<vmem>>) target_semaphore(%dma_start3A_293 : memref<!tpu.dma_semaphore, #tpu.memory_space<semaphore_mem>>)
          "tpu.trace_stop"() : () -> ()
        } else {
        }
        %and3A_172 = arith.constant true
        %and3A_173 = arith.andi %and3A, %and3A_172 : i1
        %add3A_174 = arith.constant 1 : i32
        %add3A_175 = arith.addi %scan3A_129, %add3A_174 : i32
        %select_n3A_176 = arith.select %and3A_173, %add3A_175, %scan3A_129 : i32
        %ne3A_177 = arith.cmpi ne, %add3A_138, %add3A_156 : i32
        %or3A_178 = arith.constant false
        %or3A_179 = arith.ori %or3A_178, %ne3A_177 : i1
        %ge3A_180 = arith.constant 1 : i32
        %ge3A_181 = arith.cmpi sge, %scan3A_128, %ge3A_180 : i32
        %not3A_182 = arith.constant true
        %not3A_183 = arith.xori %ge3A_181, %not3A_182 : i1
        %and3A_184 = arith.andi %or3A_179, %not3A_183 : i1
        %convert_element_type3A_185 = arith.extui %and3A_184 : i1 to i32
        %cond3A_186 = arith.constant 0 : i32
        %cond3A_187 = arith.cmpi ne, %convert_element_type3A_185, %cond3A_186 : i32
        scf.if %cond3A_187 {
          "tpu.trace_start"() <{level = 10 : i32, message = "ep_copy_in"}> : () -> ()
          %rem3A_282 = arith.constant 2 : i32
          %rem3A_283 = arith.remui %scan3A_131, %rem3A_282 : i32
          %mul3A_284 = arith.constant 128 : i32
          %mul3A_285 = arith.muli %mul3A_284, %add3A_156 : i32
          %dma_start3A_286 = arith.constant 0 : i32
          %dma_start3A_287 = arith.constant 0 : i32
          %dma_start3A_288 = tpu.memref_slice %run_scoped3A_8[%rem3A_283, %dma_start3A_286, %dma_start3A_287] : memref<2x1x128xi32, #tpu.memory_space<vmem>> -> memref<1x1x128xi32, #tpu.memory_space<vmem>>
          %dma_start3A_289 = tpu.memref_squeeze %dma_start3A_288 : memref<1x1x128xi32, #tpu.memory_space<vmem>> -> memref<1x128xi32, #tpu.memory_space<vmem>>
          %dma_start3A_290 = arith.constant 0 : i32
          %dma_start3A_291 = tpu.memref_slice %arg3[%dma_start3A_290, %mul3A_285] : memref<1x8192xi32, #tpu.memory_space<hbm>> -> memref<1x128xi32, #tpu.memory_space<hbm>>
          %dma_start3A_292 = tpu.memref_slice %run_scoped3A_9[%rem3A_283] : memref<2x!tpu.dma_semaphore, #tpu.memory_space<semaphore_mem>> -> memref<1x!tpu.dma_semaphore, #tpu.memory_space<semaphore_mem>>
          %dma_start3A_293 = tpu.memref_squeeze %dma_start3A_292 : memref<1x!tpu.dma_semaphore, #tpu.memory_space<semaphore_mem>> -> memref<!tpu.dma_semaphore, #tpu.memory_space<semaphore_mem>>
          %dma_start3A_294 = arith.constant 0 : i32
          %dma_start3A_295 = arith.constant 0 : i32
          %dma_start3A_296 = tpu.memref_slice %run_scoped3A_8[%rem3A_283, %dma_start3A_294, %dma_start3A_295] : memref<2x1x128xi32, #tpu.memory_space<vmem>> -> memref<1x1x128xi32, #tpu.memory_space<vmem>>
          %dma_start3A_297 = tpu.memref_squeeze %dma_start3A_296 : memref<1x1x128xi32, #tpu.memory_space<vmem>> -> memref<1x128xi32, #tpu.memory_space<vmem>>
          %dma_start3A_298 = arith.constant 0 : i32
          %dma_start3A_299 = tpu.memref_slice %arg3[%dma_start3A_298, %mul3A_285] : memref<1x8192xi32, #tpu.memory_space<hbm>> -> memref<1x128xi32, #tpu.memory_space<hbm>>
          tpu.enqueue_dma source(%dma_start3A_299 : memref<1x128xi32, #tpu.memory_space<hbm>>) target(%dma_start3A_297 : memref<1x128xi32, #tpu.memory_space<vmem>>) target_semaphore(%dma_start3A_293 : memref<!tpu.dma_semaphore, #tpu.memory_space<semaphore_mem>>)
          "tpu.trace_stop"() : () -> ()
        } else {
        }
        %and3A_188 = arith.constant true
        %and3A_189 = arith.andi %and3A_184, %and3A_188 : i1
        %add3A_190 = arith.constant 1 : i32
        %add3A_191 = arith.addi %scan3A_131, %add3A_190 : i32
        %select_n3A_192 = arith.select %and3A_189, %add3A_191, %scan3A_131 : i32
        %ne3A_193 = arith.cmpi ne, %add3A_138, %add3A_147 : i32
        %or3A_194 = arith.constant false
        %or3A_195 = arith.ori %or3A_194, %ne3A_193 : i1
        %or3A_196 = arith.constant false
        %or3A_197 = arith.ori %or3A_195, %or3A_196 : i1
        %or3A_198 = arith.ori %or3A_197, %eq3A_135 : i1
        %convert_element_type3A_199 = arith.extui %or3A_198 : i1 to i32
        %cond3A_200 = arith.constant 0 : i32
        %cond3A_201 = arith.cmpi ne, %convert_element_type3A_199, %cond3A_200 : i32
        scf.if %cond3A_201 {
          "tpu.trace_start"() <{level = 10 : i32, message = "ep_wait_in"}> : () -> ()
          %mul3A_282 = arith.constant 128 : i32
          %mul3A_283 = arith.muli %mul3A_282, %add3A_138 : i32
          %rem3A_284 = arith.constant 2 : i32
          %rem3A_285 = arith.remui %scan3A_130, %rem3A_284 : i32
          %dma_wait3A = arith.constant 0 : i32
          %dma_wait3A_286 = arith.constant 0 : i32
          %dma_wait3A_287 = tpu.memref_slice %run_scoped3A[%rem3A_285, %dma_wait3A, %dma_wait3A_286] : memref<2x128x256xf32, #tpu.memory_space<vmem>> -> memref<1x128x256xf32, #tpu.memory_space<vmem>>
          %dma_wait3A_288 = tpu.memref_squeeze %dma_wait3A_287 : memref<1x128x256xf32, #tpu.memory_space<vmem>> -> memref<128x256xf32, #tpu.memory_space<vmem>>
          %dma_wait3A_289 = arith.constant 0 : i32
          %dma_wait3A_290 = tpu.memref_slice %arg2[%mul3A_283, %dma_wait3A_289] : memref<8192x256xf32, #tpu.memory_space<hbm>> -> memref<128x256xf32, #tpu.memory_space<hbm>>
          %dma_wait3A_291 = tpu.memref_slice %run_scoped3A_7[%rem3A_285] : memref<2x!tpu.dma_semaphore, #tpu.memory_space<semaphore_mem>> -> memref<1x!tpu.dma_semaphore, #tpu.memory_space<semaphore_mem>>
          %dma_wait3A_292 = tpu.memref_squeeze %dma_wait3A_291 : memref<1x!tpu.dma_semaphore, #tpu.memory_space<semaphore_mem>> -> memref<!tpu.dma_semaphore, #tpu.memory_space<semaphore_mem>>
          %dma_wait3A_293 = arith.constant 0 : i32
          %dma_wait3A_294 = arith.constant 0 : i32
          %dma_wait3A_295 = tpu.memref_slice %run_scoped3A[%rem3A_285, %dma_wait3A_293, %dma_wait3A_294] : memref<2x128x256xf32, #tpu.memory_space<vmem>> -> memref<1x128x256xf32, #tpu.memory_space<vmem>>
          %dma_wait3A_296 = tpu.memref_squeeze %dma_wait3A_295 : memref<1x128x256xf32, #tpu.memory_space<vmem>> -> memref<128x256xf32, #tpu.memory_space<vmem>>
          %dma_wait3A_297 = arith.constant 0 : i32
          %dma_wait3A_298 = tpu.memref_slice %arg2[%mul3A_283, %dma_wait3A_297] : memref<8192x256xf32, #tpu.memory_space<hbm>> -> memref<128x256xf32, #tpu.memory_space<hbm>>
          tpu.wait_dma2 semaphore(%dma_wait3A_292 : memref<!tpu.dma_semaphore, #tpu.memory_space<semaphore_mem>>) src(%dma_wait3A_298 : memref<128x256xf32, #tpu.memory_space<hbm>>) dst(%dma_wait3A_296 : memref<128x256xf32, #tpu.memory_space<vmem>>)
          "tpu.trace_stop"() : () -> ()
        } else {
        }
        %ne3A_202 = arith.cmpi ne, %add3A_138, %add3A_147 : i32
        %or3A_203 = arith.constant false
        %or3A_204 = arith.ori %or3A_203, %ne3A_202 : i1
        %or3A_205 = arith.ori %or3A_204, %eq3A_135 : i1
        %convert_element_type3A_206 = arith.extui %or3A_205 : i1 to i32
        %cond3A_207 = arith.constant 0 : i32
        %cond3A_208 = arith.cmpi ne, %convert_element_type3A_206, %cond3A_207 : i32
        scf.if %cond3A_208 {
          "tpu.trace_start"() <{level = 10 : i32, message = "ep_wait_in"}> : () -> ()
          %mul3A_282 = arith.constant 128 : i32
          %mul3A_283 = arith.muli %mul3A_282, %add3A_138 : i32
          %rem3A_284 = arith.constant 2 : i32
          %rem3A_285 = arith.remui %scan3A_132, %rem3A_284 : i32
          %dma_wait3A = arith.constant 0 : i32
          %dma_wait3A_286 = arith.constant 0 : i32
          %dma_wait3A_287 = tpu.memref_slice %run_scoped3A_8[%rem3A_285, %dma_wait3A, %dma_wait3A_286] : memref<2x1x128xi32, #tpu.memory_space<vmem>> -> memref<1x1x128xi32, #tpu.memory_space<vmem>>
          %dma_wait3A_288 = tpu.memref_squeeze %dma_wait3A_287 : memref<1x1x128xi32, #tpu.memory_space<vmem>> -> memref<1x128xi32, #tpu.memory_space<vmem>>
          %dma_wait3A_289 = arith.constant 0 : i32
          %dma_wait3A_290 = tpu.memref_slice %arg3[%dma_wait3A_289, %mul3A_283] : memref<1x8192xi32, #tpu.memory_space<hbm>> -> memref<1x128xi32, #tpu.memory_space<hbm>>
          %dma_wait3A_291 = tpu.memref_slice %run_scoped3A_9[%rem3A_285] : memref<2x!tpu.dma_semaphore, #tpu.memory_space<semaphore_mem>> -> memref<1x!tpu.dma_semaphore, #tpu.memory_space<semaphore_mem>>
          %dma_wait3A_292 = tpu.memref_squeeze %dma_wait3A_291 : memref<1x!tpu.dma_semaphore, #tpu.memory_space<semaphore_mem>> -> memref<!tpu.dma_semaphore, #tpu.memory_space<semaphore_mem>>
          %dma_wait3A_293 = arith.constant 0 : i32
          %dma_wait3A_294 = arith.constant 0 : i32
          %dma_wait3A_295 = tpu.memref_slice %run_scoped3A_8[%rem3A_285, %dma_wait3A_293, %dma_wait3A_294] : memref<2x1x128xi32, #tpu.memory_space<vmem>> -> memref<1x1x128xi32, #tpu.memory_space<vmem>>
          %dma_wait3A_296 = tpu.memref_squeeze %dma_wait3A_295 : memref<1x1x128xi32, #tpu.memory_space<vmem>> -> memref<1x128xi32, #tpu.memory_space<vmem>>
          %dma_wait3A_297 = arith.constant 0 : i32
          %dma_wait3A_298 = tpu.memref_slice %arg3[%dma_wait3A_297, %mul3A_283] : memref<1x8192xi32, #tpu.memory_space<hbm>> -> memref<1x128xi32, #tpu.memory_space<hbm>>
          tpu.wait_dma2 semaphore(%dma_wait3A_292 : memref<!tpu.dma_semaphore, #tpu.memory_space<semaphore_mem>>) src(%dma_wait3A_298 : memref<1x128xi32, #tpu.memory_space<hbm>>) dst(%dma_wait3A_296 : memref<1x128xi32, #tpu.memory_space<vmem>>)
          "tpu.trace_stop"() : () -> ()
        } else {
        }
        %rem3A_209 = arith.constant 2 : i32
        %rem3A_210 = arith.remui %scan3A_130, %rem3A_209 : i32
        %rem3A_211 = arith.constant 2 : i32
        %rem3A_212 = arith.remui %scan3A_132, %rem3A_211 : i32
        %run_scoped3A_213 = arith.constant 0 : i32
        "tpu.trace_start"() <{level = 10 : i32, message = "ep_run_kernel"}> : () -> ()
        "tpu.region"() ({
          %run_scoped3A_282 = tpu.sem_alloc : memref<!tpu.dma_semaphore, #tpu.memory_space<semaphore_mem>>
          %dma_start3A_283 = arith.constant 0 : i32
          %dma_start3A_284 = arith.constant 0 : i32
          %dma_start3A_285 = tpu.memref_slice %run_scoped3A[%rem3A_210, %dma_start3A_283, %dma_start3A_284] : memref<2x128x256xf32, #tpu.memory_space<vmem>> -> memref<1x128x256xf32, #tpu.memory_space<vmem>>
          %dma_start3A_286 = tpu.memref_squeeze %dma_start3A_285 : memref<1x128x256xf32, #tpu.memory_space<vmem>> -> memref<128x256xf32, #tpu.memory_space<vmem>>
          %dma_start3A_287 = arith.constant 0 : i32
          %dma_start3A_288 = arith.constant 0 : i32
          %dma_start3A_289 = tpu.memref_slice %run_scoped3A_8[%rem3A_212, %dma_start3A_287, %dma_start3A_288] : memref<2x1x128xi32, #tpu.memory_space<vmem>> -> memref<1x1x128xi32, #tpu.memory_space<vmem>>
          %dma_start3A_290 = tpu.memref_squeeze %dma_start3A_289 : memref<1x1x128xi32, #tpu.memory_space<vmem>> -> memref<1x128xi32, #tpu.memory_space<vmem>>
          %dma_start3A_291 = arith.constant 0 : i32
          %dma_start3A_292 = tpu.memref_slice %dma_start3A_290[%run_scoped3A_213, %dma_start3A_291] : memref<1x128xi32, #tpu.memory_space<vmem>> -> memref<1x128xi32, #tpu.memory_space<vmem>>
          %dma_start3A_293 = tpu.memref_squeeze %dma_start3A_292 : memref<1x128xi32, #tpu.memory_space<vmem>> -> memref<128xi32, #tpu.memory_space<vmem>>
          %dma_start3A_294 = arith.constant 0 : i32
          %dma_start3A_295 = arith.constant 0 : i32
          %dma_start3A_296 = tpu.memref_slice %arg4[%dma_start3A_294, %dma_start3A_295] : memref<9216x256xf32, #tpu.memory_space<hbm>> -> memref<9216x256xf32, #tpu.memory_space<hbm>>
          tpu.enqueue_indirect_dma source(%dma_start3A_286 : memref<128x256xf32, #tpu.memory_space<vmem>>) target(%dma_start3A_296 : memref<9216x256xf32, #tpu.memory_space<hbm>>) offsets(%dma_start3A_293 : memref<128xi32, #tpu.memory_space<vmem>>) semaphore(%run_scoped3A_282 : memref<!tpu.dma_semaphore, #tpu.memory_space<semaphore_mem>>)
          %dma_wait3A = arith.constant 0 : i32
          %dma_wait3A_297 = arith.constant 0 : i32
          %dma_wait3A_298 = tpu.memref_slice %run_scoped3A[%rem3A_210, %dma_wait3A, %dma_wait3A_297] : memref<2x128x256xf32, #tpu.memory_space<vmem>> -> memref<1x128x256xf32, #tpu.memory_space<vmem>>
          %dma_wait3A_299 = tpu.memref_squeeze %dma_wait3A_298 : memref<1x128x256xf32, #tpu.memory_space<vmem>> -> memref<128x256xf32, #tpu.memory_space<vmem>>
          %dma_wait3A_300 = arith.constant 0 : i32
          %dma_wait3A_301 = arith.constant 0 : i32
          %dma_wait3A_302 = tpu.memref_slice %run_scoped3A_8[%rem3A_212, %dma_wait3A_300, %dma_wait3A_301] : memref<2x1x128xi32, #tpu.memory_space<vmem>> -> memref<1x1x128xi32, #tpu.memory_space<vmem>>
          %dma_wait3A_303 = tpu.memref_squeeze %dma_wait3A_302 : memref<1x1x128xi32, #tpu.memory_space<vmem>> -> memref<1x128xi32, #tpu.memory_space<vmem>>
          %dma_wait3A_304 = arith.constant 0 : i32
          %dma_wait3A_305 = tpu.memref_slice %dma_wait3A_303[%run_scoped3A_213, %dma_wait3A_304] : memref<1x128xi32, #tpu.memory_space<vmem>> -> memref<1x128xi32, #tpu.memory_space<vmem>>
          %dma_wait3A_306 = tpu.memref_squeeze %dma_wait3A_305 : memref<1x128xi32, #tpu.memory_space<vmem>> -> memref<128xi32, #tpu.memory_space<vmem>>
          %dma_wait3A_307 = arith.constant 0 : i32
          %dma_wait3A_308 = arith.constant 0 : i32
          %dma_wait3A_309 = tpu.memref_slice %arg4[%dma_wait3A_307, %dma_wait3A_308] : memref<9216x256xf32, #tpu.memory_space<hbm>> -> memref<9216x256xf32, #tpu.memory_space<hbm>>
          tpu.wait_indirect_dma semaphore(%run_scoped3A_282 : memref<!tpu.dma_semaphore, #tpu.memory_space<semaphore_mem>>) src(%dma_wait3A_299 : memref<128x256xf32, #tpu.memory_space<vmem>>) dst(%dma_wait3A_309 : memref<9216x256xf32, #tpu.memory_space<hbm>>)
          tpu.yield
        }) : () -> ()
        "tpu.trace_stop"() : () -> ()
        %ne3A_214 = arith.cmpi ne, %add3A_138, %add3A_156 : i32
        %or3A_215 = arith.constant false
        %or3A_216 = arith.ori %or3A_215, %ne3A_214 : i1
        %or3A_217 = arith.constant false
        %or3A_218 = arith.ori %or3A_216, %or3A_217 : i1
        %or3A_219 = arith.ori %or3A_218, %eq3A_137 : i1
        %convert_element_type3A_220 = arith.extui %or3A_219 : i1 to i32
        %cond3A_221 = arith.constant 0 : i32
        %cond3A_222 = arith.cmpi ne, %convert_element_type3A_220, %cond3A_221 : i32
        scf.if %cond3A_222 {
        } else {
        }
        %and3A_223 = arith.constant false
        %and3A_224 = arith.andi %or3A_219, %and3A_223 : i1
        %ne3A_225 = arith.cmpi ne, %add3A_138, %add3A_156 : i32
        %or3A_226 = arith.constant false
        %or3A_227 = arith.ori %or3A_226, %ne3A_225 : i1
        %or3A_228 = arith.ori %or3A_227, %eq3A_137 : i1
        %convert_element_type3A_229 = arith.extui %or3A_228 : i1 to i32
        %cond3A_230 = arith.constant 0 : i32
        %cond3A_231 = arith.cmpi ne, %convert_element_type3A_229, %cond3A_230 : i32
        scf.if %cond3A_231 {
        } else {
        }
        %and3A_232 = arith.constant false
        %and3A_233 = arith.andi %or3A_228, %and3A_232 : i1
        %ne3A_234 = arith.cmpi ne, %add3A_138, %add3A_147 : i32
        %or3A_235 = arith.constant false
        %or3A_236 = arith.ori %or3A_235, %ne3A_234 : i1
        %or3A_237 = arith.constant false
        %or3A_238 = arith.ori %or3A_236, %or3A_237 : i1
        %not3A_239 = arith.constant true
        %not3A_240 = arith.xori %eq3A_135, %not3A_239 : i1
        %and3A_241 = arith.andi %or3A_238, %not3A_240 : i1
        %convert_element_type3A_242 = arith.extui %and3A_241 : i1 to i32
        %cond3A_243 = arith.constant 0 : i32
        %cond3A_244 = arith.cmpi ne, %convert_element_type3A_242, %cond3A_243 : i32
        scf.if %cond3A_244 {
        } else {
        }
        %and3A_245 = arith.constant false
        %and3A_246 = arith.andi %and3A_241, %and3A_245 : i1
        %ne3A_247 = arith.cmpi ne, %add3A_138, %add3A_147 : i32
        %or3A_248 = arith.constant false
        %or3A_249 = arith.ori %or3A_248, %ne3A_247 : i1
        %not3A_250 = arith.constant true
        %not3A_251 = arith.xori %eq3A_135, %not3A_250 : i1
        %and3A_252 = arith.andi %or3A_249, %not3A_251 : i1
        %convert_element_type3A_253 = arith.extui %and3A_252 : i1 to i32
        %cond3A_254 = arith.constant 0 : i32
        %cond3A_255 = arith.cmpi ne, %convert_element_type3A_253, %cond3A_254 : i32
        scf.if %cond3A_255 {
        } else {
        }
        %and3A_256 = arith.constant false
        %and3A_257 = arith.andi %and3A_252, %and3A_256 : i1
        %ne3A_258 = arith.cmpi ne, %add3A_138, %add3A_156 : i32
        %or3A_259 = arith.constant false
        %or3A_260 = arith.ori %or3A_259, %ne3A_258 : i1
        %or3A_261 = arith.constant false
        %or3A_262 = arith.ori %or3A_260, %or3A_261 : i1
        %or3A_263 = arith.ori %or3A_262, %eq3A_137 : i1
        %add3A_264 = arith.constant 1 : i32
        %add3A_265 = arith.addi %scan3A_130, %add3A_264 : i32
        %select_n3A_266 = arith.select %or3A_263, %add3A_265, %scan3A_130 : i32
        %ne3A_267 = arith.cmpi ne, %add3A_138, %add3A_156 : i32
        %or3A_268 = arith.constant false
        %or3A_269 = arith.ori %or3A_268, %ne3A_267 : i1
        %or3A_270 = arith.ori %or3A_269, %eq3A_137 : i1
        %add3A_271 = arith.constant 1 : i32
        %add3A_272 = arith.addi %scan3A_132, %add3A_271 : i32
        %select_n3A_273 = arith.select %or3A_270, %add3A_272, %scan3A_132 : i32
        %add3A_274 = arith.constant 1 : i32
        %add3A_275 = arith.addi %scan3A_133, %add3A_274 : i32
        %select_n3A_276 = arith.constant true
        %select_n3A_277 = arith.select %select_n3A_276, %add3A_275, %scan3A_133 : i32
        %eq3A_278 = arith.constant 2 : i32
        %eq3A_279 = arith.cmpi eq, %select_n3A_277, %eq3A_278 : i32
        %select_n3A_280 = arith.constant 0 : i32
        %select_n3A_281 = arith.select %eq3A_279, %select_n3A_280, %select_n3A_277 : i32
        scf.yield %select_n3A_176, %select_n3A_266, %select_n3A_192, %select_n3A_273, %select_n3A_281 : i32, i32, i32, i32, i32
      }
      %scan3A_92 = arith.constant 2 : i32
      %sub3A = arith.constant 1 : i32
      %sub3A_93 = arith.subi %scan3A_91#4, %sub3A : i32
      %select_n3A_94 = arith.constant true
      %select_n3A_95 = arith.select %select_n3A_94, %sub3A_93, %scan3A_91#4 : i32
      %eq3A_96 = arith.constant -1 : i32
      %eq3A_97 = arith.cmpi eq, %select_n3A_95, %eq3A_96 : i32
      %select_n3A_98 = arith.constant 1 : i32
      %select_n3A_99 = arith.select %eq3A_97, %select_n3A_98, %select_n3A_95 : i32
      %add3A_100 = arith.addi %select_n3A_99, %mul3A_6 : i32
      %sub3A_101 = arith.constant 1 : i32
      %sub3A_102 = arith.subi %select_n3A_99, %sub3A_101 : i32
      %select_n3A_103 = arith.constant true
      %select_n3A_104 = arith.select %select_n3A_103, %sub3A_102, %select_n3A_99 : i32
      %eq3A_105 = arith.constant -1 : i32
      %eq3A_106 = arith.cmpi eq, %select_n3A_104, %eq3A_105 : i32
      %select_n3A_107 = arith.constant 1 : i32
      %select_n3A_108 = arith.select %eq3A_106, %select_n3A_107, %select_n3A_104 : i32
      %add3A_109 = arith.addi %select_n3A_108, %mul3A_6 : i32
      %add3A_110 = arith.constant 1 : i32
      %add3A_111 = arith.addi %select_n3A_99, %add3A_110 : i32
      %select_n3A_112 = arith.constant true
      %select_n3A_113 = arith.select %select_n3A_112, %add3A_111, %select_n3A_99 : i32
      %eq3A_114 = arith.constant 2 : i32
      %eq3A_115 = arith.cmpi eq, %select_n3A_113, %eq3A_114 : i32
      %select_n3A_116 = arith.constant 0 : i32
      %select_n3A_117 = arith.select %eq3A_115, %select_n3A_116, %select_n3A_113 : i32
      %add3A_118 = arith.addi %select_n3A_117, %mul3A_6 : i32
      %add3A_119 = arith.constant 1 : i32
      %add3A_120 = arith.addi %select_n3A_117, %add3A_119 : i32
      %select_n3A_121 = arith.constant true
      %select_n3A_122 = arith.select %select_n3A_121, %add3A_120, %select_n3A_117 : i32
      %eq3A_123 = arith.constant 2 : i32
      %eq3A_124 = arith.cmpi eq, %select_n3A_122, %eq3A_123 : i32
      %select_n3A_125 = arith.constant 0 : i32
      %select_n3A_126 = arith.select %eq3A_124, %select_n3A_125, %select_n3A_122 : i32
      %add3A_127 = arith.addi %select_n3A_126, %mul3A_6 : i32
      tpu.yield
    }) : () -> ()
    return
  }
}

#map = affine_map<(d0, d1) -> (0, 0)>
module attributes {stable_mosaic.version = 14 : i64} {
  func.func @k(%arg0: i32, %arg1: i32, %arg2: memref<2048x128xf32, #tpu.memory_space<hbm>>, %arg3: memref<1x2048xi32, #tpu.memory_space<hbm>>, %arg4: memref<2304x128xf32, #tpu.memory_space<hbm>>) attributes {dimension_semantics = [#tpu.dimension_semantics<core_parallel>, #tpu.dimension_semantics<subcore_parallel>], iteration_bounds = array<i64: 2, 16>, scalar_prefetch = 0 : i64, scratch_operands = 0 : i64, tpu.core_type = #tpu.core_type<sc_vector_subcore>, window_params = [{transform_indices = #map}, {transform_indices = #map}, {transform_indices = #map}]} {
    %mul3A = arith.constant 1 : i32
    %mul3A_0 = arith.muli %arg1, %mul3A : i32
    %add3A = arith.constant 0 : i32
    %add3A_1 = arith.addi %add3A, %mul3A_0 : i32
    %mul3A_2 = arith.constant 16 : i32
    %mul3A_3 = arith.muli %arg0, %mul3A_2 : i32
    %add3A_4 = arith.addi %add3A_1, %mul3A_3 : i32
    %lt3A = arith.constant 16 : i32
    %lt3A_5 = arith.cmpi slt, %add3A_4, %lt3A : i32
    %jit3A = arith.constant 1 : i32
    %jit3A_6 = arith.constant 0 : i32
    %select_n3A = arith.select %lt3A_5, %jit3A, %jit3A_6 : i32
    %lt3A_7 = arith.constant 16 : i32
    %lt3A_8 = arith.cmpi slt, %add3A_4, %lt3A_7 : i32
    %mul3A_9 = arith.muli %add3A_4, %select_n3A : i32
    %mul3A_10 = arith.constant 0 : i32
    %mul3A_11 = arith.muli %add3A_4, %mul3A_10 : i32
    %add3A_12 = arith.constant 16 : i32
    %add3A_13 = arith.addi %mul3A_11, %add3A_12 : i32
    %select_n3A_14 = arith.select %lt3A_8, %mul3A_9, %add3A_13 : i32
    %mul3A_15 = arith.constant 1 : i32
    %mul3A_16 = arith.muli %mul3A_15, %select_n3A : i32
    "tpu.region"() ({
      %run_scoped3A = memref.alloca() : memref<2x128x128xf32, #tpu.memory_space<vmem>>
      %run_scoped3A_17 = tpu.sem_alloc : memref<2x!tpu.dma_semaphore, #tpu.memory_space<semaphore_mem>>
      %run_scoped3A_18 = memref.alloca() : memref<2x1x128xi32, #tpu.memory_space<vmem>>
      %run_scoped3A_19 = tpu.sem_alloc : memref<2x!tpu.dma_semaphore, #tpu.memory_space<semaphore_mem>>
      %gt3A = arith.constant 0 : i32
      %gt3A_20 = arith.cmpi sgt, %mul3A_16, %gt3A : i32
      %convert_element_type3A = arith.extui %gt3A_20 : i1 to i32
      %cond3A = arith.constant 0 : i32
      %cond3A_21 = arith.cmpi ne, %convert_element_type3A, %cond3A : i32
      scf.if %cond3A_21 {
        %mul3A_22 = arith.constant 1 : i32
        %mul3A_23 = arith.muli %mul3A_22, %select_n3A : i32
        %sub3A = arith.constant 1 : i32
        %sub3A_24 = arith.subi %mul3A_23, %sub3A : i32
        %eq3A = arith.constant 0 : i32
        %eq3A_25 = arith.cmpi eq, %sub3A_24, %eq3A : i32
        %add3A_26 = arith.constant 0 : i32
        %add3A_27 = arith.addi %add3A_26, %select_n3A_14 : i32
        %select_n3A_28 = arith.constant true
        %select_n3A_29 = arith.constant 0 : i32
        %select_n3A_30 = arith.constant -1 : i32
        %select_n3A_31 = arith.select %select_n3A_28, %select_n3A_30, %select_n3A_29 : i32
        %eq3A_32 = arith.constant -1 : i32
        %eq3A_33 = arith.cmpi eq, %select_n3A_31, %eq3A_32 : i32
        %sub3A_34 = arith.constant 1 : i32
        %sub3A_35 = arith.subi %select_n3A, %sub3A_34 : i32
        %select_n3A_36 = arith.select %eq3A_33, %sub3A_35, %select_n3A_31 : i32
        %add3A_37 = arith.addi %select_n3A_36, %select_n3A_14 : i32
        %select_n3A_38 = arith.constant true
        %select_n3A_39 = arith.constant 0 : i32
        %select_n3A_40 = arith.constant 1 : i32
        %select_n3A_41 = arith.select %select_n3A_38, %select_n3A_40, %select_n3A_39 : i32
        %eq3A_42 = arith.cmpi eq, %select_n3A_41, %select_n3A : i32
        %select_n3A_43 = arith.constant 0 : i32
        %select_n3A_44 = arith.select %eq3A_42, %select_n3A_43, %select_n3A_41 : i32
        %add3A_45 = arith.addi %select_n3A_44, %select_n3A_14 : i32
        %add3A_46 = arith.constant 1 : i32
        %add3A_47 = arith.addi %select_n3A_44, %add3A_46 : i32
        %select_n3A_48 = arith.constant true
        %select_n3A_49 = arith.select %select_n3A_48, %add3A_47, %select_n3A_44 : i32
        %eq3A_50 = arith.cmpi eq, %select_n3A_49, %select_n3A : i32
        %select_n3A_51 = arith.constant 0 : i32
        %select_n3A_52 = arith.select %eq3A_50, %select_n3A_51, %select_n3A_49 : i32
        %add3A_53 = arith.addi %select_n3A_52, %select_n3A_14 : i32
        "tpu.trace_start"() <{level = 10 : i32, message = "ep_initialize_0"}> : () -> ()
        %rem3A = arith.constant 0 : i32
        %rem3A_54 = arith.constant 2 : i32
        %rem3A_55 = arith.remui %rem3A, %rem3A_54 : i32
        %mul3A_56 = arith.constant 128 : i32
        %mul3A_57 = arith.muli %mul3A_56, %add3A_27 : i32
        %dma_start3A = arith.constant 0 : i32
        %dma_start3A_58 = arith.constant 0 : i32
        %dma_start3A_59 = tpu.memref_slice %run_scoped3A[%rem3A_55, %dma_start3A, %dma_start3A_58] : memref<2x128x128xf32, #tpu.memory_space<vmem>> -> memref<1x128x128xf32, #tpu.memory_space<vmem>>
        %dma_start3A_60 = tpu.memref_squeeze %dma_start3A_59 : memref<1x128x128xf32, #tpu.memory_space<vmem>> -> memref<128x128xf32, #tpu.memory_space<vmem>>
        %dma_start3A_61 = arith.constant 0 : i32
        %dma_start3A_62 = tpu.memref_slice %arg2[%mul3A_57, %dma_start3A_61] : memref<2048x128xf32, #tpu.memory_space<hbm>> -> memref<128x128xf32, #tpu.memory_space<hbm>>
        %dma_start3A_63 = tpu.memref_slice %run_scoped3A_17[%rem3A_55] : memref<2x!tpu.dma_semaphore, #tpu.memory_space<semaphore_mem>> -> memref<1x!tpu.dma_semaphore, #tpu.memory_space<semaphore_mem>>
        %dma_start3A_64 = tpu.memref_squeeze %dma_start3A_63 : memref<1x!tpu.dma_semaphore, #tpu.memory_space<semaphore_mem>> -> memref<!tpu.dma_semaphore, #tpu.memory_space<semaphore_mem>>
        %dma_start3A_65 = arith.constant 0 : i32
        %dma_start3A_66 = arith.constant 0 : i32
        %dma_start3A_67 = tpu.memref_slice %run_scoped3A[%rem3A_55, %dma_start3A_65, %dma_start3A_66] : memref<2x128x128xf32, #tpu.memory_space<vmem>> -> memref<1x128x128xf32, #tpu.memory_space<vmem>>
        %dma_start3A_68 = tpu.memref_squeeze %dma_start3A_67 : memref<1x128x128xf32, #tpu.memory_space<vmem>> -> memref<128x128xf32, #tpu.memory_space<vmem>>
        %dma_start3A_69 = arith.constant 0 : i32
        %dma_start3A_70 = tpu.memref_slice %arg2[%mul3A_57, %dma_start3A_69] : memref<2048x128xf32, #tpu.memory_space<hbm>> -> memref<128x128xf32, #tpu.memory_space<hbm>>
        tpu.enqueue_dma source(%dma_start3A_70 : memref<128x128xf32, #tpu.memory_space<hbm>>) target(%dma_start3A_68 : memref<128x128xf32, #tpu.memory_space<vmem>>) target_semaphore(%dma_start3A_64 : memref<!tpu.dma_semaphore, #tpu.memory_space<semaphore_mem>>)
        %add3A_71 = arith.constant 0 : i32
        %add3A_72 = arith.constant 1 : i32
        %add3A_73 = arith.addi %add3A_71, %add3A_72 : i32
        %select_n3A_74 = arith.constant true
        %select_n3A_75 = arith.constant 0 : i32
        %select_n3A_76 = arith.select %select_n3A_74, %add3A_73, %select_n3A_75 : i32
        %rem3A_77 = arith.constant 0 : i32
        %rem3A_78 = arith.constant 2 : i32
        %rem3A_79 = arith.remui %rem3A_77, %rem3A_78 : i32
        %mul3A_80 = arith.constant 128 : i32
        %mul3A_81 = arith.muli %mul3A_80, %add3A_27 : i32
        %dma_start3A_82 = arith.constant 0 : i32
        %dma_start3A_83 = arith.constant 0 : i32
        %dma_start3A_84 = tpu.memref_slice %run_scoped3A_18[%rem3A_79, %dma_start3A_82, %dma_start3A_83] : memref<2x1x128xi32, #tpu.memory_space<vmem>> -> memref<1x1x128xi32, #tpu.memory_space<vmem>>
        %dma_start3A_85 = tpu.memref_squeeze %dma_start3A_84 : memref<1x1x128xi32, #tpu.memory_space<vmem>> -> memref<1x128xi32, #tpu.memory_space<vmem>>
        %dma_start3A_86 = arith.constant 0 : i32
        %dma_start3A_87 = tpu.memref_slice %arg3[%dma_start3A_86, %mul3A_81] : memref<1x2048xi32, #tpu.memory_space<hbm>> -> memref<1x128xi32, #tpu.memory_space<hbm>>
        %dma_start3A_88 = tpu.memref_slice %run_scoped3A_19[%rem3A_79] : memref<2x!tpu.dma_semaphore, #tpu.memory_space<semaphore_mem>> -> memref<1x!tpu.dma_semaphore, #tpu.memory_space<semaphore_mem>>
        %dma_start3A_89 = tpu.memref_squeeze %dma_start3A_88 : memref<1x!tpu.dma_semaphore, #tpu.memory_space<semaphore_mem>> -> memref<!tpu.dma_semaphore, #tpu.memory_space<semaphore_mem>>
        %dma_start3A_90 = arith.constant 0 : i32
        %dma_start3A_91 = arith.constant 0 : i32
        %dma_start3A_92 = tpu.memref_slice %run_scoped3A_18[%rem3A_79, %dma_start3A_90, %dma_start3A_91] : memref<2x1x128xi32, #tpu.memory_space<vmem>> -> memref<1x1x128xi32, #tpu.memory_space<vmem>>
        %dma_start3A_93 = tpu.memref_squeeze %dma_start3A_92 : memref<1x1x128xi32, #tpu.memory_space<vmem>> -> memref<1x128xi32, #tpu.memory_space<vmem>>
        %dma_start3A_94 = arith.constant 0 : i32
        %dma_start3A_95 = tpu.memref_slice %arg3[%dma_start3A_94, %mul3A_81] : memref<1x2048xi32, #tpu.memory_space<hbm>> -> memref<1x128xi32, #tpu.memory_space<hbm>>
        tpu.enqueue_dma source(%dma_start3A_95 : memref<1x128xi32, #tpu.memory_space<hbm>>) target(%dma_start3A_93 : memref<1x128xi32, #tpu.memory_space<vmem>>) target_semaphore(%dma_start3A_89 : memref<!tpu.dma_semaphore, #tpu.memory_space<semaphore_mem>>)
        %add3A_96 = arith.constant 0 : i32
        %add3A_97 = arith.constant 1 : i32
        %add3A_98 = arith.addi %add3A_96, %add3A_97 : i32
        %select_n3A_99 = arith.constant true
        %select_n3A_100 = arith.constant 0 : i32
        %select_n3A_101 = arith.select %select_n3A_99, %add3A_98, %select_n3A_100 : i32
        %while3A = arith.constant 0 : i32
        %while3A_102 = arith.constant 0 : i32
        %while3A_103 = arith.constant 0 : i32
        %while3A_104 = arith.constant 0 : i32
        "tpu.trace_stop"() : () -> ()
        %while3A_105 = arith.subi %mul3A_16, %while3A : i32
        %while3A_106 = arith.addi %while3A, %while3A_105 : i32
        %while3A_107 = arith.constant 1 : i32
        %while3A_108 = arith.divsi %while3A_105, %while3A_107 : i32
        %while3A_109 = arith.muli %while3A_108, %while3A_107 : i32
        %while3A_110 = arith.addi %while3A, %while3A_109 : i32
        %while3A_111 = arith.constant 1 : i32
        %while3A_112:5 = scf.for %while3A_166 = %while3A to %while3A_110 step %while3A_111 iter_args(%while3A_167 = %select_n3A_76, %while3A_168 = %while3A_102, %while3A_169 = %select_n3A_101, %while3A_170 = %while3A_103, %while3A_171 = %while3A_104) -> (i32, i32, i32, i32, i32)  : i32 {
          %mul3A_172 = arith.constant 1 : i32
          %mul3A_173 = arith.muli %mul3A_172, %select_n3A : i32
          %eq3A_174 = arith.constant 0 : i32
          %eq3A_175 = arith.cmpi eq, %while3A_166, %eq3A_174 : i32
          %sub3A_176 = arith.constant 1 : i32
          %sub3A_177 = arith.subi %mul3A_173, %sub3A_176 : i32
          %eq3A_178 = arith.cmpi eq, %while3A_166, %sub3A_177 : i32
          %add3A_179 = arith.addi %while3A_171, %select_n3A_14 : i32
          %sub3A_180 = arith.constant 1 : i32
          %sub3A_181 = arith.subi %while3A_171, %sub3A_180 : i32
          %select_n3A_182 = arith.constant true
          %select_n3A_183 = arith.select %select_n3A_182, %sub3A_181, %while3A_171 : i32
          %eq3A_184 = arith.constant -1 : i32
          %eq3A_185 = arith.cmpi eq, %select_n3A_183, %eq3A_184 : i32
          %sub3A_186 = arith.constant 1 : i32
          %sub3A_187 = arith.subi %select_n3A, %sub3A_186 : i32
          %select_n3A_188 = arith.select %eq3A_185, %sub3A_187, %select_n3A_183 : i32
          %add3A_189 = arith.addi %select_n3A_188, %select_n3A_14 : i32
          %add3A_190 = arith.constant 1 : i32
          %add3A_191 = arith.addi %while3A_171, %add3A_190 : i32
          %select_n3A_192 = arith.constant true
          %select_n3A_193 = arith.select %select_n3A_192, %add3A_191, %while3A_171 : i32
          %eq3A_194 = arith.cmpi eq, %select_n3A_193, %select_n3A : i32
          %select_n3A_195 = arith.constant 0 : i32
          %select_n3A_196 = arith.select %eq3A_194, %select_n3A_195, %select_n3A_193 : i32
          %add3A_197 = arith.addi %select_n3A_196, %select_n3A_14 : i32
          %add3A_198 = arith.constant 1 : i32
          %add3A_199 = arith.addi %select_n3A_196, %add3A_198 : i32
          %select_n3A_200 = arith.constant true
          %select_n3A_201 = arith.select %select_n3A_200, %add3A_199, %select_n3A_196 : i32
          %eq3A_202 = arith.cmpi eq, %select_n3A_201, %select_n3A : i32
          %select_n3A_203 = arith.constant 0 : i32
          %select_n3A_204 = arith.select %eq3A_202, %select_n3A_203, %select_n3A_201 : i32
          %add3A_205 = arith.addi %select_n3A_204, %select_n3A_14 : i32
          %ne3A = arith.cmpi ne, %add3A_179, %add3A_197 : i32
          %or3A = arith.constant false
          %or3A_206 = arith.ori %or3A, %ne3A : i1
          %or3A_207 = arith.constant false
          %or3A_208 = arith.ori %or3A_206, %or3A_207 : i1
          %sub3A_209 = arith.constant 2 : i32
          %sub3A_210 = arith.subi %mul3A_173, %sub3A_209 : i32
          %add3A_211 = arith.constant 1 : i32
          %add3A_212 = arith.addi %sub3A_210, %add3A_211 : i32
          %ge3A = arith.cmpi sge, %while3A_166, %add3A_212 : i32
          %not3A = arith.constant true
          %not3A_213 = arith.xori %ge3A, %not3A : i1
          %and3A = arith.andi %or3A_208, %not3A_213 : i1
          %convert_element_type3A_214 = arith.extui %and3A : i1 to i32
          %cond3A_215 = arith.constant 0 : i32
          %cond3A_216 = arith.cmpi ne, %convert_element_type3A_214, %cond3A_215 : i32
          scf.if %cond3A_216 {
            "tpu.trace_start"() <{level = 10 : i32, message = "ep_copy_in"}> : () -> ()
            %rem3A_329 = arith.constant 2 : i32
            %rem3A_330 = arith.remui %while3A_167, %rem3A_329 : i32
            %mul3A_331 = arith.constant 128 : i32
            %mul3A_332 = arith.muli %mul3A_331, %add3A_197 : i32
            %dma_start3A_333 = arith.constant 0 : i32
            %dma_start3A_334 = arith.constant 0 : i32
            %dma_start3A_335 = tpu.memref_slice %run_scoped3A[%rem3A_330, %dma_start3A_333, %dma_start3A_334] : memref<2x128x128xf32, #tpu.memory_space<vmem>> -> memref<1x128x128xf32, #tpu.memory_space<vmem>>
            %dma_start3A_336 = tpu.memref_squeeze %dma_start3A_335 : memref<1x128x128xf32, #tpu.memory_space<vmem>> -> memref<128x128xf32, #tpu.memory_space<vmem>>
            %dma_start3A_337 = arith.constant 0 : i32
            %dma_start3A_338 = tpu.memref_slice %arg2[%mul3A_332, %dma_start3A_337] : memref<2048x128xf32, #tpu.memory_space<hbm>> -> memref<128x128xf32, #tpu.memory_space<hbm>>
            %dma_start3A_339 = tpu.memref_slice %run_scoped3A_17[%rem3A_330] : memref<2x!tpu.dma_semaphore, #tpu.memory_space<semaphore_mem>> -> memref<1x!tpu.dma_semaphore, #tpu.memory_space<semaphore_mem>>
            %dma_start3A_340 = tpu.memref_squeeze %dma_start3A_339 : memref<1x!tpu.dma_semaphore, #tpu.memory_space<semaphore_mem>> -> memref<!tpu.dma_semaphore, #tpu.memory_space<semaphore_mem>>
            %dma_start3A_341 = arith.constant 0 : i32
            %dma_start3A_342 = arith.constant 0 : i32
            %dma_start3A_343 = tpu.memref_slice %run_scoped3A[%rem3A_330, %dma_start3A_341, %dma_start3A_342] : memref<2x128x128xf32, #tpu.memory_space<vmem>> -> memref<1x128x128xf32, #tpu.memory_space<vmem>>
            %dma_start3A_344 = tpu.memref_squeeze %dma_start3A_343 : memref<1x128x128xf32, #tpu.memory_space<vmem>> -> memref<128x128xf32, #tpu.memory_space<vmem>>
            %dma_start3A_345 = arith.constant 0 : i32
            %dma_start3A_346 = tpu.memref_slice %arg2[%mul3A_332, %dma_start3A_345] : memref<2048x128xf32, #tpu.memory_space<hbm>> -> memref<128x128xf32, #tpu.memory_space<hbm>>
            tpu.enqueue_dma source(%dma_start3A_346 : memref<128x128xf32, #tpu.memory_space<hbm>>) target(%dma_start3A_344 : memref<128x128xf32, #tpu.memory_space<vmem>>) target_semaphore(%dma_start3A_340 : memref<!tpu.dma_semaphore, #tpu.memory_space<semaphore_mem>>)
            "tpu.trace_stop"() : () -> ()
          } else {
          }
          %and3A_217 = arith.constant true
          %and3A_218 = arith.andi %and3A, %and3A_217 : i1
          %add3A_219 = arith.constant 1 : i32
          %add3A_220 = arith.addi %while3A_167, %add3A_219 : i32
          %select_n3A_221 = arith.select %and3A_218, %add3A_220, %while3A_167 : i32
          %ne3A_222 = arith.cmpi ne, %add3A_179, %add3A_197 : i32
          %or3A_223 = arith.constant false
          %or3A_224 = arith.ori %or3A_223, %ne3A_222 : i1
          %sub3A_225 = arith.constant 2 : i32
          %sub3A_226 = arith.subi %mul3A_173, %sub3A_225 : i32
          %add3A_227 = arith.constant 1 : i32
          %add3A_228 = arith.addi %sub3A_226, %add3A_227 : i32
          %ge3A_229 = arith.cmpi sge, %while3A_166, %add3A_228 : i32
          %not3A_230 = arith.constant true
          %not3A_231 = arith.xori %ge3A_229, %not3A_230 : i1
          %and3A_232 = arith.andi %or3A_224, %not3A_231 : i1
          %convert_element_type3A_233 = arith.extui %and3A_232 : i1 to i32
          %cond3A_234 = arith.constant 0 : i32
          %cond3A_235 = arith.cmpi ne, %convert_element_type3A_233, %cond3A_234 : i32
          scf.if %cond3A_235 {
            "tpu.trace_start"() <{level = 10 : i32, message = "ep_copy_in"}> : () -> ()
            %rem3A_329 = arith.constant 2 : i32
            %rem3A_330 = arith.remui %while3A_169, %rem3A_329 : i32
            %mul3A_331 = arith.constant 128 : i32
            %mul3A_332 = arith.muli %mul3A_331, %add3A_197 : i32
            %dma_start3A_333 = arith.constant 0 : i32
            %dma_start3A_334 = arith.constant 0 : i32
            %dma_start3A_335 = tpu.memref_slice %run_scoped3A_18[%rem3A_330, %dma_start3A_333, %dma_start3A_334] : memref<2x1x128xi32, #tpu.memory_space<vmem>> -> memref<1x1x128xi32, #tpu.memory_space<vmem>>
            %dma_start3A_336 = tpu.memref_squeeze %dma_start3A_335 : memref<1x1x128xi32, #tpu.memory_space<vmem>> -> memref<1x128xi32, #tpu.memory_space<vmem>>
            %dma_start3A_337 = arith.constant 0 : i32
            %dma_start3A_338 = tpu.memref_slice %arg3[%dma_start3A_337, %mul3A_332] : memref<1x2048xi32, #tpu.memory_space<hbm>> -> memref<1x128xi32, #tpu.memory_space<hbm>>
            %dma_start3A_339 = tpu.memref_slice %run_scoped3A_19[%rem3A_330] : memref<2x!tpu.dma_semaphore, #tpu.memory_space<semaphore_mem>> -> memref<1x!tpu.dma_semaphore, #tpu.memory_space<semaphore_mem>>
            %dma_start3A_340 = tpu.memref_squeeze %dma_start3A_339 : memref<1x!tpu.dma_semaphore, #tpu.memory_space<semaphore_mem>> -> memref<!tpu.dma_semaphore, #tpu.memory_space<semaphore_mem>>
            %dma_start3A_341 = arith.constant 0 : i32
            %dma_start3A_342 = arith.constant 0 : i32
            %dma_start3A_343 = tpu.memref_slice %run_scoped3A_18[%rem3A_330, %dma_start3A_341, %dma_start3A_342] : memref<2x1x128xi32, #tpu.memory_space<vmem>> -> memref<1x1x128xi32, #tpu.memory_space<vmem>>
            %dma_start3A_344 = tpu.memref_squeeze %dma_start3A_343 : memref<1x1x128xi32, #tpu.memory_space<vmem>> -> memref<1x128xi32, #tpu.memory_space<vmem>>
            %dma_start3A_345 = arith.constant 0 : i32
            %dma_start3A_346 = tpu.memref_slice %arg3[%dma_start3A_345, %mul3A_332] : memref<1x2048xi32, #tpu.memory_space<hbm>> -> memref<1x128xi32, #tpu.memory_space<hbm>>
            tpu.enqueue_dma source(%dma_start3A_346 : memref<1x128xi32, #tpu.memory_space<hbm>>) target(%dma_start3A_344 : memref<1x128xi32, #tpu.memory_space<vmem>>) target_semaphore(%dma_start3A_340 : memref<!tpu.dma_semaphore, #tpu.memory_space<semaphore_mem>>)
            "tpu.trace_stop"() : () -> ()
          } else {
          }
          %and3A_236 = arith.constant true
          %and3A_237 = arith.andi %and3A_232, %and3A_236 : i1
          %add3A_238 = arith.constant 1 : i32
          %add3A_239 = arith.addi %while3A_169, %add3A_238 : i32
          %select_n3A_240 = arith.select %and3A_237, %add3A_239, %while3A_169 : i32
          %ne3A_241 = arith.cmpi ne, %add3A_179, %add3A_189 : i32
          %or3A_242 = arith.constant false
          %or3A_243 = arith.ori %or3A_242, %ne3A_241 : i1
          %or3A_244 = arith.constant false
          %or3A_245 = arith.ori %or3A_243, %or3A_244 : i1
          %or3A_246 = arith.ori %or3A_245, %eq3A_175 : i1
          %convert_element_type3A_247 = arith.extui %or3A_246 : i1 to i32
          %cond3A_248 = arith.constant 0 : i32
          %cond3A_249 = arith.cmpi ne, %convert_element_type3A_247, %cond3A_248 : i32
          scf.if %cond3A_249 {
            "tpu.trace_start"() <{level = 10 : i32, message = "ep_wait_in"}> : () -> ()
            %mul3A_329 = arith.constant 128 : i32
            %mul3A_330 = arith.muli %mul3A_329, %add3A_179 : i32
            %rem3A_331 = arith.constant 2 : i32
            %rem3A_332 = arith.remui %while3A_168, %rem3A_331 : i32
            %dma_wait3A = arith.constant 0 : i32
            %dma_wait3A_333 = arith.constant 0 : i32
            %dma_wait3A_334 = tpu.memref_slice %run_scoped3A[%rem3A_332, %dma_wait3A, %dma_wait3A_333] : memref<2x128x128xf32, #tpu.memory_space<vmem>> -> memref<1x128x128xf32, #tpu.memory_space<vmem>>
            %dma_wait3A_335 = tpu.memref_squeeze %dma_wait3A_334 : memref<1x128x128xf32, #tpu.memory_space<vmem>> -> memref<128x128xf32, #tpu.memory_space<vmem>>
            %dma_wait3A_336 = arith.constant 0 : i32
            %dma_wait3A_337 = tpu.memref_slice %arg2[%mul3A_330, %dma_wait3A_336] : memref<2048x128xf32, #tpu.memory_space<hbm>> -> memref<128x128xf32, #tpu.memory_space<hbm>>
            %dma_wait3A_338 = tpu.memref_slice %run_scoped3A_17[%rem3A_332] : memref<2x!tpu.dma_semaphore, #tpu.memory_space<semaphore_mem>> -> memref<1x!tpu.dma_semaphore, #tpu.memory_space<semaphore_mem>>
            %dma_wait3A_339 = tpu.memref_squeeze %dma_wait3A_338 : memref<1x!tpu.dma_semaphore, #tpu.memory_space<semaphore_mem>> -> memref<!tpu.dma_semaphore, #tpu.memory_space<semaphore_mem>>
            %dma_wait3A_340 = arith.constant 0 : i32
            %dma_wait3A_341 = arith.constant 0 : i32
            %dma_wait3A_342 = tpu.memref_slice %run_scoped3A[%rem3A_332, %dma_wait3A_340, %dma_wait3A_341] : memref<2x128x128xf32, #tpu.memory_space<vmem>> -> memref<1x128x128xf32, #tpu.memory_space<vmem>>
            %dma_wait3A_343 = tpu.memref_squeeze %dma_wait3A_342 : memref<1x128x128xf32, #tpu.memory_space<vmem>> -> memref<128x128xf32, #tpu.memory_space<vmem>>
            %dma_wait3A_344 = arith.constant 0 : i32
            %dma_wait3A_345 = tpu.memref_slice %arg2[%mul3A_330, %dma_wait3A_344] : memref<2048x128xf32, #tpu.memory_space<hbm>> -> memref<128x128xf32, #tpu.memory_space<hbm>>
            tpu.wait_dma2 semaphore(%dma_wait3A_339 : memref<!tpu.dma_semaphore, #tpu.memory_space<semaphore_mem>>) src(%dma_wait3A_345 : memref<128x128xf32, #tpu.memory_space<hbm>>) dst(%dma_wait3A_343 : memref<128x128xf32, #tpu.memory_space<vmem>>)
            "tpu.trace_stop"() : () -> ()
          } else {
          }
          %ne3A_250 = arith.cmpi ne, %add3A_179, %add3A_189 : i32
          %or3A_251 = arith.constant false
          %or3A_252 = arith.ori %or3A_251, %ne3A_250 : i1
          %or3A_253 = arith.ori %or3A_252, %eq3A_175 : i1
          %convert_element_type3A_254 = arith.extui %or3A_253 : i1 to i32
          %cond3A_255 = arith.constant 0 : i32
          %cond3A_256 = arith.cmpi ne, %convert_element_type3A_254, %cond3A_255 : i32
          scf.if %cond3A_256 {
            "tpu.trace_start"() <{level = 10 : i32, message = "ep_wait_in"}> : () -> ()
            %mul3A_329 = arith.constant 128 : i32
            %mul3A_330 = arith.muli %mul3A_329, %add3A_179 : i32
            %rem3A_331 = arith.constant 2 : i32
            %rem3A_332 = arith.remui %while3A_170, %rem3A_331 : i32
            %dma_wait3A = arith.constant 0 : i32
            %dma_wait3A_333 = arith.constant 0 : i32
            %dma_wait3A_334 = tpu.memref_slice %run_scoped3A_18[%rem3A_332, %dma_wait3A, %dma_wait3A_333] : memref<2x1x128xi32, #tpu.memory_space<vmem>> -> memref<1x1x128xi32, #tpu.memory_space<vmem>>
            %dma_wait3A_335 = tpu.memref_squeeze %dma_wait3A_334 : memref<1x1x128xi32, #tpu.memory_space<vmem>> -> memref<1x128xi32, #tpu.memory_space<vmem>>
            %dma_wait3A_336 = arith.constant 0 : i32
            %dma_wait3A_337 = tpu.memref_slice %arg3[%dma_wait3A_336, %mul3A_330] : memref<1x2048xi32, #tpu.memory_space<hbm>> -> memref<1x128xi32, #tpu.memory_space<hbm>>
            %dma_wait3A_338 = tpu.memref_slice %run_scoped3A_19[%rem3A_332] : memref<2x!tpu.dma_semaphore, #tpu.memory_space<semaphore_mem>> -> memref<1x!tpu.dma_semaphore, #tpu.memory_space<semaphore_mem>>
            %dma_wait3A_339 = tpu.memref_squeeze %dma_wait3A_338 : memref<1x!tpu.dma_semaphore, #tpu.memory_space<semaphore_mem>> -> memref<!tpu.dma_semaphore, #tpu.memory_space<semaphore_mem>>
            %dma_wait3A_340 = arith.constant 0 : i32
            %dma_wait3A_341 = arith.constant 0 : i32
            %dma_wait3A_342 = tpu.memref_slice %run_scoped3A_18[%rem3A_332, %dma_wait3A_340, %dma_wait3A_341] : memref<2x1x128xi32, #tpu.memory_space<vmem>> -> memref<1x1x128xi32, #tpu.memory_space<vmem>>
            %dma_wait3A_343 = tpu.memref_squeeze %dma_wait3A_342 : memref<1x1x128xi32, #tpu.memory_space<vmem>> -> memref<1x128xi32, #tpu.memory_space<vmem>>
            %dma_wait3A_344 = arith.constant 0 : i32
            %dma_wait3A_345 = tpu.memref_slice %arg3[%dma_wait3A_344, %mul3A_330] : memref<1x2048xi32, #tpu.memory_space<hbm>> -> memref<1x128xi32, #tpu.memory_space<hbm>>
            tpu.wait_dma2 semaphore(%dma_wait3A_339 : memref<!tpu.dma_semaphore, #tpu.memory_space<semaphore_mem>>) src(%dma_wait3A_345 : memref<1x128xi32, #tpu.memory_space<hbm>>) dst(%dma_wait3A_343 : memref<1x128xi32, #tpu.memory_space<vmem>>)
            "tpu.trace_stop"() : () -> ()
          } else {
          }
          %rem3A_257 = arith.constant 2 : i32
          %rem3A_258 = arith.remui %while3A_168, %rem3A_257 : i32
          %rem3A_259 = arith.constant 2 : i32
          %rem3A_260 = arith.remui %while3A_170, %rem3A_259 : i32
          %run_scoped3A_261 = arith.constant 0 : i32
          "tpu.trace_start"() <{level = 10 : i32, message = "ep_run_kernel"}> : () -> ()
          "tpu.region"() ({
            %run_scoped3A_329 = tpu.sem_alloc : memref<!tpu.dma_semaphore, #tpu.memory_space<semaphore_mem>>
            %dma_start3A_330 = arith.constant 0 : i32
            %dma_start3A_331 = arith.constant 0 : i32
            %dma_start3A_332 = tpu.memref_slice %run_scoped3A[%rem3A_258, %dma_start3A_330, %dma_start3A_331] : memref<2x128x128xf32, #tpu.memory_space<vmem>> -> memref<1x128x128xf32, #tpu.memory_space<vmem>>
            %dma_start3A_333 = tpu.memref_squeeze %dma_start3A_332 : memref<1x128x128xf32, #tpu.memory_space<vmem>> -> memref<128x128xf32, #tpu.memory_space<vmem>>
            %dma_start3A_334 = arith.constant 0 : i32
            %dma_start3A_335 = arith.constant 0 : i32
            %dma_start3A_336 = tpu.memref_slice %run_scoped3A_18[%rem3A_260, %dma_start3A_334, %dma_start3A_335] : memref<2x1x128xi32, #tpu.memory_space<vmem>> -> memref<1x1x128xi32, #tpu.memory_space<vmem>>
            %dma_start3A_337 = tpu.memref_squeeze %dma_start3A_336 : memref<1x1x128xi32, #tpu.memory_space<vmem>> -> memref<1x128xi32, #tpu.memory_space<vmem>>
            %dma_start3A_338 = arith.constant 0 : i32
            %dma_start3A_339 = tpu.memref_slice %dma_start3A_337[%run_scoped3A_261, %dma_start3A_338] : memref<1x128xi32, #tpu.memory_space<vmem>> -> memref<1x128xi32, #tpu.memory_space<vmem>>
            %dma_start3A_340 = tpu.memref_squeeze %dma_start3A_339 : memref<1x128xi32, #tpu.memory_space<vmem>> -> memref<128xi32, #tpu.memory_space<vmem>>
            %dma_start3A_341 = arith.constant 0 : i32
            %dma_start3A_342 = arith.constant 0 : i32
            %dma_start3A_343 = tpu.memref_slice %arg4[%dma_start3A_341, %dma_start3A_342] : memref<2304x128xf32, #tpu.memory_space<hbm>> -> memref<2304x128xf32, #tpu.memory_space<hbm>>
            tpu.enqueue_indirect_dma source(%dma_start3A_333 : memref<128x128xf32, #tpu.memory_space<vmem>>) target(%dma_start3A_343 : memref<2304x128xf32, #tpu.memory_space<hbm>>) offsets(%dma_start3A_340 : memref<128xi32, #tpu.memory_space<vmem>>) semaphore(%run_scoped3A_329 : memref<!tpu.dma_semaphore, #tpu.memory_space<semaphore_mem>>)
            %dma_wait3A = arith.constant 0 : i32
            %dma_wait3A_344 = arith.constant 0 : i32
            %dma_wait3A_345 = tpu.memref_slice %run_scoped3A[%rem3A_258, %dma_wait3A, %dma_wait3A_344] : memref<2x128x128xf32, #tpu.memory_space<vmem>> -> memref<1x128x128xf32, #tpu.memory_space<vmem>>
            %dma_wait3A_346 = tpu.memref_squeeze %dma_wait3A_345 : memref<1x128x128xf32, #tpu.memory_space<vmem>> -> memref<128x128xf32, #tpu.memory_space<vmem>>
            %dma_wait3A_347 = arith.constant 0 : i32
            %dma_wait3A_348 = arith.constant 0 : i32
            %dma_wait3A_349 = tpu.memref_slice %run_scoped3A_18[%rem3A_260, %dma_wait3A_347, %dma_wait3A_348] : memref<2x1x128xi32, #tpu.memory_space<vmem>> -> memref<1x1x128xi32, #tpu.memory_space<vmem>>
            %dma_wait3A_350 = tpu.memref_squeeze %dma_wait3A_349 : memref<1x1x128xi32, #tpu.memory_space<vmem>> -> memref<1x128xi32, #tpu.memory_space<vmem>>
            %dma_wait3A_351 = arith.constant 0 : i32
            %dma_wait3A_352 = tpu.memref_slice %dma_wait3A_350[%run_scoped3A_261, %dma_wait3A_351] : memref<1x128xi32, #tpu.memory_space<vmem>> -> memref<1x128xi32, #tpu.memory_space<vmem>>
            %dma_wait3A_353 = tpu.memref_squeeze %dma_wait3A_352 : memref<1x128xi32, #tpu.memory_space<vmem>> -> memref<128xi32, #tpu.memory_space<vmem>>
            %dma_wait3A_354 = arith.constant 0 : i32
            %dma_wait3A_355 = arith.constant 0 : i32
            %dma_wait3A_356 = tpu.memref_slice %arg4[%dma_wait3A_354, %dma_wait3A_355] : memref<2304x128xf32, #tpu.memory_space<hbm>> -> memref<2304x128xf32, #tpu.memory_space<hbm>>
            tpu.wait_indirect_dma semaphore(%run_scoped3A_329 : memref<!tpu.dma_semaphore, #tpu.memory_space<semaphore_mem>>) src(%dma_wait3A_346 : memref<128x128xf32, #tpu.memory_space<vmem>>) dst(%dma_wait3A_356 : memref<2304x128xf32, #tpu.memory_space<hbm>>)
            tpu.yield
          }) : () -> ()
          "tpu.trace_stop"() : () -> ()
          %ne3A_262 = arith.cmpi ne, %add3A_179, %add3A_197 : i32
          %or3A_263 = arith.constant false
          %or3A_264 = arith.ori %or3A_263, %ne3A_262 : i1
          %or3A_265 = arith.constant false
          %or3A_266 = arith.ori %or3A_264, %or3A_265 : i1
          %or3A_267 = arith.ori %or3A_266, %eq3A_178 : i1
          %convert_element_type3A_268 = arith.extui %or3A_267 : i1 to i32
          %cond3A_269 = arith.constant 0 : i32
          %cond3A_270 = arith.cmpi ne, %convert_element_type3A_268, %cond3A_269 : i32
          scf.if %cond3A_270 {
          } else {
          }
          %and3A_271 = arith.constant false
          %and3A_272 = arith.andi %or3A_267, %and3A_271 : i1
          %ne3A_273 = arith.cmpi ne, %add3A_179, %add3A_197 : i32
          %or3A_274 = arith.constant false
          %or3A_275 = arith.ori %or3A_274, %ne3A_273 : i1
          %or3A_276 = arith.ori %or3A_275, %eq3A_178 : i1
          %convert_element_type3A_277 = arith.extui %or3A_276 : i1 to i32
          %cond3A_278 = arith.constant 0 : i32
          %cond3A_279 = arith.cmpi ne, %convert_element_type3A_277, %cond3A_278 : i32
          scf.if %cond3A_279 {
          } else {
          }
          %and3A_280 = arith.constant false
          %and3A_281 = arith.andi %or3A_276, %and3A_280 : i1
          %ne3A_282 = arith.cmpi ne, %add3A_179, %add3A_189 : i32
          %or3A_283 = arith.constant false
          %or3A_284 = arith.ori %or3A_283, %ne3A_282 : i1
          %or3A_285 = arith.constant false
          %or3A_286 = arith.ori %or3A_284, %or3A_285 : i1
          %not3A_287 = arith.constant true
          %not3A_288 = arith.xori %eq3A_175, %not3A_287 : i1
          %and3A_289 = arith.andi %or3A_286, %not3A_288 : i1
          %convert_element_type3A_290 = arith.extui %and3A_289 : i1 to i32
          %cond3A_291 = arith.constant 0 : i32
          %cond3A_292 = arith.cmpi ne, %convert_element_type3A_290, %cond3A_291 : i32
          scf.if %cond3A_292 {
          } else {
          }
          %and3A_293 = arith.constant false
          %and3A_294 = arith.andi %and3A_289, %and3A_293 : i1
          %ne3A_295 = arith.cmpi ne, %add3A_179, %add3A_189 : i32
          %or3A_296 = arith.constant false
          %or3A_297 = arith.ori %or3A_296, %ne3A_295 : i1
          %not3A_298 = arith.constant true
          %not3A_299 = arith.xori %eq3A_175, %not3A_298 : i1
          %and3A_300 = arith.andi %or3A_297, %not3A_299 : i1
          %convert_element_type3A_301 = arith.extui %and3A_300 : i1 to i32
          %cond3A_302 = arith.constant 0 : i32
          %cond3A_303 = arith.cmpi ne, %convert_element_type3A_301, %cond3A_302 : i32
          scf.if %cond3A_303 {
          } else {
          }
          %and3A_304 = arith.constant false
          %and3A_305 = arith.andi %and3A_300, %and3A_304 : i1
          %ne3A_306 = arith.cmpi ne, %add3A_179, %add3A_197 : i32
          %or3A_307 = arith.constant false
          %or3A_308 = arith.ori %or3A_307, %ne3A_306 : i1
          %or3A_309 = arith.constant false
          %or3A_310 = arith.ori %or3A_308, %or3A_309 : i1
          %or3A_311 = arith.ori %or3A_310, %eq3A_178 : i1
          %add3A_312 = arith.constant 1 : i32
          %add3A_313 = arith.addi %while3A_168, %add3A_312 : i32
          %select_n3A_314 = arith.select %or3A_311, %add3A_313, %while3A_168 : i32
          %ne3A_315 = arith.cmpi ne, %add3A_179, %add3A_197 : i32
          %or3A_316 = arith.constant false
          %or3A_317 = arith.ori %or3A_316, %ne3A_315 : i1
          %or3A_318 = arith.ori %or3A_317, %eq3A_178 : i1
          %add3A_319 = arith.constant 1 : i32
          %add3A_320 = arith.addi %while3A_170, %add3A_319 : i32
          %select_n3A_321 = arith.select %or3A_318, %add3A_320, %while3A_170 : i32
          %add3A_322 = arith.constant 1 : i32
          %add3A_323 = arith.addi %while3A_171, %add3A_322 : i32
          %select_n3A_324 = arith.constant true
          %select_n3A_325 = arith.select %select_n3A_324, %add3A_323, %while3A_171 : i32
          %eq3A_326 = arith.cmpi eq, %select_n3A_325, %select_n3A : i32
          %select_n3A_327 = arith.constant 0 : i32
          %select_n3A_328 = arith.select %eq3A_326, %select_n3A_327, %select_n3A_325 : i32
          scf.yield %select_n3A_221, %select_n3A_314, %select_n3A_240, %select_n3A_321, %select_n3A_328 : i32, i32, i32, i32, i32
        }
        %while3A_113 = arith.constant 1 : i32
        %while3A_114:5 = scf.for %while3A_166 = %while3A_110 to %while3A_106 step %while3A_113 iter_args(%while3A_167 = %while3A_112#0, %while3A_168 = %while3A_112#1, %while3A_169 = %while3A_112#2, %while3A_170 = %while3A_112#3, %while3A_171 = %while3A_112#4) -> (i32, i32, i32, i32, i32)  : i32 {
          %mul3A_172 = arith.constant 1 : i32
          %mul3A_173 = arith.muli %mul3A_172, %select_n3A : i32
          %eq3A_174 = arith.constant 0 : i32
          %eq3A_175 = arith.cmpi eq, %while3A_166, %eq3A_174 : i32
          %sub3A_176 = arith.constant 1 : i32
          %sub3A_177 = arith.subi %mul3A_173, %sub3A_176 : i32
          %eq3A_178 = arith.cmpi eq, %while3A_166, %sub3A_177 : i32
          %add3A_179 = arith.addi %while3A_171, %select_n3A_14 : i32
          %sub3A_180 = arith.constant 1 : i32
          %sub3A_181 = arith.subi %while3A_171, %sub3A_180 : i32
          %select_n3A_182 = arith.constant true
          %select_n3A_183 = arith.select %select_n3A_182, %sub3A_181, %while3A_171 : i32
          %eq3A_184 = arith.constant -1 : i32
          %eq3A_185 = arith.cmpi eq, %select_n3A_183, %eq3A_184 : i32
          %sub3A_186 = arith.constant 1 : i32
          %sub3A_187 = arith.subi %select_n3A, %sub3A_186 : i32
          %select_n3A_188 = arith.select %eq3A_185, %sub3A_187, %select_n3A_183 : i32
          %add3A_189 = arith.addi %select_n3A_188, %select_n3A_14 : i32
          %add3A_190 = arith.constant 1 : i32
          %add3A_191 = arith.addi %while3A_171, %add3A_190 : i32
          %select_n3A_192 = arith.constant true
          %select_n3A_193 = arith.select %select_n3A_192, %add3A_191, %while3A_171 : i32
          %eq3A_194 = arith.cmpi eq, %select_n3A_193, %select_n3A : i32
          %select_n3A_195 = arith.constant 0 : i32
          %select_n3A_196 = arith.select %eq3A_194, %select_n3A_195, %select_n3A_193 : i32
          %add3A_197 = arith.addi %select_n3A_196, %select_n3A_14 : i32
          %add3A_198 = arith.constant 1 : i32
          %add3A_199 = arith.addi %select_n3A_196, %add3A_198 : i32
          %select_n3A_200 = arith.constant true
          %select_n3A_201 = arith.select %select_n3A_200, %add3A_199, %select_n3A_196 : i32
          %eq3A_202 = arith.cmpi eq, %select_n3A_201, %select_n3A : i32
          %select_n3A_203 = arith.constant 0 : i32
          %select_n3A_204 = arith.select %eq3A_202, %select_n3A_203, %select_n3A_201 : i32
          %add3A_205 = arith.addi %select_n3A_204, %select_n3A_14 : i32
          %ne3A = arith.cmpi ne, %add3A_179, %add3A_197 : i32
          %or3A = arith.constant false
          %or3A_206 = arith.ori %or3A, %ne3A : i1
          %or3A_207 = arith.constant false
          %or3A_208 = arith.ori %or3A_206, %or3A_207 : i1
          %sub3A_209 = arith.constant 2 : i32
          %sub3A_210 = arith.subi %mul3A_173, %sub3A_209 : i32
          %add3A_211 = arith.constant 1 : i32
          %add3A_212 = arith.addi %sub3A_210, %add3A_211 : i32
          %ge3A = arith.cmpi sge, %while3A_166, %add3A_212 : i32
          %not3A = arith.constant true
          %not3A_213 = arith.xori %ge3A, %not3A : i1
          %and3A = arith.andi %or3A_208, %not3A_213 : i1
          %convert_element_type3A_214 = arith.extui %and3A : i1 to i32
          %cond3A_215 = arith.constant 0 : i32
          %cond3A_216 = arith.cmpi ne, %convert_element_type3A_214, %cond3A_215 : i32
          scf.if %cond3A_216 {
            "tpu.trace_start"() <{level = 10 : i32, message = "ep_copy_in"}> : () -> ()
            %rem3A_329 = arith.constant 2 : i32
            %rem3A_330 = arith.remui %while3A_167, %rem3A_329 : i32
            %mul3A_331 = arith.constant 128 : i32
            %mul3A_332 = arith.muli %mul3A_331, %add3A_197 : i32
            %dma_start3A_333 = arith.constant 0 : i32
            %dma_start3A_334 = arith.constant 0 : i32
            %dma_start3A_335 = tpu.memref_slice %run_scoped3A[%rem3A_330, %dma_start3A_333, %dma_start3A_334] : memref<2x128x128xf32, #tpu.memory_space<vmem>> -> memref<1x128x128xf32, #tpu.memory_space<vmem>>
            %dma_start3A_336 = tpu.memref_squeeze %dma_start3A_335 : memref<1x128x128xf32, #tpu.memory_space<vmem>> -> memref<128x128xf32, #tpu.memory_space<vmem>>
            %dma_start3A_337 = arith.constant 0 : i32
            %dma_start3A_338 = tpu.memref_slice %arg2[%mul3A_332, %dma_start3A_337] : memref<2048x128xf32, #tpu.memory_space<hbm>> -> memref<128x128xf32, #tpu.memory_space<hbm>>
            %dma_start3A_339 = tpu.memref_slice %run_scoped3A_17[%rem3A_330] : memref<2x!tpu.dma_semaphore, #tpu.memory_space<semaphore_mem>> -> memref<1x!tpu.dma_semaphore, #tpu.memory_space<semaphore_mem>>
            %dma_start3A_340 = tpu.memref_squeeze %dma_start3A_339 : memref<1x!tpu.dma_semaphore, #tpu.memory_space<semaphore_mem>> -> memref<!tpu.dma_semaphore, #tpu.memory_space<semaphore_mem>>
            %dma_start3A_341 = arith.constant 0 : i32
            %dma_start3A_342 = arith.constant 0 : i32
            %dma_start3A_343 = tpu.memref_slice %run_scoped3A[%rem3A_330, %dma_start3A_341, %dma_start3A_342] : memref<2x128x128xf32, #tpu.memory_space<vmem>> -> memref<1x128x128xf32, #tpu.memory_space<vmem>>
            %dma_start3A_344 = tpu.memref_squeeze %dma_start3A_343 : memref<1x128x128xf32, #tpu.memory_space<vmem>> -> memref<128x128xf32, #tpu.memory_space<vmem>>
            %dma_start3A_345 = arith.constant 0 : i32
            %dma_start3A_346 = tpu.memref_slice %arg2[%mul3A_332, %dma_start3A_345] : memref<2048x128xf32, #tpu.memory_space<hbm>> -> memref<128x128xf32, #tpu.memory_space<hbm>>
            tpu.enqueue_dma source(%dma_start3A_346 : memref<128x128xf32, #tpu.memory_space<hbm>>) target(%dma_start3A_344 : memref<128x128xf32, #tpu.memory_space<vmem>>) target_semaphore(%dma_start3A_340 : memref<!tpu.dma_semaphore, #tpu.memory_space<semaphore_mem>>)
            "tpu.trace_stop"() : () -> ()
          } else {
          }
          %and3A_217 = arith.constant true
          %and3A_218 = arith.andi %and3A, %and3A_217 : i1
          %add3A_219 = arith.constant 1 : i32
          %add3A_220 = arith.addi %while3A_167, %add3A_219 : i32
          %select_n3A_221 = arith.select %and3A_218, %add3A_220, %while3A_167 : i32
          %ne3A_222 = arith.cmpi ne, %add3A_179, %add3A_197 : i32
          %or3A_223 = arith.constant false
          %or3A_224 = arith.ori %or3A_223, %ne3A_222 : i1
          %sub3A_225 = arith.constant 2 : i32
          %sub3A_226 = arith.subi %mul3A_173, %sub3A_225 : i32
          %add3A_227 = arith.constant 1 : i32
          %add3A_228 = arith.addi %sub3A_226, %add3A_227 : i32
          %ge3A_229 = arith.cmpi sge, %while3A_166, %add3A_228 : i32
          %not3A_230 = arith.constant true
          %not3A_231 = arith.xori %ge3A_229, %not3A_230 : i1
          %and3A_232 = arith.andi %or3A_224, %not3A_231 : i1
          %convert_element_type3A_233 = arith.extui %and3A_232 : i1 to i32
          %cond3A_234 = arith.constant 0 : i32
          %cond3A_235 = arith.cmpi ne, %convert_element_type3A_233, %cond3A_234 : i32
          scf.if %cond3A_235 {
            "tpu.trace_start"() <{level = 10 : i32, message = "ep_copy_in"}> : () -> ()
            %rem3A_329 = arith.constant 2 : i32
            %rem3A_330 = arith.remui %while3A_169, %rem3A_329 : i32
            %mul3A_331 = arith.constant 128 : i32
            %mul3A_332 = arith.muli %mul3A_331, %add3A_197 : i32
            %dma_start3A_333 = arith.constant 0 : i32
            %dma_start3A_334 = arith.constant 0 : i32
            %dma_start3A_335 = tpu.memref_slice %run_scoped3A_18[%rem3A_330, %dma_start3A_333, %dma_start3A_334] : memref<2x1x128xi32, #tpu.memory_space<vmem>> -> memref<1x1x128xi32, #tpu.memory_space<vmem>>
            %dma_start3A_336 = tpu.memref_squeeze %dma_start3A_335 : memref<1x1x128xi32, #tpu.memory_space<vmem>> -> memref<1x128xi32, #tpu.memory_space<vmem>>
            %dma_start3A_337 = arith.constant 0 : i32
            %dma_start3A_338 = tpu.memref_slice %arg3[%dma_start3A_337, %mul3A_332] : memref<1x2048xi32, #tpu.memory_space<hbm>> -> memref<1x128xi32, #tpu.memory_space<hbm>>
            %dma_start3A_339 = tpu.memref_slice %run_scoped3A_19[%rem3A_330] : memref<2x!tpu.dma_semaphore, #tpu.memory_space<semaphore_mem>> -> memref<1x!tpu.dma_semaphore, #tpu.memory_space<semaphore_mem>>
            %dma_start3A_340 = tpu.memref_squeeze %dma_start3A_339 : memref<1x!tpu.dma_semaphore, #tpu.memory_space<semaphore_mem>> -> memref<!tpu.dma_semaphore, #tpu.memory_space<semaphore_mem>>
            %dma_start3A_341 = arith.constant 0 : i32
            %dma_start3A_342 = arith.constant 0 : i32
            %dma_start3A_343 = tpu.memref_slice %run_scoped3A_18[%rem3A_330, %dma_start3A_341, %dma_start3A_342] : memref<2x1x128xi32, #tpu.memory_space<vmem>> -> memref<1x1x128xi32, #tpu.memory_space<vmem>>
            %dma_start3A_344 = tpu.memref_squeeze %dma_start3A_343 : memref<1x1x128xi32, #tpu.memory_space<vmem>> -> memref<1x128xi32, #tpu.memory_space<vmem>>
            %dma_start3A_345 = arith.constant 0 : i32
            %dma_start3A_346 = tpu.memref_slice %arg3[%dma_start3A_345, %mul3A_332] : memref<1x2048xi32, #tpu.memory_space<hbm>> -> memref<1x128xi32, #tpu.memory_space<hbm>>
            tpu.enqueue_dma source(%dma_start3A_346 : memref<1x128xi32, #tpu.memory_space<hbm>>) target(%dma_start3A_344 : memref<1x128xi32, #tpu.memory_space<vmem>>) target_semaphore(%dma_start3A_340 : memref<!tpu.dma_semaphore, #tpu.memory_space<semaphore_mem>>)
            "tpu.trace_stop"() : () -> ()
          } else {
          }
          %and3A_236 = arith.constant true
          %and3A_237 = arith.andi %and3A_232, %and3A_236 : i1
          %add3A_238 = arith.constant 1 : i32
          %add3A_239 = arith.addi %while3A_169, %add3A_238 : i32
          %select_n3A_240 = arith.select %and3A_237, %add3A_239, %while3A_169 : i32
          %ne3A_241 = arith.cmpi ne, %add3A_179, %add3A_189 : i32
          %or3A_242 = arith.constant false
          %or3A_243 = arith.ori %or3A_242, %ne3A_241 : i1
          %or3A_244 = arith.constant false
          %or3A_245 = arith.ori %or3A_243, %or3A_244 : i1
          %or3A_246 = arith.ori %or3A_245, %eq3A_175 : i1
          %convert_element_type3A_247 = arith.extui %or3A_246 : i1 to i32
          %cond3A_248 = arith.constant 0 : i32
          %cond3A_249 = arith.cmpi ne, %convert_element_type3A_247, %cond3A_248 : i32
          scf.if %cond3A_249 {
            "tpu.trace_start"() <{level = 10 : i32, message = "ep_wait_in"}> : () -> ()
            %mul3A_329 = arith.constant 128 : i32
            %mul3A_330 = arith.muli %mul3A_329, %add3A_179 : i32
            %rem3A_331 = arith.constant 2 : i32
            %rem3A_332 = arith.remui %while3A_168, %rem3A_331 : i32
            %dma_wait3A = arith.constant 0 : i32
            %dma_wait3A_333 = arith.constant 0 : i32
            %dma_wait3A_334 = tpu.memref_slice %run_scoped3A[%rem3A_332, %dma_wait3A, %dma_wait3A_333] : memref<2x128x128xf32, #tpu.memory_space<vmem>> -> memref<1x128x128xf32, #tpu.memory_space<vmem>>
            %dma_wait3A_335 = tpu.memref_squeeze %dma_wait3A_334 : memref<1x128x128xf32, #tpu.memory_space<vmem>> -> memref<128x128xf32, #tpu.memory_space<vmem>>
            %dma_wait3A_336 = arith.constant 0 : i32
            %dma_wait3A_337 = tpu.memref_slice %arg2[%mul3A_330, %dma_wait3A_336] : memref<2048x128xf32, #tpu.memory_space<hbm>> -> memref<128x128xf32, #tpu.memory_space<hbm>>
            %dma_wait3A_338 = tpu.memref_slice %run_scoped3A_17[%rem3A_332] : memref<2x!tpu.dma_semaphore, #tpu.memory_space<semaphore_mem>> -> memref<1x!tpu.dma_semaphore, #tpu.memory_space<semaphore_mem>>
            %dma_wait3A_339 = tpu.memref_squeeze %dma_wait3A_338 : memref<1x!tpu.dma_semaphore, #tpu.memory_space<semaphore_mem>> -> memref<!tpu.dma_semaphore, #tpu.memory_space<semaphore_mem>>
            %dma_wait3A_340 = arith.constant 0 : i32
            %dma_wait3A_341 = arith.constant 0 : i32
            %dma_wait3A_342 = tpu.memref_slice %run_scoped3A[%rem3A_332, %dma_wait3A_340, %dma_wait3A_341] : memref<2x128x128xf32, #tpu.memory_space<vmem>> -> memref<1x128x128xf32, #tpu.memory_space<vmem>>
            %dma_wait3A_343 = tpu.memref_squeeze %dma_wait3A_342 : memref<1x128x128xf32, #tpu.memory_space<vmem>> -> memref<128x128xf32, #tpu.memory_space<vmem>>
            %dma_wait3A_344 = arith.constant 0 : i32
            %dma_wait3A_345 = tpu.memref_slice %arg2[%mul3A_330, %dma_wait3A_344] : memref<2048x128xf32, #tpu.memory_space<hbm>> -> memref<128x128xf32, #tpu.memory_space<hbm>>
            tpu.wait_dma2 semaphore(%dma_wait3A_339 : memref<!tpu.dma_semaphore, #tpu.memory_space<semaphore_mem>>) src(%dma_wait3A_345 : memref<128x128xf32, #tpu.memory_space<hbm>>) dst(%dma_wait3A_343 : memref<128x128xf32, #tpu.memory_space<vmem>>)
            "tpu.trace_stop"() : () -> ()
          } else {
          }
          %ne3A_250 = arith.cmpi ne, %add3A_179, %add3A_189 : i32
          %or3A_251 = arith.constant false
          %or3A_252 = arith.ori %or3A_251, %ne3A_250 : i1
          %or3A_253 = arith.ori %or3A_252, %eq3A_175 : i1
          %convert_element_type3A_254 = arith.extui %or3A_253 : i1 to i32
          %cond3A_255 = arith.constant 0 : i32
          %cond3A_256 = arith.cmpi ne, %convert_element_type3A_254, %cond3A_255 : i32
          scf.if %cond3A_256 {
            "tpu.trace_start"() <{level = 10 : i32, message = "ep_wait_in"}> : () -> ()
            %mul3A_329 = arith.constant 128 : i32
            %mul3A_330 = arith.muli %mul3A_329, %add3A_179 : i32
            %rem3A_331 = arith.constant 2 : i32
            %rem3A_332 = arith.remui %while3A_170, %rem3A_331 : i32
            %dma_wait3A = arith.constant 0 : i32
            %dma_wait3A_333 = arith.constant 0 : i32
            %dma_wait3A_334 = tpu.memref_slice %run_scoped3A_18[%rem3A_332, %dma_wait3A, %dma_wait3A_333] : memref<2x1x128xi32, #tpu.memory_space<vmem>> -> memref<1x1x128xi32, #tpu.memory_space<vmem>>
            %dma_wait3A_335 = tpu.memref_squeeze %dma_wait3A_334 : memref<1x1x128xi32, #tpu.memory_space<vmem>> -> memref<1x128xi32, #tpu.memory_space<vmem>>
            %dma_wait3A_336 = arith.constant 0 : i32
            %dma_wait3A_337 = tpu.memref_slice %arg3[%dma_wait3A_336, %mul3A_330] : memref<1x2048xi32, #tpu.memory_space<hbm>> -> memref<1x128xi32, #tpu.memory_space<hbm>>
            %dma_wait3A_338 = tpu.memref_slice %run_scoped3A_19[%rem3A_332] : memref<2x!tpu.dma_semaphore, #tpu.memory_space<semaphore_mem>> -> memref<1x!tpu.dma_semaphore, #tpu.memory_space<semaphore_mem>>
            %dma_wait3A_339 = tpu.memref_squeeze %dma_wait3A_338 : memref<1x!tpu.dma_semaphore, #tpu.memory_space<semaphore_mem>> -> memref<!tpu.dma_semaphore, #tpu.memory_space<semaphore_mem>>
            %dma_wait3A_340 = arith.constant 0 : i32
            %dma_wait3A_341 = arith.constant 0 : i32
            %dma_wait3A_342 = tpu.memref_slice %run_scoped3A_18[%rem3A_332, %dma_wait3A_340, %dma_wait3A_341] : memref<2x1x128xi32, #tpu.memory_space<vmem>> -> memref<1x1x128xi32, #tpu.memory_space<vmem>>
            %dma_wait3A_343 = tpu.memref_squeeze %dma_wait3A_342 : memref<1x1x128xi32, #tpu.memory_space<vmem>> -> memref<1x128xi32, #tpu.memory_space<vmem>>
            %dma_wait3A_344 = arith.constant 0 : i32
            %dma_wait3A_345 = tpu.memref_slice %arg3[%dma_wait3A_344, %mul3A_330] : memref<1x2048xi32, #tpu.memory_space<hbm>> -> memref<1x128xi32, #tpu.memory_space<hbm>>
            tpu.wait_dma2 semaphore(%dma_wait3A_339 : memref<!tpu.dma_semaphore, #tpu.memory_space<semaphore_mem>>) src(%dma_wait3A_345 : memref<1x128xi32, #tpu.memory_space<hbm>>) dst(%dma_wait3A_343 : memref<1x128xi32, #tpu.memory_space<vmem>>)
            "tpu.trace_stop"() : () -> ()
          } else {
          }
          %rem3A_257 = arith.constant 2 : i32
          %rem3A_258 = arith.remui %while3A_168, %rem3A_257 : i32
          %rem3A_259 = arith.constant 2 : i32
          %rem3A_260 = arith.remui %while3A_170, %rem3A_259 : i32
          %run_scoped3A_261 = arith.constant 0 : i32
          "tpu.trace_start"() <{level = 10 : i32, message = "ep_run_kernel"}> : () -> ()
          "tpu.region"() ({
            %run_scoped3A_329 = tpu.sem_alloc : memref<!tpu.dma_semaphore, #tpu.memory_space<semaphore_mem>>
            %dma_start3A_330 = arith.constant 0 : i32
            %dma_start3A_331 = arith.constant 0 : i32
            %dma_start3A_332 = tpu.memref_slice %run_scoped3A[%rem3A_258, %dma_start3A_330, %dma_start3A_331] : memref<2x128x128xf32, #tpu.memory_space<vmem>> -> memref<1x128x128xf32, #tpu.memory_space<vmem>>
            %dma_start3A_333 = tpu.memref_squeeze %dma_start3A_332 : memref<1x128x128xf32, #tpu.memory_space<vmem>> -> memref<128x128xf32, #tpu.memory_space<vmem>>
            %dma_start3A_334 = arith.constant 0 : i32
            %dma_start3A_335 = arith.constant 0 : i32
            %dma_start3A_336 = tpu.memref_slice %run_scoped3A_18[%rem3A_260, %dma_start3A_334, %dma_start3A_335] : memref<2x1x128xi32, #tpu.memory_space<vmem>> -> memref<1x1x128xi32, #tpu.memory_space<vmem>>
            %dma_start3A_337 = tpu.memref_squeeze %dma_start3A_336 : memref<1x1x128xi32, #tpu.memory_space<vmem>> -> memref<1x128xi32, #tpu.memory_space<vmem>>
            %dma_start3A_338 = arith.constant 0 : i32
            %dma_start3A_339 = tpu.memref_slice %dma_start3A_337[%run_scoped3A_261, %dma_start3A_338] : memref<1x128xi32, #tpu.memory_space<vmem>> -> memref<1x128xi32, #tpu.memory_space<vmem>>
            %dma_start3A_340 = tpu.memref_squeeze %dma_start3A_339 : memref<1x128xi32, #tpu.memory_space<vmem>> -> memref<128xi32, #tpu.memory_space<vmem>>
            %dma_start3A_341 = arith.constant 0 : i32
            %dma_start3A_342 = arith.constant 0 : i32
            %dma_start3A_343 = tpu.memref_slice %arg4[%dma_start3A_341, %dma_start3A_342] : memref<2304x128xf32, #tpu.memory_space<hbm>> -> memref<2304x128xf32, #tpu.memory_space<hbm>>
            tpu.enqueue_indirect_dma source(%dma_start3A_333 : memref<128x128xf32, #tpu.memory_space<vmem>>) target(%dma_start3A_343 : memref<2304x128xf32, #tpu.memory_space<hbm>>) offsets(%dma_start3A_340 : memref<128xi32, #tpu.memory_space<vmem>>) semaphore(%run_scoped3A_329 : memref<!tpu.dma_semaphore, #tpu.memory_space<semaphore_mem>>)
            %dma_wait3A = arith.constant 0 : i32
            %dma_wait3A_344 = arith.constant 0 : i32
            %dma_wait3A_345 = tpu.memref_slice %run_scoped3A[%rem3A_258, %dma_wait3A, %dma_wait3A_344] : memref<2x128x128xf32, #tpu.memory_space<vmem>> -> memref<1x128x128xf32, #tpu.memory_space<vmem>>
            %dma_wait3A_346 = tpu.memref_squeeze %dma_wait3A_345 : memref<1x128x128xf32, #tpu.memory_space<vmem>> -> memref<128x128xf32, #tpu.memory_space<vmem>>
            %dma_wait3A_347 = arith.constant 0 : i32
            %dma_wait3A_348 = arith.constant 0 : i32
            %dma_wait3A_349 = tpu.memref_slice %run_scoped3A_18[%rem3A_260, %dma_wait3A_347, %dma_wait3A_348] : memref<2x1x128xi32, #tpu.memory_space<vmem>> -> memref<1x1x128xi32, #tpu.memory_space<vmem>>
            %dma_wait3A_350 = tpu.memref_squeeze %dma_wait3A_349 : memref<1x1x128xi32, #tpu.memory_space<vmem>> -> memref<1x128xi32, #tpu.memory_space<vmem>>
            %dma_wait3A_351 = arith.constant 0 : i32
            %dma_wait3A_352 = tpu.memref_slice %dma_wait3A_350[%run_scoped3A_261, %dma_wait3A_351] : memref<1x128xi32, #tpu.memory_space<vmem>> -> memref<1x128xi32, #tpu.memory_space<vmem>>
            %dma_wait3A_353 = tpu.memref_squeeze %dma_wait3A_352 : memref<1x128xi32, #tpu.memory_space<vmem>> -> memref<128xi32, #tpu.memory_space<vmem>>
            %dma_wait3A_354 = arith.constant 0 : i32
            %dma_wait3A_355 = arith.constant 0 : i32
            %dma_wait3A_356 = tpu.memref_slice %arg4[%dma_wait3A_354, %dma_wait3A_355] : memref<2304x128xf32, #tpu.memory_space<hbm>> -> memref<2304x128xf32, #tpu.memory_space<hbm>>
            tpu.wait_indirect_dma semaphore(%run_scoped3A_329 : memref<!tpu.dma_semaphore, #tpu.memory_space<semaphore_mem>>) src(%dma_wait3A_346 : memref<128x128xf32, #tpu.memory_space<vmem>>) dst(%dma_wait3A_356 : memref<2304x128xf32, #tpu.memory_space<hbm>>)
            tpu.yield
          }) : () -> ()
          "tpu.trace_stop"() : () -> ()
          %ne3A_262 = arith.cmpi ne, %add3A_179, %add3A_197 : i32
          %or3A_263 = arith.constant false
          %or3A_264 = arith.ori %or3A_263, %ne3A_262 : i1
          %or3A_265 = arith.constant false
          %or3A_266 = arith.ori %or3A_264, %or3A_265 : i1
          %or3A_267 = arith.ori %or3A_266, %eq3A_178 : i1
          %convert_element_type3A_268 = arith.extui %or3A_267 : i1 to i32
          %cond3A_269 = arith.constant 0 : i32
          %cond3A_270 = arith.cmpi ne, %convert_element_type3A_268, %cond3A_269 : i32
          scf.if %cond3A_270 {
          } else {
          }
          %and3A_271 = arith.constant false
          %and3A_272 = arith.andi %or3A_267, %and3A_271 : i1
          %ne3A_273 = arith.cmpi ne, %add3A_179, %add3A_197 : i32
          %or3A_274 = arith.constant false
          %or3A_275 = arith.ori %or3A_274, %ne3A_273 : i1
          %or3A_276 = arith.ori %or3A_275, %eq3A_178 : i1
          %convert_element_type3A_277 = arith.extui %or3A_276 : i1 to i32
          %cond3A_278 = arith.constant 0 : i32
          %cond3A_279 = arith.cmpi ne, %convert_element_type3A_277, %cond3A_278 : i32
          scf.if %cond3A_279 {
          } else {
          }
          %and3A_280 = arith.constant false
          %and3A_281 = arith.andi %or3A_276, %and3A_280 : i1
          %ne3A_282 = arith.cmpi ne, %add3A_179, %add3A_189 : i32
          %or3A_283 = arith.constant false
          %or3A_284 = arith.ori %or3A_283, %ne3A_282 : i1
          %or3A_285 = arith.constant false
          %or3A_286 = arith.ori %or3A_284, %or3A_285 : i1
          %not3A_287 = arith.constant true
          %not3A_288 = arith.xori %eq3A_175, %not3A_287 : i1
          %and3A_289 = arith.andi %or3A_286, %not3A_288 : i1
          %convert_element_type3A_290 = arith.extui %and3A_289 : i1 to i32
          %cond3A_291 = arith.constant 0 : i32
          %cond3A_292 = arith.cmpi ne, %convert_element_type3A_290, %cond3A_291 : i32
          scf.if %cond3A_292 {
          } else {
          }
          %and3A_293 = arith.constant false
          %and3A_294 = arith.andi %and3A_289, %and3A_293 : i1
          %ne3A_295 = arith.cmpi ne, %add3A_179, %add3A_189 : i32
          %or3A_296 = arith.constant false
          %or3A_297 = arith.ori %or3A_296, %ne3A_295 : i1
          %not3A_298 = arith.constant true
          %not3A_299 = arith.xori %eq3A_175, %not3A_298 : i1
          %and3A_300 = arith.andi %or3A_297, %not3A_299 : i1
          %convert_element_type3A_301 = arith.extui %and3A_300 : i1 to i32
          %cond3A_302 = arith.constant 0 : i32
          %cond3A_303 = arith.cmpi ne, %convert_element_type3A_301, %cond3A_302 : i32
          scf.if %cond3A_303 {
          } else {
          }
          %and3A_304 = arith.constant false
          %and3A_305 = arith.andi %and3A_300, %and3A_304 : i1
          %ne3A_306 = arith.cmpi ne, %add3A_179, %add3A_197 : i32
          %or3A_307 = arith.constant false
          %or3A_308 = arith.ori %or3A_307, %ne3A_306 : i1
          %or3A_309 = arith.constant false
          %or3A_310 = arith.ori %or3A_308, %or3A_309 : i1
          %or3A_311 = arith.ori %or3A_310, %eq3A_178 : i1
          %add3A_312 = arith.constant 1 : i32
          %add3A_313 = arith.addi %while3A_168, %add3A_312 : i32
          %select_n3A_314 = arith.select %or3A_311, %add3A_313, %while3A_168 : i32
          %ne3A_315 = arith.cmpi ne, %add3A_179, %add3A_197 : i32
          %or3A_316 = arith.constant false
          %or3A_317 = arith.ori %or3A_316, %ne3A_315 : i1
          %or3A_318 = arith.ori %or3A_317, %eq3A_178 : i1
          %add3A_319 = arith.constant 1 : i32
          %add3A_320 = arith.addi %while3A_170, %add3A_319 : i32
          %select_n3A_321 = arith.select %or3A_318, %add3A_320, %while3A_170 : i32
          %add3A_322 = arith.constant 1 : i32
          %add3A_323 = arith.addi %while3A_171, %add3A_322 : i32
          %select_n3A_324 = arith.constant true
          %select_n3A_325 = arith.select %select_n3A_324, %add3A_323, %while3A_171 : i32
          %eq3A_326 = arith.cmpi eq, %select_n3A_325, %select_n3A : i32
          %select_n3A_327 = arith.constant 0 : i32
          %select_n3A_328 = arith.select %eq3A_326, %select_n3A_327, %select_n3A_325 : i32
          scf.yield %select_n3A_221, %select_n3A_314, %select_n3A_240, %select_n3A_321, %select_n3A_328 : i32, i32, i32, i32, i32
        }
        %sub3A_115 = arith.constant 1 : i32
        %sub3A_116 = arith.subi %while3A_114#4, %sub3A_115 : i32
        %select_n3A_117 = arith.constant true
        %select_n3A_118 = arith.select %select_n3A_117, %sub3A_116, %while3A_114#4 : i32
        %eq3A_119 = arith.constant -1 : i32
        %eq3A_120 = arith.cmpi eq, %select_n3A_118, %eq3A_119 : i32
        %sub3A_121 = arith.constant 1 : i32
        %sub3A_122 = arith.subi %select_n3A, %sub3A_121 : i32
        %select_n3A_123 = arith.select %eq3A_120, %sub3A_122, %select_n3A_118 : i32
        %sub3A_124 = arith.constant 1 : i32
        %sub3A_125 = arith.subi %mul3A_16, %sub3A_124 : i32
        %mul3A_126 = arith.constant 1 : i32
        %mul3A_127 = arith.muli %mul3A_126, %select_n3A : i32
        %eq3A_128 = arith.constant 0 : i32
        %eq3A_129 = arith.cmpi eq, %sub3A_125, %eq3A_128 : i32
        %sub3A_130 = arith.constant 1 : i32
        %sub3A_131 = arith.subi %mul3A_127, %sub3A_130 : i32
        %eq3A_132 = arith.cmpi eq, %sub3A_125, %sub3A_131 : i32
        %add3A_133 = arith.addi %select_n3A_123, %select_n3A_14 : i32
        %sub3A_134 = arith.constant 1 : i32
        %sub3A_135 = arith.subi %select_n3A_123, %sub3A_134 : i32
        %select_n3A_136 = arith.constant true
        %select_n3A_137 = arith.select %select_n3A_136, %sub3A_135, %select_n3A_123 : i32
        %eq3A_138 = arith.constant -1 : i32
        %eq3A_139 = arith.cmpi eq, %select_n3A_137, %eq3A_138 : i32
        %sub3A_140 = arith.constant 1 : i32
        %sub3A_141 = arith.subi %select_n3A, %sub3A_140 : i32
        %select_n3A_142 = arith.select %eq3A_139, %sub3A_141, %select_n3A_137 : i32
        %add3A_143 = arith.addi %select_n3A_142, %select_n3A_14 : i32
        %add3A_144 = arith.constant 1 : i32
        %add3A_145 = arith.addi %select_n3A_123, %add3A_144 : i32
        %select_n3A_146 = arith.constant true
        %select_n3A_147 = arith.select %select_n3A_146, %add3A_145, %select_n3A_123 : i32
        %eq3A_148 = arith.cmpi eq, %select_n3A_147, %select_n3A : i32
        %select_n3A_149 = arith.constant 0 : i32
        %select_n3A_150 = arith.select %eq3A_148, %select_n3A_149, %select_n3A_147 : i32
        %add3A_151 = arith.addi %select_n3A_150, %select_n3A_14 : i32
        %add3A_152 = arith.constant 1 : i32
        %add3A_153 = arith.addi %select_n3A_150, %add3A_152 : i32
        %select_n3A_154 = arith.constant true
        %select_n3A_155 = arith.select %select_n3A_154, %add3A_153, %select_n3A_150 : i32
        %eq3A_156 = arith.cmpi eq, %select_n3A_155, %select_n3A : i32
        %select_n3A_157 = arith.constant 0 : i32
        %select_n3A_158 = arith.select %eq3A_156, %select_n3A_157, %select_n3A_155 : i32
        %add3A_159 = arith.addi %select_n3A_158, %select_n3A_14 : i32
        %convert_element_type3A_160 = arith.extui %eq3A_132 : i1 to i32
        %cond3A_161 = arith.constant 0 : i32
        %cond3A_162 = arith.cmpi ne, %convert_element_type3A_160, %cond3A_161 : i32
        scf.if %cond3A_162 {
        } else {
        }
        %convert_element_type3A_163 = arith.extui %eq3A_132 : i1 to i32
        %cond3A_164 = arith.constant 0 : i32
        %cond3A_165 = arith.cmpi ne, %convert_element_type3A_163, %cond3A_164 : i32
        scf.if %cond3A_165 {
        } else {
        }
      } else {
      }
      tpu.yield
    }) : () -> ()
    return
  }
}

#map = affine_map<(d0, d1) -> (0, 0)>
module attributes {stable_mosaic.version = 14 : i64} {
  func.func @k(%arg0: i32, %arg1: i32, %arg2: memref<9216x256xf32, #tpu.memory_space<hbm>>, %arg3: memref<1x8192xi32, #tpu.memory_space<hbm>>, %arg4: memref<8192x256xf32, #tpu.memory_space<hbm>>) attributes {dimension_semantics = [#tpu.dimension_semantics<core_parallel>, #tpu.dimension_semantics<subcore_parallel>], iteration_bounds = array<i64: 2, 16>, scalar_prefetch = 0 : i64, scratch_operands = 0 : i64, tpu.core_type = #tpu.core_type<sc_vector_subcore>, window_params = [{transform_indices = #map}, {transform_indices = #map}, {transform_indices = #map}]} {
    %mul3A = arith.constant 1 : i32
    %mul3A_0 = arith.muli %arg1, %mul3A : i32
    %add3A = arith.constant 0 : i32
    %add3A_1 = arith.addi %add3A, %mul3A_0 : i32
    %mul3A_2 = arith.constant 16 : i32
    %mul3A_3 = arith.muli %arg0, %mul3A_2 : i32
    %add3A_4 = arith.addi %add3A_1, %mul3A_3 : i32
    %mul3A_5 = arith.constant 2 : i32
    %mul3A_6 = arith.muli %add3A_4, %mul3A_5 : i32
    "tpu.region"() ({
      %run_scoped3A = memref.alloca() : memref<2x1x128xi32, #tpu.memory_space<vmem>>
      %run_scoped3A_7 = tpu.sem_alloc : memref<2x!tpu.dma_semaphore, #tpu.memory_space<semaphore_mem>>
      %run_scoped3A_8 = memref.alloca() : memref<2x128x256xf32, #tpu.memory_space<vmem>>
      %run_scoped3A_9 = tpu.sem_alloc : memref<2x!tpu.dma_semaphore, #tpu.memory_space<semaphore_mem>>
      %add3A_10 = arith.constant 0 : i32
      %add3A_11 = arith.addi %add3A_10, %mul3A_6 : i32
      %select_n3A = arith.constant true
      %select_n3A_12 = arith.constant 0 : i32
      %select_n3A_13 = arith.constant -1 : i32
      %select_n3A_14 = arith.select %select_n3A, %select_n3A_13, %select_n3A_12 : i32
      %eq3A = arith.constant -1 : i32
      %eq3A_15 = arith.cmpi eq, %select_n3A_14, %eq3A : i32
      %select_n3A_16 = arith.constant 1 : i32
      %select_n3A_17 = arith.select %eq3A_15, %select_n3A_16, %select_n3A_14 : i32
      %add3A_18 = arith.addi %select_n3A_17, %mul3A_6 : i32
      %select_n3A_19 = arith.constant true
      %select_n3A_20 = arith.constant 0 : i32
      %select_n3A_21 = arith.constant 1 : i32
      %select_n3A_22 = arith.select %select_n3A_19, %select_n3A_21, %select_n3A_20 : i32
      %eq3A_23 = arith.constant 2 : i32
      %eq3A_24 = arith.cmpi eq, %select_n3A_22, %eq3A_23 : i32
      %select_n3A_25 = arith.constant 0 : i32
      %select_n3A_26 = arith.select %eq3A_24, %select_n3A_25, %select_n3A_22 : i32
      %add3A_27 = arith.addi %select_n3A_26, %mul3A_6 : i32
      %add3A_28 = arith.constant 1 : i32
      %add3A_29 = arith.addi %select_n3A_26, %add3A_28 : i32
      %select_n3A_30 = arith.constant true
      %select_n3A_31 = arith.select %select_n3A_30, %add3A_29, %select_n3A_26 : i32
      %eq3A_32 = arith.constant 2 : i32
      %eq3A_33 = arith.cmpi eq, %select_n3A_31, %eq3A_32 : i32
      %select_n3A_34 = arith.constant 0 : i32
      %select_n3A_35 = arith.select %eq3A_33, %select_n3A_34, %select_n3A_31 : i32
      %add3A_36 = arith.addi %select_n3A_35, %mul3A_6 : i32
      "tpu.trace_start"() <{level = 10 : i32, message = "ep_initialize_0"}> : () -> ()
      %rem3A = arith.constant 0 : i32
      %rem3A_37 = arith.constant 2 : i32
      %rem3A_38 = arith.remui %rem3A, %rem3A_37 : i32
      %mul3A_39 = arith.constant 128 : i32
      %mul3A_40 = arith.muli %mul3A_39, %add3A_11 : i32
      %dma_start3A = arith.constant 0 : i32
      %dma_start3A_41 = arith.constant 0 : i32
      %dma_start3A_42 = tpu.memref_slice %run_scoped3A[%rem3A_38, %dma_start3A, %dma_start3A_41] : memref<2x1x128xi32, #tpu.memory_space<vmem>> -> memref<1x1x128xi32, #tpu.memory_space<vmem>>
      %dma_start3A_43 = tpu.memref_squeeze %dma_start3A_42 : memref<1x1x128xi32, #tpu.memory_space<vmem>> -> memref<1x128xi32, #tpu.memory_space<vmem>>
      %dma_start3A_44 = arith.constant 0 : i32
      %dma_start3A_45 = tpu.memref_slice %arg3[%dma_start3A_44, %mul3A_40] : memref<1x8192xi32, #tpu.memory_space<hbm>> -> memref<1x128xi32, #tpu.memory_space<hbm>>
      %dma_start3A_46 = tpu.memref_slice %run_scoped3A_7[%rem3A_38] : memref<2x!tpu.dma_semaphore, #tpu.memory_space<semaphore_mem>> -> memref<1x!tpu.dma_semaphore, #tpu.memory_space<semaphore_mem>>
      %dma_start3A_47 = tpu.memref_squeeze %dma_start3A_46 : memref<1x!tpu.dma_semaphore, #tpu.memory_space<semaphore_mem>> -> memref<!tpu.dma_semaphore, #tpu.memory_space<semaphore_mem>>
      %dma_start3A_48 = arith.constant 0 : i32
      %dma_start3A_49 = arith.constant 0 : i32
      %dma_start3A_50 = tpu.memref_slice %run_scoped3A[%rem3A_38, %dma_start3A_48, %dma_start3A_49] : memref<2x1x128xi32, #tpu.memory_space<vmem>> -> memref<1x1x128xi32, #tpu.memory_space<vmem>>
      %dma_start3A_51 = tpu.memref_squeeze %dma_start3A_50 : memref<1x1x128xi32, #tpu.memory_space<vmem>> -> memref<1x128xi32, #tpu.memory_space<vmem>>
      %dma_start3A_52 = arith.constant 0 : i32
      %dma_start3A_53 = tpu.memref_slice %arg3[%dma_start3A_52, %mul3A_40] : memref<1x8192xi32, #tpu.memory_space<hbm>> -> memref<1x128xi32, #tpu.memory_space<hbm>>
      tpu.enqueue_dma source(%dma_start3A_53 : memref<1x128xi32, #tpu.memory_space<hbm>>) target(%dma_start3A_51 : memref<1x128xi32, #tpu.memory_space<vmem>>) target_semaphore(%dma_start3A_47 : memref<!tpu.dma_semaphore, #tpu.memory_space<semaphore_mem>>)
      %add3A_54 = arith.constant 0 : i32
      %add3A_55 = arith.constant 1 : i32
      %add3A_56 = arith.addi %add3A_54, %add3A_55 : i32
      %select_n3A_57 = arith.constant true
      %select_n3A_58 = arith.constant 0 : i32
      %select_n3A_59 = arith.select %select_n3A_57, %add3A_56, %select_n3A_58 : i32
      "tpu.trace_stop"() : () -> ()
      %scan3A = arith.constant 0 : i32
      %scan3A_60 = arith.constant 0 : i32
      %scan3A_61 = arith.constant 0 : i32
      %scan3A_62 = arith.constant 0 : i32
      %scan3A_63 = arith.constant 0 : i32
      %scan3A_64 = arith.constant 2 : i32
      %scan3A_65 = arith.addi %scan3A_63, %scan3A_64 : i32
      %scan3A_66 = arith.constant 1 : i32
      %scan3A_67:5 = scf.for %scan3A_121 = %scan3A_63 to %scan3A_65 step %scan3A_66 iter_args(%scan3A_122 = %select_n3A_59, %scan3A_123 = %scan3A, %scan3A_124 = %scan3A_60, %scan3A_125 = %scan3A_61, %scan3A_126 = %scan3A_62) -> (i32, i32, i32, i32, i32)  : i32 {
        %eq3A_127 = arith.constant 0 : i32
        %eq3A_128 = arith.cmpi eq, %scan3A_121, %eq3A_127 : i32
        %eq3A_129 = arith.constant 1 : i32
        %eq3A_130 = arith.cmpi eq, %scan3A_121, %eq3A_129 : i32
        %add3A_131 = arith.addi %scan3A_126, %mul3A_6 : i32
        %sub3A_132 = arith.constant 1 : i32
        %sub3A_133 = arith.subi %scan3A_126, %sub3A_132 : i32
        %select_n3A_134 = arith.constant true
        %select_n3A_135 = arith.select %select_n3A_134, %sub3A_133, %scan3A_126 : i32
        %eq3A_136 = arith.constant -1 : i32
        %eq3A_137 = arith.cmpi eq, %select_n3A_135, %eq3A_136 : i32
        %select_n3A_138 = arith.constant 1 : i32
        %select_n3A_139 = arith.select %eq3A_137, %select_n3A_138, %select_n3A_135 : i32
        %add3A_140 = arith.addi %select_n3A_139, %mul3A_6 : i32
        %add3A_141 = arith.constant 1 : i32
        %add3A_142 = arith.addi %scan3A_126, %add3A_141 : i32
        %select_n3A_143 = arith.constant true
        %select_n3A_144 = arith.select %select_n3A_143, %add3A_142, %scan3A_126 : i32
        %eq3A_145 = arith.constant 2 : i32
        %eq3A_146 = arith.cmpi eq, %select_n3A_144, %eq3A_145 : i32
        %select_n3A_147 = arith.constant 0 : i32
        %select_n3A_148 = arith.select %eq3A_146, %select_n3A_147, %select_n3A_144 : i32
        %add3A_149 = arith.addi %select_n3A_148, %mul3A_6 : i32
        %add3A_150 = arith.constant 1 : i32
        %add3A_151 = arith.addi %select_n3A_148, %add3A_150 : i32
        %select_n3A_152 = arith.constant true
        %select_n3A_153 = arith.select %select_n3A_152, %add3A_151, %select_n3A_148 : i32
        %eq3A_154 = arith.constant 2 : i32
        %eq3A_155 = arith.cmpi eq, %select_n3A_153, %eq3A_154 : i32
        %select_n3A_156 = arith.constant 0 : i32
        %select_n3A_157 = arith.select %eq3A_155, %select_n3A_156, %select_n3A_153 : i32
        %add3A_158 = arith.addi %select_n3A_157, %mul3A_6 : i32
        %ne3A = arith.cmpi ne, %add3A_131, %add3A_149 : i32
        %or3A = arith.constant false
        %or3A_159 = arith.ori %or3A, %ne3A : i1
        %ge3A = arith.constant 1 : i32
        %ge3A_160 = arith.cmpi sge, %scan3A_121, %ge3A : i32
        %not3A = arith.constant true
        %not3A_161 = arith.xori %ge3A_160, %not3A : i1
        %and3A = arith.andi %or3A_159, %not3A_161 : i1
        %convert_element_type3A = arith.extui %and3A : i1 to i32
        %cond3A = arith.constant 0 : i32
        %cond3A_162 = arith.cmpi ne, %convert_element_type3A, %cond3A : i32
        scf.if %cond3A_162 {
          "tpu.trace_start"() <{level = 10 : i32, message = "ep_copy_in"}> : () -> ()
          %rem3A_264 = arith.constant 2 : i32
          %rem3A_265 = arith.remui %scan3A_122, %rem3A_264 : i32
          %mul3A_266 = arith.constant 128 : i32
          %mul3A_267 = arith.muli %mul3A_266, %add3A_149 : i32
          %dma_start3A_268 = arith.constant 0 : i32
          %dma_start3A_269 = arith.constant 0 : i32
          %dma_start3A_270 = tpu.memref_slice %run_scoped3A[%rem3A_265, %dma_start3A_268, %dma_start3A_269] : memref<2x1x128xi32, #tpu.memory_space<vmem>> -> memref<1x1x128xi32, #tpu.memory_space<vmem>>
          %dma_start3A_271 = tpu.memref_squeeze %dma_start3A_270 : memref<1x1x128xi32, #tpu.memory_space<vmem>> -> memref<1x128xi32, #tpu.memory_space<vmem>>
          %dma_start3A_272 = arith.constant 0 : i32
          %dma_start3A_273 = tpu.memref_slice %arg3[%dma_start3A_272, %mul3A_267] : memref<1x8192xi32, #tpu.memory_space<hbm>> -> memref<1x128xi32, #tpu.memory_space<hbm>>
          %dma_start3A_274 = tpu.memref_slice %run_scoped3A_7[%rem3A_265] : memref<2x!tpu.dma_semaphore, #tpu.memory_space<semaphore_mem>> -> memref<1x!tpu.dma_semaphore, #tpu.memory_space<semaphore_mem>>
          %dma_start3A_275 = tpu.memref_squeeze %dma_start3A_274 : memref<1x!tpu.dma_semaphore, #tpu.memory_space<semaphore_mem>> -> memref<!tpu.dma_semaphore, #tpu.memory_space<semaphore_mem>>
          %dma_start3A_276 = arith.constant 0 : i32
          %dma_start3A_277 = arith.constant 0 : i32
          %dma_start3A_278 = tpu.memref_slice %run_scoped3A[%rem3A_265, %dma_start3A_276, %dma_start3A_277] : memref<2x1x128xi32, #tpu.memory_space<vmem>> -> memref<1x1x128xi32, #tpu.memory_space<vmem>>
          %dma_start3A_279 = tpu.memref_squeeze %dma_start3A_278 : memref<1x1x128xi32, #tpu.memory_space<vmem>> -> memref<1x128xi32, #tpu.memory_space<vmem>>
          %dma_start3A_280 = arith.constant 0 : i32
          %dma_start3A_281 = tpu.memref_slice %arg3[%dma_start3A_280, %mul3A_267] : memref<1x8192xi32, #tpu.memory_space<hbm>> -> memref<1x128xi32, #tpu.memory_space<hbm>>
          tpu.enqueue_dma source(%dma_start3A_281 : memref<1x128xi32, #tpu.memory_space<hbm>>) target(%dma_start3A_279 : memref<1x128xi32, #tpu.memory_space<vmem>>) target_semaphore(%dma_start3A_275 : memref<!tpu.dma_semaphore, #tpu.memory_space<semaphore_mem>>)
          "tpu.trace_stop"() : () -> ()
        } else {
        }
        %and3A_163 = arith.constant true
        %and3A_164 = arith.andi %and3A, %and3A_163 : i1
        %add3A_165 = arith.constant 1 : i32
        %add3A_166 = arith.addi %scan3A_122, %add3A_165 : i32
        %select_n3A_167 = arith.select %and3A_164, %add3A_166, %scan3A_122 : i32
        %ne3A_168 = arith.cmpi ne, %add3A_131, %add3A_149 : i32
        %or3A_169 = arith.constant false
        %or3A_170 = arith.ori %or3A_169, %ne3A_168 : i1
        %or3A_171 = arith.constant false
        %or3A_172 = arith.ori %or3A_170, %or3A_171 : i1
        %ge3A_173 = arith.constant 1 : i32
        %ge3A_174 = arith.cmpi sge, %scan3A_121, %ge3A_173 : i32
        %not3A_175 = arith.constant true
        %not3A_176 = arith.xori %ge3A_174, %not3A_175 : i1
        %and3A_177 = arith.andi %or3A_172, %not3A_176 : i1
        %ne3A_178 = arith.cmpi ne, %add3A_131, %add3A_140 : i32
        %or3A_179 = arith.constant false
        %or3A_180 = arith.ori %or3A_179, %ne3A_178 : i1
        %or3A_181 = arith.ori %or3A_180, %eq3A_128 : i1
        %convert_element_type3A_182 = arith.extui %or3A_181 : i1 to i32
        %cond3A_183 = arith.constant 0 : i32
        %cond3A_184 = arith.cmpi ne, %convert_element_type3A_182, %cond3A_183 : i32
        scf.if %cond3A_184 {
          "tpu.trace_start"() <{level = 10 : i32, message = "ep_wait_in"}> : () -> ()
          %mul3A_264 = arith.constant 128 : i32
          %mul3A_265 = arith.muli %mul3A_264, %add3A_131 : i32
          %rem3A_266 = arith.constant 2 : i32
          %rem3A_267 = arith.remui %scan3A_123, %rem3A_266 : i32
          %dma_wait3A_268 = arith.constant 0 : i32
          %dma_wait3A_269 = arith.constant 0 : i32
          %dma_wait3A_270 = tpu.memref_slice %run_scoped3A[%rem3A_267, %dma_wait3A_268, %dma_wait3A_269] : memref<2x1x128xi32, #tpu.memory_space<vmem>> -> memref<1x1x128xi32, #tpu.memory_space<vmem>>
          %dma_wait3A_271 = tpu.memref_squeeze %dma_wait3A_270 : memref<1x1x128xi32, #tpu.memory_space<vmem>> -> memref<1x128xi32, #tpu.memory_space<vmem>>
          %dma_wait3A_272 = arith.constant 0 : i32
          %dma_wait3A_273 = tpu.memref_slice %arg3[%dma_wait3A_272, %mul3A_265] : memref<1x8192xi32, #tpu.memory_space<hbm>> -> memref<1x128xi32, #tpu.memory_space<hbm>>
          %dma_wait3A_274 = tpu.memref_slice %run_scoped3A_7[%rem3A_267] : memref<2x!tpu.dma_semaphore, #tpu.memory_space<semaphore_mem>> -> memref<1x!tpu.dma_semaphore, #tpu.memory_space<semaphore_mem>>
          %dma_wait3A_275 = tpu.memref_squeeze %dma_wait3A_274 : memref<1x!tpu.dma_semaphore, #tpu.memory_space<semaphore_mem>> -> memref<!tpu.dma_semaphore, #tpu.memory_space<semaphore_mem>>
          %dma_wait3A_276 = arith.constant 0 : i32
          %dma_wait3A_277 = arith.constant 0 : i32
          %dma_wait3A_278 = tpu.memref_slice %run_scoped3A[%rem3A_267, %dma_wait3A_276, %dma_wait3A_277] : memref<2x1x128xi32, #tpu.memory_space<vmem>> -> memref<1x1x128xi32, #tpu.memory_space<vmem>>
          %dma_wait3A_279 = tpu.memref_squeeze %dma_wait3A_278 : memref<1x1x128xi32, #tpu.memory_space<vmem>> -> memref<1x128xi32, #tpu.memory_space<vmem>>
          %dma_wait3A_280 = arith.constant 0 : i32
          %dma_wait3A_281 = tpu.memref_slice %arg3[%dma_wait3A_280, %mul3A_265] : memref<1x8192xi32, #tpu.memory_space<hbm>> -> memref<1x128xi32, #tpu.memory_space<hbm>>
          tpu.wait_dma2 semaphore(%dma_wait3A_275 : memref<!tpu.dma_semaphore, #tpu.memory_space<semaphore_mem>>) src(%dma_wait3A_281 : memref<1x128xi32, #tpu.memory_space<hbm>>) dst(%dma_wait3A_279 : memref<1x128xi32, #tpu.memory_space<vmem>>)
          "tpu.trace_stop"() : () -> ()
        } else {
        }
        %ne3A_185 = arith.cmpi ne, %add3A_131, %add3A_140 : i32
        %or3A_186 = arith.constant false
        %or3A_187 = arith.ori %or3A_186, %ne3A_185 : i1
        %or3A_188 = arith.constant false
        %or3A_189 = arith.ori %or3A_187, %or3A_188 : i1
        %or3A_190 = arith.ori %or3A_189, %eq3A_128 : i1
        %convert_element_type3A_191 = arith.extui %or3A_190 : i1 to i32
        %cond3A_192 = arith.constant 0 : i32
        %cond3A_193 = arith.cmpi ne, %convert_element_type3A_191, %cond3A_192 : i32
        scf.if %cond3A_193 {
        } else {
        }
        %rem3A_194 = arith.constant 2 : i32
        %rem3A_195 = arith.remui %scan3A_123, %rem3A_194 : i32
        %rem3A_196 = arith.constant 2 : i32
        %rem3A_197 = arith.remui %scan3A_124, %rem3A_196 : i32
        %run_scoped3A_198 = arith.constant 0 : i32
        "tpu.trace_start"() <{level = 10 : i32, message = "ep_run_kernel"}> : () -> ()
        "tpu.region"() ({
          %run_scoped3A_264 = tpu.sem_alloc : memref<!tpu.dma_semaphore, #tpu.memory_space<semaphore_mem>>
          %dma_start3A_265 = arith.constant 0 : i32
          %dma_start3A_266 = arith.constant 0 : i32
          %dma_start3A_267 = tpu.memref_slice %run_scoped3A_8[%rem3A_197, %dma_start3A_265, %dma_start3A_266] : memref<2x128x256xf32, #tpu.memory_space<vmem>> -> memref<1x128x256xf32, #tpu.memory_space<vmem>>
          %dma_start3A_268 = tpu.memref_squeeze %dma_start3A_267 : memref<1x128x256xf32, #tpu.memory_space<vmem>> -> memref<128x256xf32, #tpu.memory_space<vmem>>
          %dma_start3A_269 = arith.constant 0 : i32
          %dma_start3A_270 = arith.constant 0 : i32
          %dma_start3A_271 = tpu.memref_slice %run_scoped3A[%rem3A_195, %dma_start3A_269, %dma_start3A_270] : memref<2x1x128xi32, #tpu.memory_space<vmem>> -> memref<1x1x128xi32, #tpu.memory_space<vmem>>
          %dma_start3A_272 = tpu.memref_squeeze %dma_start3A_271 : memref<1x1x128xi32, #tpu.memory_space<vmem>> -> memref<1x128xi32, #tpu.memory_space<vmem>>
          %dma_start3A_273 = arith.constant 0 : i32
          %dma_start3A_274 = tpu.memref_slice %dma_start3A_272[%run_scoped3A_198, %dma_start3A_273] : memref<1x128xi32, #tpu.memory_space<vmem>> -> memref<1x128xi32, #tpu.memory_space<vmem>>
          %dma_start3A_275 = tpu.memref_squeeze %dma_start3A_274 : memref<1x128xi32, #tpu.memory_space<vmem>> -> memref<128xi32, #tpu.memory_space<vmem>>
          %dma_start3A_276 = arith.constant 0 : i32
          %dma_start3A_277 = arith.constant 0 : i32
          %dma_start3A_278 = tpu.memref_slice %arg2[%dma_start3A_276, %dma_start3A_277] : memref<9216x256xf32, #tpu.memory_space<hbm>> -> memref<9216x256xf32, #tpu.memory_space<hbm>>
          tpu.enqueue_indirect_dma source(%dma_start3A_278 : memref<9216x256xf32, #tpu.memory_space<hbm>>) target(%dma_start3A_268 : memref<128x256xf32, #tpu.memory_space<vmem>>) offsets(%dma_start3A_275 : memref<128xi32, #tpu.memory_space<vmem>>) semaphore(%run_scoped3A_264 : memref<!tpu.dma_semaphore, #tpu.memory_space<semaphore_mem>>)
          %dma_wait3A_279 = arith.constant 0 : i32
          %dma_wait3A_280 = arith.constant 0 : i32
          %dma_wait3A_281 = tpu.memref_slice %run_scoped3A_8[%rem3A_197, %dma_wait3A_279, %dma_wait3A_280] : memref<2x128x256xf32, #tpu.memory_space<vmem>> -> memref<1x128x256xf32, #tpu.memory_space<vmem>>
          %dma_wait3A_282 = tpu.memref_squeeze %dma_wait3A_281 : memref<1x128x256xf32, #tpu.memory_space<vmem>> -> memref<128x256xf32, #tpu.memory_space<vmem>>
          %dma_wait3A_283 = arith.constant 0 : i32
          %dma_wait3A_284 = arith.constant 0 : i32
          %dma_wait3A_285 = tpu.memref_slice %run_scoped3A[%rem3A_195, %dma_wait3A_283, %dma_wait3A_284] : memref<2x1x128xi32, #tpu.memory_space<vmem>> -> memref<1x1x128xi32, #tpu.memory_space<vmem>>
          %dma_wait3A_286 = tpu.memref_squeeze %dma_wait3A_285 : memref<1x1x128xi32, #tpu.memory_space<vmem>> -> memref<1x128xi32, #tpu.memory_space<vmem>>
          %dma_wait3A_287 = arith.constant 0 : i32
          %dma_wait3A_288 = tpu.memref_slice %dma_wait3A_286[%run_scoped3A_198, %dma_wait3A_287] : memref<1x128xi32, #tpu.memory_space<vmem>> -> memref<1x128xi32, #tpu.memory_space<vmem>>
          %dma_wait3A_289 = tpu.memref_squeeze %dma_wait3A_288 : memref<1x128xi32, #tpu.memory_space<vmem>> -> memref<128xi32, #tpu.memory_space<vmem>>
          %dma_wait3A_290 = arith.constant 0 : i32
          %dma_wait3A_291 = arith.constant 0 : i32
          %dma_wait3A_292 = tpu.memref_slice %arg2[%dma_wait3A_290, %dma_wait3A_291] : memref<9216x256xf32, #tpu.memory_space<hbm>> -> memref<9216x256xf32, #tpu.memory_space<hbm>>
          tpu.wait_indirect_dma semaphore(%run_scoped3A_264 : memref<!tpu.dma_semaphore, #tpu.memory_space<semaphore_mem>>) src(%dma_wait3A_292 : memref<9216x256xf32, #tpu.memory_space<hbm>>) dst(%dma_wait3A_282 : memref<128x256xf32, #tpu.memory_space<vmem>>)
          tpu.yield
        }) : () -> ()
        "tpu.trace_stop"() : () -> ()
        %ne3A_199 = arith.cmpi ne, %add3A_131, %add3A_149 : i32
        %or3A_200 = arith.constant false
        %or3A_201 = arith.ori %or3A_200, %ne3A_199 : i1
        %or3A_202 = arith.ori %or3A_201, %eq3A_130 : i1
        %convert_element_type3A_203 = arith.extui %or3A_202 : i1 to i32
        %cond3A_204 = arith.constant 0 : i32
        %cond3A_205 = arith.cmpi ne, %convert_element_type3A_203, %cond3A_204 : i32
        scf.if %cond3A_205 {
        } else {
        }
        %and3A_206 = arith.constant false
        %and3A_207 = arith.andi %or3A_202, %and3A_206 : i1
        %ne3A_208 = arith.cmpi ne, %add3A_131, %add3A_149 : i32
        %or3A_209 = arith.constant false
        %or3A_210 = arith.ori %or3A_209, %ne3A_208 : i1
        %or3A_211 = arith.constant false
        %or3A_212 = arith.ori %or3A_210, %or3A_211 : i1
        %or3A_213 = arith.ori %or3A_212, %eq3A_130 : i1
        %convert_element_type3A_214 = arith.extui %or3A_213 : i1 to i32
        %cond3A_215 = arith.constant 0 : i32
        %cond3A_216 = arith.cmpi ne, %convert_element_type3A_214, %cond3A_215 : i32
        scf.if %cond3A_216 {
          "tpu.trace_start"() <{level = 10 : i32, message = "ep_copy_out"}> : () -> ()
          %rem3A_264 = arith.constant 2 : i32
          %rem3A_265 = arith.remui %scan3A_124, %rem3A_264 : i32
          %mul3A_266 = arith.constant 128 : i32
          %mul3A_267 = arith.muli %mul3A_266, %add3A_131 : i32
          %dma_start3A_268 = arith.constant 0 : i32
          %dma_start3A_269 = arith.constant 0 : i32
          %dma_start3A_270 = tpu.memref_slice %run_scoped3A_8[%rem3A_265, %dma_start3A_268, %dma_start3A_269] : memref<2x128x256xf32, #tpu.memory_space<vmem>> -> memref<1x128x256xf32, #tpu.memory_space<vmem>>
          %dma_start3A_271 = tpu.memref_squeeze %dma_start3A_270 : memref<1x128x256xf32, #tpu.memory_space<vmem>> -> memref<128x256xf32, #tpu.memory_space<vmem>>
          %dma_start3A_272 = arith.constant 0 : i32
          %dma_start3A_273 = tpu.memref_slice %arg4[%mul3A_267, %dma_start3A_272] : memref<8192x256xf32, #tpu.memory_space<hbm>> -> memref<128x256xf32, #tpu.memory_space<hbm>>
          %dma_start3A_274 = tpu.memref_slice %run_scoped3A_9[%rem3A_265] : memref<2x!tpu.dma_semaphore, #tpu.memory_space<semaphore_mem>> -> memref<1x!tpu.dma_semaphore, #tpu.memory_space<semaphore_mem>>
          %dma_start3A_275 = tpu.memref_squeeze %dma_start3A_274 : memref<1x!tpu.dma_semaphore, #tpu.memory_space<semaphore_mem>> -> memref<!tpu.dma_semaphore, #tpu.memory_space<semaphore_mem>>
          %dma_start3A_276 = arith.constant 0 : i32
          %dma_start3A_277 = tpu.memref_slice %arg4[%mul3A_267, %dma_start3A_276] : memref<8192x256xf32, #tpu.memory_space<hbm>> -> memref<128x256xf32, #tpu.memory_space<hbm>>
          %dma_start3A_278 = arith.constant 0 : i32
          %dma_start3A_279 = arith.constant 0 : i32
          %dma_start3A_280 = tpu.memref_slice %run_scoped3A_8[%rem3A_265, %dma_start3A_278, %dma_start3A_279] : memref<2x128x256xf32, #tpu.memory_space<vmem>> -> memref<1x128x256xf32, #tpu.memory_space<vmem>>
          %dma_start3A_281 = tpu.memref_squeeze %dma_start3A_280 : memref<1x128x256xf32, #tpu.memory_space<vmem>> -> memref<128x256xf32, #tpu.memory_space<vmem>>
          tpu.enqueue_dma source(%dma_start3A_281 : memref<128x256xf32, #tpu.memory_space<vmem>>) target(%dma_start3A_277 : memref<128x256xf32, #tpu.memory_space<hbm>>) target_semaphore(%dma_start3A_275 : memref<!tpu.dma_semaphore, #tpu.memory_space<semaphore_mem>>)
          "tpu.trace_stop"() : () -> ()
        } else {
        }
        %and3A_217 = arith.constant true
        %and3A_218 = arith.andi %or3A_213, %and3A_217 : i1
        %add3A_219 = arith.constant 1 : i32
        %add3A_220 = arith.addi %scan3A_124, %add3A_219 : i32
        %select_n3A_221 = arith.select %and3A_218, %add3A_220, %scan3A_124 : i32
        %ne3A_222 = arith.cmpi ne, %add3A_131, %add3A_140 : i32
        %or3A_223 = arith.constant false
        %or3A_224 = arith.ori %or3A_223, %ne3A_222 : i1
        %not3A_225 = arith.constant true
        %not3A_226 = arith.xori %eq3A_128, %not3A_225 : i1
        %and3A_227 = arith.andi %or3A_224, %not3A_226 : i1
        %convert_element_type3A_228 = arith.extui %and3A_227 : i1 to i32
        %cond3A_229 = arith.constant 0 : i32
        %cond3A_230 = arith.cmpi ne, %convert_element_type3A_228, %cond3A_229 : i32
        scf.if %cond3A_230 {
        } else {
        }
        %and3A_231 = arith.constant false
        %and3A_232 = arith.andi %and3A_227, %and3A_231 : i1
        %ne3A_233 = arith.cmpi ne, %add3A_131, %add3A_140 : i32
        %or3A_234 = arith.constant false
        %or3A_235 = arith.ori %or3A_234, %ne3A_233 : i1
        %or3A_236 = arith.constant false
        %or3A_237 = arith.ori %or3A_235, %or3A_236 : i1
        %not3A_238 = arith.constant true
        %not3A_239 = arith.xori %eq3A_128, %not3A_238 : i1
        %and3A_240 = arith.andi %or3A_237, %not3A_239 : i1
        %convert_element_type3A_241 = arith.extui %and3A_240 : i1 to i32
        %cond3A_242 = arith.constant 0 : i32
        %cond3A_243 = arith.cmpi ne, %convert_element_type3A_241, %cond3A_242 : i32
        scf.if %cond3A_243 {
          "tpu.trace_start"() <{level = 10 : i32, message = "ep_wait_out"}> : () -> ()
          %rem3A_264 = arith.constant 2 : i32
          %rem3A_265 = arith.remui %scan3A_125, %rem3A_264 : i32
          %mul3A_266 = arith.constant 128 : i32
          %mul3A_267 = arith.muli %mul3A_266, %add3A_140 : i32
          %dma_wait3A_268 = arith.constant 0 : i32
          %dma_wait3A_269 = arith.constant 0 : i32
          %dma_wait3A_270 = tpu.memref_slice %run_scoped3A_8[%rem3A_265, %dma_wait3A_268, %dma_wait3A_269] : memref<2x128x256xf32, #tpu.memory_space<vmem>> -> memref<1x128x256xf32, #tpu.memory_space<vmem>>
          %dma_wait3A_271 = tpu.memref_squeeze %dma_wait3A_270 : memref<1x128x256xf32, #tpu.memory_space<vmem>> -> memref<128x256xf32, #tpu.memory_space<vmem>>
          %dma_wait3A_272 = arith.constant 0 : i32
          %dma_wait3A_273 = tpu.memref_slice %arg4[%mul3A_267, %dma_wait3A_272] : memref<8192x256xf32, #tpu.memory_space<hbm>> -> memref<128x256xf32, #tpu.memory_space<hbm>>
          %dma_wait3A_274 = tpu.memref_slice %run_scoped3A_9[%rem3A_265] : memref<2x!tpu.dma_semaphore, #tpu.memory_space<semaphore_mem>> -> memref<1x!tpu.dma_semaphore, #tpu.memory_space<semaphore_mem>>
          %dma_wait3A_275 = tpu.memref_squeeze %dma_wait3A_274 : memref<1x!tpu.dma_semaphore, #tpu.memory_space<semaphore_mem>> -> memref<!tpu.dma_semaphore, #tpu.memory_space<semaphore_mem>>
          %dma_wait3A_276 = arith.constant 0 : i32
          %dma_wait3A_277 = tpu.memref_slice %arg4[%mul3A_267, %dma_wait3A_276] : memref<8192x256xf32, #tpu.memory_space<hbm>> -> memref<128x256xf32, #tpu.memory_space<hbm>>
          %dma_wait3A_278 = arith.constant 0 : i32
          %dma_wait3A_279 = arith.constant 0 : i32
          %dma_wait3A_280 = tpu.memref_slice %run_scoped3A_8[%rem3A_265, %dma_wait3A_278, %dma_wait3A_279] : memref<2x128x256xf32, #tpu.memory_space<vmem>> -> memref<1x128x256xf32, #tpu.memory_space<vmem>>
          %dma_wait3A_281 = tpu.memref_squeeze %dma_wait3A_280 : memref<1x128x256xf32, #tpu.memory_space<vmem>> -> memref<128x256xf32, #tpu.memory_space<vmem>>
          tpu.wait_dma2 semaphore(%dma_wait3A_275 : memref<!tpu.dma_semaphore, #tpu.memory_space<semaphore_mem>>) src(%dma_wait3A_281 : memref<128x256xf32, #tpu.memory_space<vmem>>) dst(%dma_wait3A_277 : memref<128x256xf32, #tpu.memory_space<hbm>>)
          "tpu.trace_stop"() : () -> ()
        } else {
        }
        %and3A_244 = arith.constant true
        %and3A_245 = arith.andi %and3A_240, %and3A_244 : i1
        %add3A_246 = arith.constant 1 : i32
        %add3A_247 = arith.addi %scan3A_125, %add3A_246 : i32
        %select_n3A_248 = arith.select %and3A_245, %add3A_247, %scan3A_125 : i32
        %ne3A_249 = arith.cmpi ne, %add3A_131, %add3A_149 : i32
        %or3A_250 = arith.constant false
        %or3A_251 = arith.ori %or3A_250, %ne3A_249 : i1
        %or3A_252 = arith.ori %or3A_251, %eq3A_130 : i1
        %add3A_253 = arith.constant 1 : i32
        %add3A_254 = arith.addi %scan3A_123, %add3A_253 : i32
        %select_n3A_255 = arith.select %or3A_252, %add3A_254, %scan3A_123 : i32
        %add3A_256 = arith.constant 1 : i32
        %add3A_257 = arith.addi %scan3A_126, %add3A_256 : i32
        %select_n3A_258 = arith.constant true
        %select_n3A_259 = arith.select %select_n3A_258, %add3A_257, %scan3A_126 : i32
        %eq3A_260 = arith.constant 2 : i32
        %eq3A_261 = arith.cmpi eq, %select_n3A_259, %eq3A_260 : i32
        %select_n3A_262 = arith.constant 0 : i32
        %select_n3A_263 = arith.select %eq3A_261, %select_n3A_262, %select_n3A_259 : i32
        scf.yield %select_n3A_167, %select_n3A_255, %select_n3A_221, %select_n3A_248, %select_n3A_263 : i32, i32, i32, i32, i32
      }
      %scan3A_68 = arith.constant 2 : i32
      %sub3A = arith.constant 1 : i32
      %sub3A_69 = arith.subi %scan3A_67#4, %sub3A : i32
      %select_n3A_70 = arith.constant true
      %select_n3A_71 = arith.select %select_n3A_70, %sub3A_69, %scan3A_67#4 : i32
      %eq3A_72 = arith.constant -1 : i32
      %eq3A_73 = arith.cmpi eq, %select_n3A_71, %eq3A_72 : i32
      %select_n3A_74 = arith.constant 1 : i32
      %select_n3A_75 = arith.select %eq3A_73, %select_n3A_74, %select_n3A_71 : i32
      %add3A_76 = arith.addi %select_n3A_75, %mul3A_6 : i32
      %sub3A_77 = arith.constant 1 : i32
      %sub3A_78 = arith.subi %select_n3A_75, %sub3A_77 : i32
      %select_n3A_79 = arith.constant true
      %select_n3A_80 = arith.select %select_n3A_79, %sub3A_78, %select_n3A_75 : i32
      %eq3A_81 = arith.constant -1 : i32
      %eq3A_82 = arith.cmpi eq, %select_n3A_80, %eq3A_81 : i32
      %select_n3A_83 = arith.constant 1 : i32
      %select_n3A_84 = arith.select %eq3A_82, %select_n3A_83, %select_n3A_80 : i32
      %add3A_85 = arith.addi %select_n3A_84, %mul3A_6 : i32
      %add3A_86 = arith.constant 1 : i32
      %add3A_87 = arith.addi %select_n3A_75, %add3A_86 : i32
      %select_n3A_88 = arith.constant true
      %select_n3A_89 = arith.select %select_n3A_88, %add3A_87, %select_n3A_75 : i32
      %eq3A_90 = arith.constant 2 : i32
      %eq3A_91 = arith.cmpi eq, %select_n3A_89, %eq3A_90 : i32
      %select_n3A_92 = arith.constant 0 : i32
      %select_n3A_93 = arith.select %eq3A_91, %select_n3A_92, %select_n3A_89 : i32
      %add3A_94 = arith.addi %select_n3A_93, %mul3A_6 : i32
      %add3A_95 = arith.constant 1 : i32
      %add3A_96 = arith.addi %select_n3A_93, %add3A_95 : i32
      %select_n3A_97 = arith.constant true
      %select_n3A_98 = arith.select %select_n3A_97, %add3A_96, %select_n3A_93 : i32
      %eq3A_99 = arith.constant 2 : i32
      %eq3A_100 = arith.cmpi eq, %select_n3A_98, %eq3A_99 : i32
      %select_n3A_101 = arith.constant 0 : i32
      %select_n3A_102 = arith.select %eq3A_100, %select_n3A_101, %select_n3A_98 : i32
      %add3A_103 = arith.addi %select_n3A_102, %mul3A_6 : i32
      "tpu.trace_start"() <{level = 10 : i32, message = "ep_finalize"}> : () -> ()
      %rem3A_104 = arith.constant 2 : i32
      %rem3A_105 = arith.remui %scan3A_67#3, %rem3A_104 : i32
      %mul3A_106 = arith.constant 128 : i32
      %mul3A_107 = arith.muli %mul3A_106, %add3A_76 : i32
      %dma_wait3A = arith.constant 0 : i32
      %dma_wait3A_108 = arith.constant 0 : i32
      %dma_wait3A_109 = tpu.memref_slice %run_scoped3A_8[%rem3A_105, %dma_wait3A, %dma_wait3A_108] : memref<2x128x256xf32, #tpu.memory_space<vmem>> -> memref<1x128x256xf32, #tpu.memory_space<vmem>>
      %dma_wait3A_110 = tpu.memref_squeeze %dma_wait3A_109 : memref<1x128x256xf32, #tpu.memory_space<vmem>> -> memref<128x256xf32, #tpu.memory_space<vmem>>
      %dma_wait3A_111 = arith.constant 0 : i32
      %dma_wait3A_112 = tpu.memref_slice %arg4[%mul3A_107, %dma_wait3A_111] : memref<8192x256xf32, #tpu.memory_space<hbm>> -> memref<128x256xf32, #tpu.memory_space<hbm>>
      %dma_wait3A_113 = tpu.memref_slice %run_scoped3A_9[%rem3A_105] : memref<2x!tpu.dma_semaphore, #tpu.memory_space<semaphore_mem>> -> memref<1x!tpu.dma_semaphore, #tpu.memory_space<semaphore_mem>>
      %dma_wait3A_114 = tpu.memref_squeeze %dma_wait3A_113 : memref<1x!tpu.dma_semaphore, #tpu.memory_space<semaphore_mem>> -> memref<!tpu.dma_semaphore, #tpu.memory_space<semaphore_mem>>
      %dma_wait3A_115 = arith.constant 0 : i32
      %dma_wait3A_116 = tpu.memref_slice %arg4[%mul3A_107, %dma_wait3A_115] : memref<8192x256xf32, #tpu.memory_space<hbm>> -> memref<128x256xf32, #tpu.memory_space<hbm>>
      %dma_wait3A_117 = arith.constant 0 : i32
      %dma_wait3A_118 = arith.constant 0 : i32
      %dma_wait3A_119 = tpu.memref_slice %run_scoped3A_8[%rem3A_105, %dma_wait3A_117, %dma_wait3A_118] : memref<2x128x256xf32, #tpu.memory_space<vmem>> -> memref<1x128x256xf32, #tpu.memory_space<vmem>>
      %dma_wait3A_120 = tpu.memref_squeeze %dma_wait3A_119 : memref<1x128x256xf32, #tpu.memory_space<vmem>> -> memref<128x256xf32, #tpu.memory_space<vmem>>
      tpu.wait_dma2 semaphore(%dma_wait3A_114 : memref<!tpu.dma_semaphore, #tpu.memory_space<semaphore_mem>>) src(%dma_wait3A_120 : memref<128x256xf32, #tpu.memory_space<vmem>>) dst(%dma_wait3A_116 : memref<128x256xf32, #tpu.memory_space<hbm>>)
      "tpu.trace_stop"() : () -> ()
      tpu.yield
    }) : () -> ()
    return
  }
}

module attributes {stable_mosaic.version = 14 : i64} {
  func.func @_fused_body(%arg0: i32, %arg1: memref<2x16xi32, #tpu.memory_space<smem>>, %arg2: memref<2304x1024xf32, #tpu.memory_space<vmem>>, %arg3: memref<2304x128xf32, #tpu.memory_space<vmem>>, %arg4: memref<1x1024xf32, #tpu.memory_space<vmem>>, %arg5: memref<16x4096x1024xf32, #tpu.memory_space<any>>, %arg6: memref<16x4096x1024xf32, #tpu.memory_space<any>>, %arg7: memref<2304x1024xf32, #tpu.memory_space<vmem>>, %arg8: memref<3x1024x1024xf32, #tpu.memory_space<vmem>>, %arg9: memref<3x1024x1024xf32, #tpu.memory_space<vmem>>, %arg10: memref<1024x1024xbf16, #tpu.memory_space<vmem>>, %arg11: memref<1024x1024xbf16, #tpu.memory_space<vmem>>, %arg12: memref<3x2x!tpu.dma_semaphore, #tpu.memory_space<semaphore_mem>>) attributes {dimension_semantics = [#tpu.dimension_semantics<arbitrary>], iteration_bounds = array<i64: 1>, scalar_prefetch = 1 : i64, scratch_operands = 5 : i64, tpu.core_type = #tpu.core_type<tc>, window_params = [{pipeline_mode = #tpu.pipeline_mode<synchronous>, transform_indices = @transform_0, window_bounds = array<i64: 2304, 1024>}, {pipeline_mode = #tpu.pipeline_mode<synchronous>, transform_indices = @transform_1, window_bounds = array<i64: 2304, 128>}, {pipeline_mode = #tpu.pipeline_mode<synchronous>, transform_indices = @transform_2, window_bounds = array<i64: 1, 1024>}, {}, {}, {pipeline_mode = #tpu.pipeline_mode<synchronous>, transform_indices = @transform_5, window_bounds = array<i64: 2304, 1024>}]} {
    %broadcast_in_dim3A = arith.constant 0.000000e+00 : f32
    %broadcast_in_dim3A_0 = vector.broadcast %broadcast_in_dim3A : f32 to vector<2304x1024xf32>
    %swap3A = arith.constant 0 : index
    %swap3A_1 = arith.constant 0 : index
    %swap3A_2 = vector.load %arg7[%swap3A, %swap3A_1] : memref<2304x1024xf32, #tpu.memory_space<vmem>>, vector<2304x1024xf32>
    tpu.vector_store %arg7[%swap3A, %swap3A_1], %broadcast_in_dim3A_0 {strides = array<i32>} : memref<2304x1024xf32, #tpu.memory_space<vmem>>, vector<2304x1024xf32>,
    %rem3A = arith.constant 0 : i32
    %rem3A_3 = arith.constant 3 : i32
    %rem3A_4 = arith.remsi %rem3A, %rem3A_3 : i32
    %rem3A_5 = arith.constant 0 : i32
    %rem3A_6 = arith.constant 4 : i32
    %rem3A_7 = arith.remsi %rem3A_5, %rem3A_6 : i32
    %mul3A = arith.constant 1024 : i32
    %mul3A_8 = arith.muli %rem3A_7, %mul3A : i32
    %dma_start3A = arith.constant 0 : i32
    %dma_start3A_9 = arith.constant 0 : i32
    %dma_start3A_10 = tpu.memref_slice %arg12[%rem3A_4, %dma_start3A_9] : memref<3x2x!tpu.dma_semaphore, #tpu.memory_space<semaphore_mem>> -> memref<1x1x!tpu.dma_semaphore, #tpu.memory_space<semaphore_mem>>
    %dma_start3A_11 = tpu.memref_squeeze %dma_start3A_10 : memref<1x1x!tpu.dma_semaphore, #tpu.memory_space<semaphore_mem>> -> memref<!tpu.dma_semaphore, #tpu.memory_space<semaphore_mem>>
    %dma_start3A_12 = arith.constant 0 : i32
    %dma_start3A_13 = arith.constant 0 : i32
    %dma_start3A_14 = tpu.memref_slice %arg8[%rem3A_4, %dma_start3A_12, %dma_start3A_13] : memref<3x1024x1024xf32, #tpu.memory_space<vmem>> -> memref<1x1024x1024xf32, #tpu.memory_space<vmem>>
    %dma_start3A_15 = tpu.memref_squeeze %dma_start3A_14 : memref<1x1024x1024xf32, #tpu.memory_space<vmem>> -> memref<1024x1024xf32, #tpu.memory_space<vmem>>
    %dma_start3A_16 = arith.constant 0 : i32
    %dma_start3A_17 = tpu.memref_slice %arg5[%dma_start3A, %mul3A_8, %dma_start3A_16] : memref<16x4096x1024xf32, #tpu.memory_space<any>> -> memref<1x1024x1024xf32, #tpu.memory_space<any>>
    %dma_start3A_18 = tpu.memref_squeeze %dma_start3A_17 : memref<1x1024x1024xf32, #tpu.memory_space<any>> -> memref<1024x1024xf32, #tpu.memory_space<any>>
    tpu.enqueue_dma source(%dma_start3A_18 : memref<1024x1024xf32, #tpu.memory_space<any>>) target(%dma_start3A_15 : memref<1024x1024xf32, #tpu.memory_space<vmem>>) target_semaphore(%dma_start3A_11 : memref<!tpu.dma_semaphore, #tpu.memory_space<semaphore_mem>>)
    %mul3A_19 = arith.constant 1024 : i32
    %mul3A_20 = arith.muli %rem3A_7, %mul3A_19 : i32
    %dma_start3A_21 = arith.constant 0 : i32
    %dma_start3A_22 = arith.constant 1 : i32
    %dma_start3A_23 = tpu.memref_slice %arg12[%rem3A_4, %dma_start3A_22] : memref<3x2x!tpu.dma_semaphore, #tpu.memory_space<semaphore_mem>> -> memref<1x1x!tpu.dma_semaphore, #tpu.memory_space<semaphore_mem>>
    %dma_start3A_24 = tpu.memref_squeeze %dma_start3A_23 : memref<1x1x!tpu.dma_semaphore, #tpu.memory_space<semaphore_mem>> -> memref<!tpu.dma_semaphore, #tpu.memory_space<semaphore_mem>>
    %dma_start3A_25 = arith.constant 0 : i32
    %dma_start3A_26 = arith.constant 0 : i32
    %dma_start3A_27 = tpu.memref_slice %arg9[%rem3A_4, %dma_start3A_25, %dma_start3A_26] : memref<3x1024x1024xf32, #tpu.memory_space<vmem>> -> memref<1x1024x1024xf32, #tpu.memory_space<vmem>>
    %dma_start3A_28 = tpu.memref_squeeze %dma_start3A_27 : memref<1x1024x1024xf32, #tpu.memory_space<vmem>> -> memref<1024x1024xf32, #tpu.memory_space<vmem>>
    %dma_start3A_29 = arith.constant 0 : i32
    %dma_start3A_30 = tpu.memref_slice %arg6[%dma_start3A_21, %mul3A_20, %dma_start3A_29] : memref<16x4096x1024xf32, #tpu.memory_space<any>> -> memref<1x1024x1024xf32, #tpu.memory_space<any>>
    %dma_start3A_31 = tpu.memref_squeeze %dma_start3A_30 : memref<1x1024x1024xf32, #tpu.memory_space<any>> -> memref<1024x1024xf32, #tpu.memory_space<any>>
    tpu.enqueue_dma source(%dma_start3A_31 : memref<1024x1024xf32, #tpu.memory_space<any>>) target(%dma_start3A_28 : memref<1024x1024xf32, #tpu.memory_space<vmem>>) target_semaphore(%dma_start3A_24 : memref<!tpu.dma_semaphore, #tpu.memory_space<semaphore_mem>>)
    %rem3A_32 = arith.constant 1 : i32
    %rem3A_33 = arith.constant 3 : i32
    %rem3A_34 = arith.remsi %rem3A_32, %rem3A_33 : i32
    %rem3A_35 = arith.constant 1 : i32
    %rem3A_36 = arith.constant 4 : i32
    %rem3A_37 = arith.remsi %rem3A_35, %rem3A_36 : i32
    %mul3A_38 = arith.constant 1024 : i32
    %mul3A_39 = arith.muli %rem3A_37, %mul3A_38 : i32
    %dma_start3A_40 = arith.constant 0 : i32
    %dma_start3A_41 = arith.constant 0 : i32
    %dma_start3A_42 = tpu.memref_slice %arg12[%rem3A_34, %dma_start3A_41] : memref<3x2x!tpu.dma_semaphore, #tpu.memory_space<semaphore_mem>> -> memref<1x1x!tpu.dma_semaphore, #tpu.memory_space<semaphore_mem>>
    %dma_start3A_43 = tpu.memref_squeeze %dma_start3A_42 : memref<1x1x!tpu.dma_semaphore, #tpu.memory_space<semaphore_mem>> -> memref<!tpu.dma_semaphore, #tpu.memory_space<semaphore_mem>>
    %dma_start3A_44 = arith.constant 0 : i32
    %dma_start3A_45 = arith.constant 0 : i32
    %dma_start3A_46 = tpu.memref_slice %arg8[%rem3A_34, %dma_start3A_44, %dma_start3A_45] : memref<3x1024x1024xf32, #tpu.memory_space<vmem>> -> memref<1x1024x1024xf32, #tpu.memory_space<vmem>>
    %dma_start3A_47 = tpu.memref_squeeze %dma_start3A_46 : memref<1x1024x1024xf32, #tpu.memory_space<vmem>> -> memref<1024x1024xf32, #tpu.memory_space<vmem>>
    %dma_start3A_48 = arith.constant 0 : i32
    %dma_start3A_49 = tpu.memref_slice %arg5[%dma_start3A_40, %mul3A_39, %dma_start3A_48] : memref<16x4096x1024xf32, #tpu.memory_space<any>> -> memref<1x1024x1024xf32, #tpu.memory_space<any>>
    %dma_start3A_50 = tpu.memref_squeeze %dma_start3A_49 : memref<1x1024x1024xf32, #tpu.memory_space<any>> -> memref<1024x1024xf32, #tpu.memory_space<any>>
    tpu.enqueue_dma source(%dma_start3A_50 : memref<1024x1024xf32, #tpu.memory_space<any>>) target(%dma_start3A_47 : memref<1024x1024xf32, #tpu.memory_space<vmem>>) target_semaphore(%dma_start3A_43 : memref<!tpu.dma_semaphore, #tpu.memory_space<semaphore_mem>>)
    %mul3A_51 = arith.constant 1024 : i32
    %mul3A_52 = arith.muli %rem3A_37, %mul3A_51 : i32
    %dma_start3A_53 = arith.constant 0 : i32
    %dma_start3A_54 = arith.constant 1 : i32
    %dma_start3A_55 = tpu.memref_slice %arg12[%rem3A_34, %dma_start3A_54] : memref<3x2x!tpu.dma_semaphore, #tpu.memory_space<semaphore_mem>> -> memref<1x1x!tpu.dma_semaphore, #tpu.memory_space<semaphore_mem>>
    %dma_start3A_56 = tpu.memref_squeeze %dma_start3A_55 : memref<1x1x!tpu.dma_semaphore, #tpu.memory_space<semaphore_mem>> -> memref<!tpu.dma_semaphore, #tpu.memory_space<semaphore_mem>>
    %dma_start3A_57 = arith.constant 0 : i32
    %dma_start3A_58 = arith.constant 0 : i32
    %dma_start3A_59 = tpu.memref_slice %arg9[%rem3A_34, %dma_start3A_57, %dma_start3A_58] : memref<3x1024x1024xf32, #tpu.memory_space<vmem>> -> memref<1x1024x1024xf32, #tpu.memory_space<vmem>>
    %dma_start3A_60 = tpu.memref_squeeze %dma_start3A_59 : memref<1x1024x1024xf32, #tpu.memory_space<vmem>> -> memref<1024x1024xf32, #tpu.memory_space<vmem>>
    %dma_start3A_61 = arith.constant 0 : i32
    %dma_start3A_62 = tpu.memref_slice %arg6[%dma_start3A_53, %mul3A_52, %dma_start3A_61] : memref<16x4096x1024xf32, #tpu.memory_space<any>> -> memref<1x1024x1024xf32, #tpu.memory_space<any>>
    %dma_start3A_63 = tpu.memref_squeeze %dma_start3A_62 : memref<1x1024x1024xf32, #tpu.memory_space<any>> -> memref<1024x1024xf32, #tpu.memory_space<any>>
    tpu.enqueue_dma source(%dma_start3A_63 : memref<1024x1024xf32, #tpu.memory_space<any>>) target(%dma_start3A_60 : memref<1024x1024xf32, #tpu.memory_space<vmem>>) target_semaphore(%dma_start3A_56 : memref<!tpu.dma_semaphore, #tpu.memory_space<semaphore_mem>>)
    %scan3A = arith.constant 0 : i32
    %scan3A_64 = arith.constant 64 : i32
    %scan3A_65 = arith.addi %scan3A, %scan3A_64 : i32
    %scan3A_66 = arith.constant 1 : i32
    scf.for %scan3A_82 = %scan3A to %scan3A_65 step %scan3A_66  : i32 {
      %rem3A_83 = arith.constant 3 : i32
      %rem3A_84 = arith.remsi %scan3A_82, %rem3A_83 : i32
      %jit3A = arith.constant 4 : i32
      %div3A = arith.divsi %scan3A_82, %jit3A : i32
      %sign3A = arith.constant 0 : i32
      %sign3A_85 = arith.cmpi sgt, %scan3A_82, %sign3A : i32
      %sign3A_86 = arith.extui %sign3A_85 : i1 to i32
      %sign3A_87 = arith.constant 0 : i32
      %sign3A_88 = arith.cmpi slt, %scan3A_82, %sign3A_87 : i32
      %sign3A_89 = arith.extui %sign3A_88 : i1 to i32
      %sign3A_90 = arith.subi %sign3A_86, %sign3A_89 : i32
      %sign3A_91 = arith.constant 0 : i32
      %sign3A_92 = arith.cmpi sgt, %jit3A, %sign3A_91 : i32
      %sign3A_93 = arith.extui %sign3A_92 : i1 to i32
      %sign3A_94 = arith.constant 0 : i32
      %sign3A_95 = arith.cmpi slt, %jit3A, %sign3A_94 : i32
      %sign3A_96 = arith.extui %sign3A_95 : i1 to i32
      %sign3A_97 = arith.subi %sign3A_93, %sign3A_96 : i32
      %ne3A = arith.cmpi ne, %sign3A_90, %sign3A_97 : i32
      %rem3A_98 = arith.remsi %scan3A_82, %jit3A : i32
      %ne3A_99 = arith.constant 0 : i32
      %ne3A_100 = arith.cmpi ne, %rem3A_98, %ne3A_99 : i32
      %and3A = arith.andi %ne3A, %ne3A_100 : i1
      %sub3A = arith.constant 1 : i32
      %sub3A_101 = arith.subi %div3A, %sub3A : i32
      %select_n3A = arith.select %and3A, %sub3A_101, %div3A : i32
      %rem3A_102 = arith.constant 4 : i32
      %rem3A_103 = arith.remsi %scan3A_82, %rem3A_102 : i32
      %add3A_104 = arith.constant 2 : i32
      %add3A_105 = arith.addi %scan3A_82, %add3A_104 : i32
      %lt3A = arith.constant 64 : i32
      %lt3A_106 = arith.cmpi slt, %add3A_105, %lt3A : i32
      %convert_element_type3A = arith.extui %lt3A_106 : i1 to i32
      %cond3A = arith.constant 0 : i32
      %cond3A_107 = arith.cmpi ne, %convert_element_type3A, %cond3A : i32
      scf.if %cond3A_107 {
        %add3A_192 = arith.constant 2 : i32
        %add3A_193 = arith.addi %scan3A_82, %add3A_192 : i32
        %rem3A_194 = arith.constant 3 : i32
        %rem3A_195 = arith.remsi %add3A_193, %rem3A_194 : i32
        %jit3A_196 = arith.constant 4 : i32
        %div3A_197 = arith.divsi %add3A_193, %jit3A_196 : i32
        %sign3A_198 = arith.constant 0 : i32
        %sign3A_199 = arith.cmpi sgt, %add3A_193, %sign3A_198 : i32
        %sign3A_200 = arith.extui %sign3A_199 : i1 to i32
        %sign3A_201 = arith.constant 0 : i32
        %sign3A_202 = arith.cmpi slt, %add3A_193, %sign3A_201 : i32
        %sign3A_203 = arith.extui %sign3A_202 : i1 to i32
        %sign3A_204 = arith.subi %sign3A_200, %sign3A_203 : i32
        %sign3A_205 = arith.constant 0 : i32
        %sign3A_206 = arith.cmpi sgt, %jit3A_196, %sign3A_205 : i32
        %sign3A_207 = arith.extui %sign3A_206 : i1 to i32
        %sign3A_208 = arith.constant 0 : i32
        %sign3A_209 = arith.cmpi slt, %jit3A_196, %sign3A_208 : i32
        %sign3A_210 = arith.extui %sign3A_209 : i1 to i32
        %sign3A_211 = arith.subi %sign3A_207, %sign3A_210 : i32
        %ne3A_212 = arith.cmpi ne, %sign3A_204, %sign3A_211 : i32
        %rem3A_213 = arith.remsi %add3A_193, %jit3A_196 : i32
        %ne3A_214 = arith.constant 0 : i32
        %ne3A_215 = arith.cmpi ne, %rem3A_213, %ne3A_214 : i32
        %and3A_216 = arith.andi %ne3A_212, %ne3A_215 : i1
        %sub3A_217 = arith.constant 1 : i32
        %sub3A_218 = arith.subi %div3A_197, %sub3A_217 : i32
        %select_n3A_219 = arith.select %and3A_216, %sub3A_218, %div3A_197 : i32
        %rem3A_220 = arith.constant 4 : i32
        %rem3A_221 = arith.remsi %add3A_193, %rem3A_220 : i32
        %mul3A_222 = arith.constant 1024 : i32
        %mul3A_223 = arith.muli %rem3A_221, %mul3A_222 : i32
        %dma_start3A_224 = arith.constant 0 : i32
        %dma_start3A_225 = tpu.memref_slice %arg12[%rem3A_195, %dma_start3A_224] : memref<3x2x!tpu.dma_semaphore, #tpu.memory_space<semaphore_mem>> -> memref<1x1x!tpu.dma_semaphore, #tpu.memory_space<semaphore_mem>>
        %dma_start3A_226 = tpu.memref_squeeze %dma_start3A_225 : memref<1x1x!tpu.dma_semaphore, #tpu.memory_space<semaphore_mem>> -> memref<!tpu.dma_semaphore, #tpu.memory_space<semaphore_mem>>
        %dma_start3A_227 = arith.constant 0 : i32
        %dma_start3A_228 = arith.constant 0 : i32
        %dma_start3A_229 = tpu.memref_slice %arg8[%rem3A_195, %dma_start3A_227, %dma_start3A_228] : memref<3x1024x1024xf32, #tpu.memory_space<vmem>> -> memref<1x1024x1024xf32, #tpu.memory_space<vmem>>
        %dma_start3A_230 = tpu.memref_squeeze %dma_start3A_229 : memref<1x1024x1024xf32, #tpu.memory_space<vmem>> -> memref<1024x1024xf32, #tpu.memory_space<vmem>>
        %dma_start3A_231 = arith.constant 0 : i32
        %dma_start3A_232 = tpu.memref_slice %arg5[%select_n3A_219, %mul3A_223, %dma_start3A_231] : memref<16x4096x1024xf32, #tpu.memory_space<any>> -> memref<1x1024x1024xf32, #tpu.memory_space<any>>
        %dma_start3A_233 = tpu.memref_squeeze %dma_start3A_232 : memref<1x1024x1024xf32, #tpu.memory_space<any>> -> memref<1024x1024xf32, #tpu.memory_space<any>>
        tpu.enqueue_dma source(%dma_start3A_233 : memref<1024x1024xf32, #tpu.memory_space<any>>) target(%dma_start3A_230 : memref<1024x1024xf32, #tpu.memory_space<vmem>>) target_semaphore(%dma_start3A_226 : memref<!tpu.dma_semaphore, #tpu.memory_space<semaphore_mem>>)
        %mul3A_234 = arith.constant 1024 : i32
        %mul3A_235 = arith.muli %rem3A_221, %mul3A_234 : i32
        %dma_start3A_236 = arith.constant 1 : i32
        %dma_start3A_237 = tpu.memref_slice %arg12[%rem3A_195, %dma_start3A_236] : memref<3x2x!tpu.dma_semaphore, #tpu.memory_space<semaphore_mem>> -> memref<1x1x!tpu.dma_semaphore, #tpu.memory_space<semaphore_mem>>
        %dma_start3A_238 = tpu.memref_squeeze %dma_start3A_237 : memref<1x1x!tpu.dma_semaphore, #tpu.memory_space<semaphore_mem>> -> memref<!tpu.dma_semaphore, #tpu.memory_space<semaphore_mem>>
        %dma_start3A_239 = arith.constant 0 : i32
        %dma_start3A_240 = arith.constant 0 : i32
        %dma_start3A_241 = tpu.memref_slice %arg9[%rem3A_195, %dma_start3A_239, %dma_start3A_240] : memref<3x1024x1024xf32, #tpu.memory_space<vmem>> -> memref<1x1024x1024xf32, #tpu.memory_space<vmem>>
        %dma_start3A_242 = tpu.memref_squeeze %dma_start3A_241 : memref<1x1024x1024xf32, #tpu.memory_space<vmem>> -> memref<1024x1024xf32, #tpu.memory_space<vmem>>
        %dma_start3A_243 = arith.constant 0 : i32
        %dma_start3A_244 = tpu.memref_slice %arg6[%select_n3A_219, %mul3A_235, %dma_start3A_243] : memref<16x4096x1024xf32, #tpu.memory_space<any>> -> memref<1x1024x1024xf32, #tpu.memory_space<any>>
        %dma_start3A_245 = tpu.memref_squeeze %dma_start3A_244 : memref<1x1024x1024xf32, #tpu.memory_space<any>> -> memref<1024x1024xf32, #tpu.memory_space<any>>
        tpu.enqueue_dma source(%dma_start3A_245 : memref<1024x1024xf32, #tpu.memory_space<any>>) target(%dma_start3A_242 : memref<1024x1024xf32, #tpu.memory_space<vmem>>) target_semaphore(%dma_start3A_238 : memref<!tpu.dma_semaphore, #tpu.memory_space<semaphore_mem>>)
      } else {
      }
      %mul3A_108 = arith.constant 1024 : i32
      %mul3A_109 = arith.muli %rem3A_103, %mul3A_108 : i32
      %dma_wait3A = arith.constant 0 : i32
      %dma_wait3A_110 = tpu.memref_slice %arg12[%rem3A_84, %dma_wait3A] : memref<3x2x!tpu.dma_semaphore, #tpu.memory_space<semaphore_mem>> -> memref<1x1x!tpu.dma_semaphore, #tpu.memory_space<semaphore_mem>>
      %dma_wait3A_111 = tpu.memref_squeeze %dma_wait3A_110 : memref<1x1x!tpu.dma_semaphore, #tpu.memory_space<semaphore_mem>> -> memref<!tpu.dma_semaphore, #tpu.memory_space<semaphore_mem>>
      %dma_wait3A_112 = arith.constant 0 : i32
      %dma_wait3A_113 = arith.constant 0 : i32
      %dma_wait3A_114 = tpu.memref_slice %arg8[%rem3A_84, %dma_wait3A_112, %dma_wait3A_113] : memref<3x1024x1024xf32, #tpu.memory_space<vmem>> -> memref<1x1024x1024xf32, #tpu.memory_space<vmem>>
      %dma_wait3A_115 = tpu.memref_squeeze %dma_wait3A_114 : memref<1x1024x1024xf32, #tpu.memory_space<vmem>> -> memref<1024x1024xf32, #tpu.memory_space<vmem>>
      %dma_wait3A_116 = arith.constant 0 : i32
      %dma_wait3A_117 = tpu.memref_slice %arg5[%select_n3A, %mul3A_109, %dma_wait3A_116] : memref<16x4096x1024xf32, #tpu.memory_space<any>> -> memref<1x1024x1024xf32, #tpu.memory_space<any>>
      %dma_wait3A_118 = tpu.memref_squeeze %dma_wait3A_117 : memref<1x1024x1024xf32, #tpu.memory_space<any>> -> memref<1024x1024xf32, #tpu.memory_space<any>>
      tpu.wait_dma2 semaphore(%dma_wait3A_111 : memref<!tpu.dma_semaphore, #tpu.memory_space<semaphore_mem>>) src(%dma_wait3A_118 : memref<1024x1024xf32, #tpu.memory_space<any>>) dst(%dma_wait3A_115 : memref<1024x1024xf32, #tpu.memory_space<vmem>>)
      %mul3A_119 = arith.constant 1024 : i32
      %mul3A_120 = arith.muli %rem3A_103, %mul3A_119 : i32
      %dma_wait3A_121 = arith.constant 1 : i32
      %dma_wait3A_122 = tpu.memref_slice %arg12[%rem3A_84, %dma_wait3A_121] : memref<3x2x!tpu.dma_semaphore, #tpu.memory_space<semaphore_mem>> -> memref<1x1x!tpu.dma_semaphore, #tpu.memory_space<semaphore_mem>>
      %dma_wait3A_123 = tpu.memref_squeeze %dma_wait3A_122 : memref<1x1x!tpu.dma_semaphore, #tpu.memory_space<semaphore_mem>> -> memref<!tpu.dma_semaphore, #tpu.memory_space<semaphore_mem>>
      %dma_wait3A_124 = arith.constant 0 : i32
      %dma_wait3A_125 = arith.constant 0 : i32
      %dma_wait3A_126 = tpu.memref_slice %arg9[%rem3A_84, %dma_wait3A_124, %dma_wait3A_125] : memref<3x1024x1024xf32, #tpu.memory_space<vmem>> -> memref<1x1024x1024xf32, #tpu.memory_space<vmem>>
      %dma_wait3A_127 = tpu.memref_squeeze %dma_wait3A_126 : memref<1x1024x1024xf32, #tpu.memory_space<vmem>> -> memref<1024x1024xf32, #tpu.memory_space<vmem>>
      %dma_wait3A_128 = arith.constant 0 : i32
      %dma_wait3A_129 = tpu.memref_slice %arg6[%select_n3A, %mul3A_120, %dma_wait3A_128] : memref<16x4096x1024xf32, #tpu.memory_space<any>> -> memref<1x1024x1024xf32, #tpu.memory_space<any>>
      %dma_wait3A_130 = tpu.memref_squeeze %dma_wait3A_129 : memref<1x1024x1024xf32, #tpu.memory_space<any>> -> memref<1024x1024xf32, #tpu.memory_space<any>>
      tpu.wait_dma2 semaphore(%dma_wait3A_123 : memref<!tpu.dma_semaphore, #tpu.memory_space<semaphore_mem>>) src(%dma_wait3A_130 : memref<1024x1024xf32, #tpu.memory_space<any>>) dst(%dma_wait3A_127 : memref<1024x1024xf32, #tpu.memory_space<vmem>>)
      %get3A_131 = arith.index_cast %rem3A_84 : i32 to index
      %get3A_132 = arith.constant 0 : index
      %get3A_133 = arith.constant 0 : index
      %get3A_134 = vector.load %arg8[%get3A_131, %get3A_132, %get3A_133] : memref<3x1024x1024xf32, #tpu.memory_space<vmem>>, vector<1x1024x1024xf32>
      %get3A_135 = vector.shape_cast %get3A_134 : vector<1x1024x1024xf32> to vector<1024x1024xf32>
      %convert_element_type3A_136 = arith.truncf %get3A_135 : vector<1024x1024xf32> to vector<1024x1024xbf16>
      %swap3A_137 = arith.constant 0 : index
      %swap3A_138 = arith.constant 0 : index
      %swap3A_139 = vector.load %arg10[%swap3A_137, %swap3A_138] : memref<1024x1024xbf16, #tpu.memory_space<vmem>>, vector<1024x1024xbf16>
      tpu.vector_store %arg10[%swap3A_137, %swap3A_138], %convert_element_type3A_136 {strides = array<i32>} : memref<1024x1024xbf16, #tpu.memory_space<vmem>>, vector<1024x1024xbf16>,
      %get3A_140 = arith.index_cast %rem3A_84 : i32 to index
      %get3A_141 = arith.constant 0 : index
      %get3A_142 = arith.constant 0 : index
      %get3A_143 = vector.load %arg9[%get3A_140, %get3A_141, %get3A_142] : memref<3x1024x1024xf32, #tpu.memory_space<vmem>>, vector<1x1024x1024xf32>
      %get3A_144 = vector.shape_cast %get3A_143 : vector<1x1024x1024xf32> to vector<1024x1024xf32>
      %convert_element_type3A_145 = arith.truncf %get3A_144 : vector<1024x1024xf32> to vector<1024x1024xbf16>
      %swap3A_146 = arith.constant 0 : index
      %swap3A_147 = arith.constant 0 : index
      %swap3A_148 = vector.load %arg11[%swap3A_146, %swap3A_147] : memref<1024x1024xbf16, #tpu.memory_space<vmem>>, vector<1024x1024xbf16>
      tpu.vector_store %arg11[%swap3A_146, %swap3A_147], %convert_element_type3A_145 {strides = array<i32>} : memref<1024x1024xbf16, #tpu.memory_space<vmem>>, vector<1024x1024xbf16>,
      %get3A_149 = arith.constant 0 : index
      %get3A_150 = arith.index_cast %select_n3A : i32 to index
      %get3A_151 = memref.load %arg1[%get3A_149, %get3A_150] : memref<2x16xi32, #tpu.memory_space<smem>>
      %get3A_152 = arith.constant 1 : index
      %get3A_153 = arith.index_cast %select_n3A : i32 to index
      %get3A_154 = memref.load %arg1[%get3A_152, %get3A_153] : memref<2x16xi32, #tpu.memory_space<smem>>
      %add3A_155 = arith.constant 128 : i32
      %add3A_156 = arith.addi %get3A_154, %add3A_155 : i32
      %sub3A_157 = arith.constant 1 : i32
      %sub3A_158 = arith.subi %add3A_156, %sub3A_157 : i32
      %jit3A_159 = arith.constant 128 : i32
      %div3A_160 = arith.divsi %sub3A_158, %jit3A_159 : i32
      %sign3A_161 = arith.constant 0 : i32
      %sign3A_162 = arith.cmpi sgt, %sub3A_158, %sign3A_161 : i32
      %sign3A_163 = arith.extui %sign3A_162 : i1 to i32
      %sign3A_164 = arith.constant 0 : i32
      %sign3A_165 = arith.cmpi slt, %sub3A_158, %sign3A_164 : i32
      %sign3A_166 = arith.extui %sign3A_165 : i1 to i32
      %sign3A_167 = arith.subi %sign3A_163, %sign3A_166 : i32
      %sign3A_168 = arith.constant 0 : i32
      %sign3A_169 = arith.cmpi sgt, %jit3A_159, %sign3A_168 : i32
      %sign3A_170 = arith.extui %sign3A_169 : i1 to i32
      %sign3A_171 = arith.constant 0 : i32
      %sign3A_172 = arith.cmpi slt, %jit3A_159, %sign3A_171 : i32
      %sign3A_173 = arith.extui %sign3A_172 : i1 to i32
      %sign3A_174 = arith.subi %sign3A_170, %sign3A_173 : i32
      %ne3A_175 = arith.cmpi ne, %sign3A_167, %sign3A_174 : i32
      %rem3A_176 = arith.remsi %sub3A_158, %jit3A_159 : i32
      %ne3A_177 = arith.constant 0 : i32
      %ne3A_178 = arith.cmpi ne, %rem3A_176, %ne3A_177 : i32
      %and3A_179 = arith.andi %ne3A_175, %ne3A_178 : i1
      %sub3A_180 = arith.constant 1 : i32
      %sub3A_181 = arith.subi %div3A_160, %sub3A_180 : i32
      %select_n3A_182 = arith.select %and3A_179, %sub3A_181, %div3A_160 : i32
      %while3A = arith.constant 0 : i32
      %while3A_183 = arith.constant 0 : i32
      %while3A_184 = arith.subi %select_n3A_182, %while3A_183 : i32
      %while3A_185 = arith.addi %while3A_183, %while3A_184 : i32
      %while3A_186 = arith.constant 1 : i32
      %while3A_187 = arith.divsi %while3A_184, %while3A_186 : i32
      %while3A_188 = arith.muli %while3A_187, %while3A_186 : i32
      %while3A_189 = arith.addi %while3A_183, %while3A_188 : i32
      %while3A_190 = arith.constant 1 : i32
      scf.for %while3A_192 = %while3A_183 to %while3A_189 step %while3A_190  : i32 {
        %mul3A_193 = arith.constant 8 : i32
        %mul3A_194 = arith.muli %get3A_151, %mul3A_193 : i32
        %mul3A_195 = arith.constant 128 : i32
        %mul3A_196 = arith.muli %while3A_192, %mul3A_195 : i32
        %add3A_197 = arith.addi %mul3A_194, %mul3A_196 : i32
        %iota3A = tpu.iota {dimensions = array<i32: 0>} : vector<128x1xi32>
        %add3A_198 = vector.broadcast %add3A_197 : i32 to vector<128x1xi32>
        %add3A_199 = arith.addi %add3A_198, %iota3A : vector<128x1xi32>
        %mul3A_200 = arith.constant 8 : i32
        %mul3A_201 = arith.muli %get3A_151, %mul3A_200 : i32
        %add3A_202 = arith.addi %mul3A_201, %get3A_154 : i32
        %lt3A_203 = vector.broadcast %add3A_202 : i32 to vector<128x1xi32>
        %lt3A_204 = arith.cmpi slt, %add3A_199, %lt3A_203 : vector<128x1xi32>
        %get3A_205 = arith.index_cast %add3A_197 : i32 to index
        %get3A_206 = arith.constant 0 : index
        %get3A_207 = vector.load %arg2[%get3A_205, %get3A_206] : memref<2304x1024xf32, #tpu.memory_space<vmem>>, vector<128x1024xf32>
        %jit3A_208 = arith.constant 0.000000e+00 : f32
        %broadcast_in_dim3A_209 = vector.shape_cast %lt3A_204 : vector<128x1xi1> to vector<128x1xi1>
        %broadcast_in_dim3A_210 = vector.broadcast %broadcast_in_dim3A_209 : vector<128x1xi1> to vector<128x1024xi1>
        %broadcast_in_dim3A_211 = vector.broadcast %jit3A_208 : f32 to vector<128x1024xf32>
        %select_n3A_212 = arith.select %broadcast_in_dim3A_210, %get3A_207, %broadcast_in_dim3A_211 : vector<128x1024xi1>, vector<128x1024xf32>
        %convert_element_type3A_213 = arith.truncf %select_n3A_212 : vector<128x1024xf32> to vector<128x1024xbf16>
        %get3A_214 = arith.constant 0 : index
        %get3A_215 = arith.constant 0 : index
        %get3A_216 = vector.load %arg10[%get3A_214, %get3A_215] : memref<1024x1024xbf16, #tpu.memory_space<vmem>>, vector<1024x1024xbf16>
        %dot_general3A = arith.constant dense<0.000000e+00> : vector<128x1024xf32>
        %dot_general3A_217 = tpu.matmul %convert_element_type3A_213, %get3A_216, %dot_general3A {dimension_numbers = #tpu.dot_dimension_numbers<[1], [1], [0], [0], [0, 0, 1, 0], [], []>, transpose_lhs_hint = false} : vector<128x1024xbf16>, vector<1024x1024xbf16>, vector<128x1024xf32> -> vector<128x1024xf32>
        %mul3A_218 = arith.constant 5.000000e-01 : f32
        %mul3A_219 = vector.broadcast %mul3A_218 : f32 to vector<128x1024xf32>
        %mul3A_220 = arith.mulf %mul3A_219, %dot_general3A_217 : vector<128x1024xf32>
        %mul3A_221 = arith.constant 0.707106769 : f32
        %mul3A_222 = vector.broadcast %mul3A_221 : f32 to vector<128x1024xf32>
        %mul3A_223 = arith.mulf %dot_general3A_217, %mul3A_222 : vector<128x1024xf32>
        %erf3A = math.erf %mul3A_223 : vector<128x1024xf32>
        %add3A_224 = arith.constant 1.000000e+00 : f32
        %add3A_225 = vector.broadcast %add3A_224 : f32 to vector<128x1024xf32>
        %add3A_226 = arith.addf %add3A_225, %erf3A : vector<128x1024xf32>
        %mul3A_227 = arith.mulf %mul3A_220, %add3A_226 : vector<128x1024xf32>
        %convert_element_type3A_228 = arith.truncf %mul3A_227 : vector<128x1024xf32> to vector<128x1024xbf16>
        %get3A_229 = arith.constant 0 : index
        %get3A_230 = arith.constant 0 : index
        %get3A_231 = vector.load %arg11[%get3A_229, %get3A_230] : memref<1024x1024xbf16, #tpu.memory_space<vmem>>, vector<1024x1024xbf16>
        %dot_general3A_232 = arith.constant dense<0.000000e+00> : vector<128x1024xf32>
        %dot_general3A_233 = tpu.matmul %convert_element_type3A_228, %get3A_231, %dot_general3A_232 {dimension_numbers = #tpu.dot_dimension_numbers<[1], [0], [0], [1], [0, 0, 1, 1], [], []>, transpose_lhs_hint = false} : vector<128x1024xbf16>, vector<1024x1024xbf16>, vector<128x1024xf32> -> vector<128x1024xf32>
        %get3A_234 = arith.index_cast %add3A_197 : i32 to index
        %get3A_235 = arith.constant 0 : index
        %get3A_236 = vector.load %arg7[%get3A_234, %get3A_235] : memref<2304x1024xf32, #tpu.memory_space<vmem>>, vector<128x1024xf32>
        %add3A_237 = arith.addf %get3A_236, %dot_general3A_233 : vector<128x1024xf32>
        %swap3A_238 = arith.index_cast %add3A_197 : i32 to index
        %swap3A_239 = arith.constant 0 : index
        %swap3A_240 = vector.load %arg7[%swap3A_238, %swap3A_239] : memref<2304x1024xf32, #tpu.memory_space<vmem>>, vector<128x1024xf32>
        tpu.vector_store %arg7[%swap3A_238, %swap3A_239], %add3A_237 {strides = array<i32>} : memref<2304x1024xf32, #tpu.memory_space<vmem>>, vector<128x1024xf32>,
      }
      %while3A_191 = arith.constant 1 : i32
      scf.for %while3A_192 = %while3A_189 to %while3A_185 step %while3A_191  : i32 {
        %mul3A_193 = arith.constant 8 : i32
        %mul3A_194 = arith.muli %get3A_151, %mul3A_193 : i32
        %mul3A_195 = arith.constant 128 : i32
        %mul3A_196 = arith.muli %while3A_192, %mul3A_195 : i32
        %add3A_197 = arith.addi %mul3A_194, %mul3A_196 : i32
        %iota3A = tpu.iota {dimensions = array<i32: 0>} : vector<128x1xi32>
        %add3A_198 = vector.broadcast %add3A_197 : i32 to vector<128x1xi32>
        %add3A_199 = arith.addi %add3A_198, %iota3A : vector<128x1xi32>
        %mul3A_200 = arith.constant 8 : i32
        %mul3A_201 = arith.muli %get3A_151, %mul3A_200 : i32
        %add3A_202 = arith.addi %mul3A_201, %get3A_154 : i32
        %lt3A_203 = vector.broadcast %add3A_202 : i32 to vector<128x1xi32>
        %lt3A_204 = arith.cmpi slt, %add3A_199, %lt3A_203 : vector<128x1xi32>
        %get3A_205 = arith.index_cast %add3A_197 : i32 to index
        %get3A_206 = arith.constant 0 : index
        %get3A_207 = vector.load %arg2[%get3A_205, %get3A_206] : memref<2304x1024xf32, #tpu.memory_space<vmem>>, vector<128x1024xf32>
        %jit3A_208 = arith.constant 0.000000e+00 : f32
        %broadcast_in_dim3A_209 = vector.shape_cast %lt3A_204 : vector<128x1xi1> to vector<128x1xi1>
        %broadcast_in_dim3A_210 = vector.broadcast %broadcast_in_dim3A_209 : vector<128x1xi1> to vector<128x1024xi1>
        %broadcast_in_dim3A_211 = vector.broadcast %jit3A_208 : f32 to vector<128x1024xf32>
        %select_n3A_212 = arith.select %broadcast_in_dim3A_210, %get3A_207, %broadcast_in_dim3A_211 : vector<128x1024xi1>, vector<128x1024xf32>
        %convert_element_type3A_213 = arith.truncf %select_n3A_212 : vector<128x1024xf32> to vector<128x1024xbf16>
        %get3A_214 = arith.constant 0 : index
        %get3A_215 = arith.constant 0 : index
        %get3A_216 = vector.load %arg10[%get3A_214, %get3A_215] : memref<1024x1024xbf16, #tpu.memory_space<vmem>>, vector<1024x1024xbf16>
        %dot_general3A = arith.constant dense<0.000000e+00> : vector<128x1024xf32>
        %dot_general3A_217 = tpu.matmul %convert_element_type3A_213, %get3A_216, %dot_general3A {dimension_numbers = #tpu.dot_dimension_numbers<[1], [1], [0], [0], [0, 0, 1, 0], [], []>, transpose_lhs_hint = false} : vector<128x1024xbf16>, vector<1024x1024xbf16>, vector<128x1024xf32> -> vector<128x1024xf32>
        %mul3A_218 = arith.constant 5.000000e-01 : f32
        %mul3A_219 = vector.broadcast %mul3A_218 : f32 to vector<128x1024xf32>
        %mul3A_220 = arith.mulf %mul3A_219, %dot_general3A_217 : vector<128x1024xf32>
        %mul3A_221 = arith.constant 0.707106769 : f32
        %mul3A_222 = vector.broadcast %mul3A_221 : f32 to vector<128x1024xf32>
        %mul3A_223 = arith.mulf %dot_general3A_217, %mul3A_222 : vector<128x1024xf32>
        %erf3A = math.erf %mul3A_223 : vector<128x1024xf32>
        %add3A_224 = arith.constant 1.000000e+00 : f32
        %add3A_225 = vector.broadcast %add3A_224 : f32 to vector<128x1024xf32>
        %add3A_226 = arith.addf %add3A_225, %erf3A : vector<128x1024xf32>
        %mul3A_227 = arith.mulf %mul3A_220, %add3A_226 : vector<128x1024xf32>
        %convert_element_type3A_228 = arith.truncf %mul3A_227 : vector<128x1024xf32> to vector<128x1024xbf16>
        %get3A_229 = arith.constant 0 : index
        %get3A_230 = arith.constant 0 : index
        %get3A_231 = vector.load %arg11[%get3A_229, %get3A_230] : memref<1024x1024xbf16, #tpu.memory_space<vmem>>, vector<1024x1024xbf16>
        %dot_general3A_232 = arith.constant dense<0.000000e+00> : vector<128x1024xf32>
        %dot_general3A_233 = tpu.matmul %convert_element_type3A_228, %get3A_231, %dot_general3A_232 {dimension_numbers = #tpu.dot_dimension_numbers<[1], [0], [0], [1], [0, 0, 1, 1], [], []>, transpose_lhs_hint = false} : vector<128x1024xbf16>, vector<1024x1024xbf16>, vector<128x1024xf32> -> vector<128x1024xf32>
        %get3A_234 = arith.index_cast %add3A_197 : i32 to index
        %get3A_235 = arith.constant 0 : index
        %get3A_236 = vector.load %arg7[%get3A_234, %get3A_235] : memref<2304x1024xf32, #tpu.memory_space<vmem>>, vector<128x1024xf32>
        %add3A_237 = arith.addf %get3A_236, %dot_general3A_233 : vector<128x1024xf32>
        %swap3A_238 = arith.index_cast %add3A_197 : i32 to index
        %swap3A_239 = arith.constant 0 : index
        %swap3A_240 = vector.load %arg7[%swap3A_238, %swap3A_239] : memref<2304x1024xf32, #tpu.memory_space<vmem>>, vector<128x1024xf32>
        tpu.vector_store %arg7[%swap3A_238, %swap3A_239], %add3A_237 {strides = array<i32>} : memref<2304x1024xf32, #tpu.memory_space<vmem>>, vector<128x1024xf32>,
      }
    }
    %scan3A_67 = arith.constant 64 : i32
    %get3A = arith.constant 0 : index
    %get3A_68 = arith.constant 0 : index
    %get3A_69 = vector.load %arg7[%get3A, %get3A_68] : memref<2304x1024xf32, #tpu.memory_space<vmem>>, vector<2304x1024xf32>
    %get3A_70 = arith.constant 0 : index
    %get3A_71 = arith.constant 0 : index
    %get3A_72 = vector.load %arg3[%get3A_70, %get3A_71] : memref<2304x128xf32, #tpu.memory_space<vmem>>, vector<2304x1xf32>
    %mul3A_73 = vector.broadcast %get3A_72 : vector<2304x1xf32> to vector<2304x1024xf32>
    %mul3A_74 = arith.mulf %get3A_69, %mul3A_73 : vector<2304x1024xf32>
    %get3A_75 = arith.constant 0 : index
    %get3A_76 = arith.constant 0 : index
    %get3A_77 = vector.load %arg4[%get3A_75, %get3A_76] : memref<1x1024xf32, #tpu.memory_space<vmem>>, vector<1x1024xf32>
    %add3A = vector.broadcast %get3A_77 : vector<1x1024xf32> to vector<2304x1024xf32>
    %add3A_78 = arith.addf %mul3A_74, %add3A : vector<2304x1024xf32>
    %swap3A_79 = arith.constant 0 : index
    %swap3A_80 = arith.constant 0 : index
    %swap3A_81 = vector.load %arg7[%swap3A_79, %swap3A_80] : memref<2304x1024xf32, #tpu.memory_space<vmem>>, vector<2304x1024xf32>
    tpu.vector_store %arg7[%swap3A_79, %swap3A_80], %add3A_78 {strides = array<i32>} : memref<2304x1024xf32, #tpu.memory_space<vmem>>, vector<2304x1024xf32>,
    return
  }
  func.func @transform_0(%arg0: i32, %arg1: memref<2x16xi32, #tpu.memory_space<smem>>) -> (i32, i32) {
    %c0_i32 = arith.constant 0 : i32
    %c0_i32_0 = arith.constant 0 : i32
    %c0_i32_1 = arith.constant 0 : i32
    return %c0_i32, %c0_i32_0 : i32, i32
  }
  func.func @transform_1(%arg0: i32, %arg1: memref<2x16xi32, #tpu.memory_space<smem>>) -> (i32, i32) {
    %c0_i32 = arith.constant 0 : i32
    %c0_i32_0 = arith.constant 0 : i32
    %c0_i32_1 = arith.constant 0 : i32
    return %c0_i32, %c0_i32_0 : i32, i32
  }
  func.func @transform_2(%arg0: i32, %arg1: memref<2x16xi32, #tpu.memory_space<smem>>) -> (i32, i32) {
    %c0_i32 = arith.constant 0 : i32
    %c0_i32_0 = arith.constant 0 : i32
    %c0_i32_1 = arith.constant 0 : i32
    return %c0_i32, %c0_i32_0 : i32, i32
  }
  func.func @transform_5(%arg0: i32, %arg1: memref<2x16xi32, #tpu.memory_space<smem>>) -> (i32, i32) {
    %c0_i32 = arith.constant 0 : i32
    %c0_i32_0 = arith.constant 0 : i32
    %c0_i32_1 = arith.constant 0 : i32
    return %c0_i32, %c0_i32_0 : i32, i32
  }
}

</mosaic_0001>

<sc_bundles>
// kernel: kernel.12.cloned.1.call-start
scs
__scs_entry_jumppad:
0x0: {  	(pc) =	sbr.rel $0x88, $3  }
0x1: {  	(tag) =	ssettag $0x0;
	lr =	simm.s32 $0x1  }
0x2: {  	[smem:$0x3F9B] =	sst lr;
	_ =	strace $0xD0000000  }
0x3: {  	_ = 	snop  }
0x4: {  	_ = 	snop  }
0x5: {  	_ = 	snop  }
0x6: {  	_ = 	snop  }
0x7: {  	_ = 	snop  }
__scs_overlays_trampoline_lowered:
0x8: {  	[smem:$0x3FAA] =	sst s0  }
0x9: {  	[smem:$0x3FAB] =	sst s1  }
0xa: {  	[smem:$0x3FAC] =	sst s2  }
0xb: {  	[smem:$0x3FAD] =	sst s3  }
0xc: {  	[smem:$0x3FAE] =	sst s4  }
0xd: {  	[smem:$0x3FAF] =	sst s5  }
0xe: {  	[smem:$0x3FB0] =	sst s6  }
0xf: {  	[smem:$0x3FB1] =	sst s7  }
0x10: {  	[smem:$0x3FB2] =	sst s8  }
0x11: {  	[smem:$0x3FB3] =	sst s9;
	s0 =	simm.s32 @!p0 $0x0  }
0x12: {  	s1 =	sld [smem:$0x3F99];
	s0 =	simm.s32 @p0 $0x1  }
0x13: {  	[smem:$0x3FB4] =	sst s0;
	s0 =	simm.s32 @!p1 $0x0  }
0x14: {  	s2 =	sld [smem:$0x3F98];
	s0 =	simm.s32 @p1 $0x1  }
0x15: {  	[smem:$0x3FB5] =	sst s0;
	s0 =	simm.s32 @!p2 $0x0  }
0x16: {  	s3 =	sld [smem:$0x3FDB];
	s0 =	simm.s32 @p2 $0x1  }
0x17: {  	s4 =	simm.s32 $0x1BF5;
	[smem:$0x3FB7] =	sst s0  }
0x18: {  	s0 =	sld [smem:$0x3F9A];
	_ =	swait.ge [sflag:s4], $0x0  }
0x19: {  	s7 =	sld [smem:$0x3F9B]  }
0x1a: {  	s8 =	sadd.s32 $0xFFFFE003, lr  }
0x1b: {  	s9 =	sadd.s32 $0xFFFFFEF7, lr;
	s5 =	simm.s32 $0xFFFFFFFF;
	p2 =	slt.u32 s8, $0xFFFFF086  }
0x1c: {  	p1 =	slt.u32 s9, $0xF7A;
	s5 =	simm.s32 @!p2 $0x0  }
0x1d: {  	s5 =	simm.s32 @p1 $0x1;
	p0 =	seq.s32 s7, s2  }
0x1e: {  	s7 =	smul.u32 @!p0 $0xF7A, s2;
	p2 =	seq.s32 @!p0 s5, $0x0  }
0x1f: {  	s9 =	smul.u32 $0xF7A, s1;
	s8 =	simm.s32 @!p0 $0x1BF5;
	p2 =	por !p2, p0  }
0x20: {  	[sflag:s8] =	ssyncset.s32 @!p0 $0xFFFFF086;
	s6 =	sadd.s32 @!p0 s3, s7;
	s7 =	simm.s32 @!p0 $0x108  }
0x21: {  	s3 =	sadd.s32 s3, s9;
	s6 =	sadd.s32 @!p0 $0x88, s6;
	s7 =	simm.s32 @p2 $0x1082  }
0x22: {  	[simem:s7], [sflag:s8] =	dma.local @!p0 [hbm:s6], $0xF7A  }
0x23: {  	s9 =	sor.u32 $0xD0000000, s2;
	s6 =	simm.s32 $0x108;
	_ =	swait.ge @!p0 [sflag:s8], $0x0  }
0x24: {  	s3 =	sadd.s32 $0x88, s3;
	s6 =	simm.s32 @!p1 $0x1082;
	[sflag:s4] =	ssyncset.s32 $0xFFFFF086  }
0x25: {  	[simem:s6], [sflag:s4] =	dma.local [hbm:s3], $0xF7A  }
0x26: {  	[smem:$0x3F9B] =	sst s1;
	(tag) =	ssettag s2;
	_ =	strace s9  }
0x27: {  	s1 =	sld [smem:$0x3FAB]  }
0x28: {  	s2 =	sld [smem:$0x3FAC]  }
0x29: {  	s4 =	sld [smem:$0x3FAE]  }
0x2a: {  	p0 =	seq.s32 s5, $0x0;
	s5 =	sld [smem:$0x3FAF]  }
0x2b: {  	s6 =	sld [smem:$0x3FB0]  }
0x2c: {  	s7 =	sld [smem:$0x3FB1]  }
0x2d: {  	s3 =	simm.s32 $0x108;
	s8 =	sld [smem:$0x3FB2]  }
0x2e: {  	s3 =	simm.s32 @!p0 $0x1082;
	s9 =	sld [smem:$0x3FB3]  }
0x2f: {  	lr =	sadd.s32 s0, s3;
	s0 =	sld [smem:$0x3FAA]  }
0x30: {  	s3 =	sld [smem:$0x3FAD]  }
0x31: {  	[smem:$0x3FB6] =	sst s10  }
0x32: {  	s10 =	sld [smem:$0x3FB4];
	_ =	sdelay $0x3  }
0x33: {  	p0 =	seq.s32 s10, $0x1;
	s10 =	sld [smem:$0x3FB6];
	_ =	sdelay $0x3  }
0x34: {  	[smem:$0x3FB6] =	sst s10  }
0x35: {  	s10 =	sld [smem:$0x3FB5];
	_ =	sdelay $0x3  }
0x36: {  	p1 =	seq.s32 s10, $0x1;
	s10 =	sld [smem:$0x3FB6];
	_ =	sdelay $0x3  }
0x37: {  	[smem:$0x3FB6] =	sst s10  }
0x38: {  	s10 =	sld [smem:$0x3FB7]  }
0x39: {  	_ = 	snop;
	(pc) =	sbr.ind lr, $3  }
0x3a: {  	_ = 	snop  }
0x3b: {  	_ = 	snop  }
0x3c: {  	p2 =	seq.s32 s10, $0x1;
	s10 =	sld [smem:$0x3FB6]  }
0x3d: {  	_ =	shalt  }
0x3e: {  	_ =	shalt  }
0x3f: {  	_ =	shalt  }
0x40: {  	_ =	shalt  }
0x41: {  	_ =	shalt  }
0x42: {  	_ =	shalt  }
0x43: {  	_ =	shalt  }
0x44: {  	_ =	shalt  }
0x45: {  	_ =	shalt  }
0x46: {  	_ =	shalt  }
0x47: {  	_ =	shalt  }
0x48: {  	_ =	shalt  }
0x49: {  	_ =	shalt  }
0x4a: {  	_ =	shalt  }
0x4b: {  	_ =	shalt  }
0x4c: {  	_ =	shalt  }
0x4d: {  	_ =	shalt  }
0x4e: {  	_ =	shalt  }
0x4f: {  	_ =	shalt  }
0x50: {  	_ =	shalt  }
0x51: {  	_ =	shalt  }
0x52: {  	_ =	shalt  }
0x53: {  	_ =	shalt  }
0x54: {  	_ =	shalt  }
0x55: {  	_ =	shalt  }
0x56: {  	_ =	shalt  }
0x57: {  	_ =	shalt  }
0x58: {  	_ =	shalt  }
0x59: {  	_ =	shalt  }
0x5a: {  	_ =	shalt  }
0x5b: {  	_ =	shalt  }
0x5c: {  	_ =	shalt  }
0x5d: {  	_ =	shalt  }
0x5e: {  	_ =	shalt  }
0x5f: {  	_ =	shalt  }
0x60: {  	_ =	shalt  }
0x61: {  	_ =	shalt  }
0x62: {  	_ =	shalt  }
0x63: {  	_ =	shalt  }
0x64: {  	_ =	shalt  }
0x65: {  	_ =	shalt  }
0x66: {  	_ =	shalt  }
0x67: {  	_ =	shalt  }
0x68: {  	_ =	shalt  }
0x69: {  	_ =	shalt  }
0x6a: {  	_ =	shalt  }
0x6b: {  	_ =	shalt  }
0x6c: {  	_ =	shalt  }
0x6d: {  	_ =	shalt  }
0x6e: {  	_ =	shalt  }
0x6f: {  	_ =	shalt  }
0x70: {  	_ =	shalt  }
0x71: {  	_ =	shalt  }
0x72: {  	_ =	shalt  }
0x73: {  	_ =	shalt  }
0x74: {  	_ =	shalt  }
0x75: {  	_ =	shalt  }
0x76: {  	_ =	shalt  }
0x77: {  	_ =	shalt  }
0x78: {  	_ =	shalt  }
0x79: {  	_ =	shalt  }
0x7a: {  	_ =	shalt  }
0x7b: {  	_ =	shalt  }
0x7c: {  	_ =	shalt  }
0x7d: {  	_ =	shalt  }
0x7e: {  	_ =	shalt  }
0x7f: {  	_ =	shalt  }
0x80: {  	_ =	shalt  }
0x81: {  	_ =	shalt  }
0x82: {  	_ =	shalt  }
0x83: {  	_ =	shalt  }
0x84: {  	_ =	shalt  }
0x85: {  	_ =	shalt  }
0x86: {  	_ =	shalt  }
0x87: {  	_ =	shalt  }
.Lfunc_end0:
.L_simem_size_0:
called_computation.2_lowered:
.L_overlay_start_0:
0x88: {  	s2 =	sld [smem:$0x3FD9]  }
0x89: {  	s3 =	sld [smem:$0x3FFE];
	_ =	sdelay $0x1  }
0x8a: {  	s1 =	srdreg.scid  }
0x8b: {  	s0 =	sand.u32 $0x1, s1  }
0x8c: {  	s16 =	sshll.u32 s0, $0xA;
	s2 =	sadd.s32 s3, s2  }
0x8d: {  	s2 =	sadd.s32 s2, s16  }
0x8e: {  	[smem:$0x3FC2] =	sst s2  }
0x8f: {  	_ = 	snop  }
0x90: {  	(tm) =	ssettm $0x1  }
0x91: {  	s17 =	sld [smem:$0x3FFB];
	_ =	sdelay $0x3  }
0x92: {  	_ =	strace s17  }
0x93: {  	s2 =	sld [smem:$0x3FFC];
	_ =	sdelay $0x3  }
0x94: {  	_ =	strace s2  }
0x95: {  	s2 =	sld [smem:$0x3FFD];
	_ =	sdelay $0x3  }
0x96: {  	_ =	strace s2  }
0x97: {  	_ =	strace $0x8FFFFFFF  }
0x98: {  	s18 =	sld [smem:$0x3FDB];
	_ =	sdelay $0x1  }
0x99: {  	s19 =	simm.s32 $_scs_section_size  }
0x9a: {  	s4 =	simm.s32 $_size__tile_overlayer_lowered;
	s5 =	simm.s32 $_tile_overlayer_lowered  }
0x9b: {  	s22 =	simm.s32 $0x1BFF;
	s21 =	sshll.u32 s5, $0x1;
	s2 =	sadd.s32 s19, s18  }
0x9c: {  	s6 =	simm.s32 $0x0;
	s20 =	sshll.u32 s4, $0x1;
	s4 =	sadd.s32 s21, s2  }
0x9d: {  	[timem:s6], [sflag:s22] =	dma.local [hbm:s4], s20  }
0x9e: {  	_ =	swait.ge [sflag:s22], s20  }
0x9f: {  	s3 =	ssub.s32 $0x0, s20;
	[sflag:s22] =	ssyncset.done $0x0  }
0xa0: {  	[sflag:s22] =	ssyncadd.s32 s3;
	_ =	sdelay $0x1  }
0xa1: {  	s23 =	simm.s32 $0x1B8B  }
0xa2: {  	_ =	swait.ge [sflag:s23], $0x1  }
0xa3: {  	[sflag:s23] =	ssyncset.done $0x0  }
0xa4: {  	s25 =	simm.s32 $0x1B8E;
	s24 =	sld [smem:$0x3FFE];
	[sflag:s23] =	ssyncadd.s32 $0xFFFFFFFF  }
0xa5: {  	s26 =	simm.s32 $execute0_lowered;
	[smem:$0x3FD2] =	sst s25  }
0xa6: {  	s4 =	sshll.u32 s26, $0x1;
	_ =	strace $0x80000058;
	[dreg:$0x1] =	wrdreg $0xFFFFFFFF  }
0xa7: {  	s28 =	simm.s32 $_size_execute0_lowered;
	s2 =	sadd.s32 s2, s4;
	[dreg:$0x0] =	wrdreg $0x0  }
0xa8: {  	s4 =	sshll.u32 s28, $0x1;
	[dreg:$0x2] =	wrdreg s2  }
0xa9: {  	[dreg:$0x3] =	wrdreg s4  }
0xaa: {  	[dreg:$0x4] =	wrdreg $0xC0  }
0xab: {  	_ =	task [dreg:s6], $0x5FFFF  }
0xac: {  	[dreg:$0x1] =	wrdreg $0xFFFFFFFF  }
0xad: {  	[dreg:$0x0] =	wrdreg $0x60  }
0xae: {  	[dreg:$0x2] =	wrdreg s24  }
0xaf: {  	[dreg:$0x3] =	wrdreg $0x9  }
0xb0: {  	_ =	task.clear_ibuf [dreg:s6], $0x4FFFF;
	_ =	strace $0x90000058  }
0xb1: {  	s29 =	simm.s32 $0x9;
	_ =	strace $0x80000061  }
0xb2: {  	_ =	swait.ge [sflag:s29], $0x1  }
0xb3: {  	[sflag:s29] =	ssyncadd.s32 $0xFFFFFFFF  }
0xb4: {  	_ =	strace $0x90000061  }
0xb5: {  	_ =	sfence  }
0xb6: {  	s30 =	sld [smem:$0x0];
	_ =	sdelay $0x2  }
0xb7: {  	s31 =	sshll.u32 s1, $0xD;
	s1 =	sshrl.u32 s1, $0x2  }
0xb8: {  	s3 =	sand.u32 $0x4000, s31;
	s1 =	sadd.s32 s1, s30  }
0xb9: {  	s0 =	sor.u32 s3, s0;
	s1 =	sshll.u32 s1, $0x11  }
0xba: {  	s0 =	sor.u32 s1, s0  }
0xbb: {  	s0 =	sadd.s32 $0x8F2B, s0  }
0xbc: {  	[sflag:s0] =	ssyncadd.remote.s32 $0x1  }
0xbd: {  	_ =	sfence.sel $0xFFFF  }
0xbe: {  	[dreg:$0x0] =	wrdreg $0xFFFFFFFF;
	(pc) =	sbr.abs _section_cstart, $3  }
0xbf: {  	[dreg:$0x1] =	wrdreg $0xFFFFFFFF  }
0xc0: {  	_ =	task.clear_ibuf [dreg:s6], $0x2FFFF;
	_ =	strace $0x9FFFFFFF  }
0xc1: {  	(tm) =	ssettm $0x7FFFFFFF  }
tec
execute0_lowered:
.L_overlay_start_1:
0x0: {  	(tag) =	ssettag $0x1  }
0x1: {  	s5 =	rddreg [dreg:$0x0]  }
0x2: {  	s0 =	rddreg [dreg:$0x1];
	s1 =	simm.s32 $0x0  }
0x3: {  	s2 =	srdreg.scid;
	s10 =	simm.s32 $0x4;
	s11 =	simm.s32 $0x0  }
0x4: {  	[smem:$0x7FF] =	sst s1;
	s3 =	sadd.s32 $0x600, s5;
	s4 =	sand.u32 $0x1, s2  }
.Ltmp0:
0x5: {  	s2 =	stileid.u32;
	_ =	strace $0x80000059;
	(pc) =	sbr.rel .LBB2_1-.Ltmp0, $4  }
0x6: {  	s6 =	ssub.s32 $0x2, s4;
	s7 =	sshll.u32 s4, $0x4;
	s4 =	sadd.s32 $0x200, s5  }
0x7: {  	v2 =	vlaneseq.u32;
	s5 =	sadd.s32 $0x48600, s5;
	s8 =	sshrl.u32 s6, $0x1;
	s7 =	sor.u32 s2, s7  }
0x8: {  	vm0 =	vmmov $0xffff;
	v1 =	vshrl.u32 v2, $0x3;
	s8 =	ssub.s32 s6, s8;
	s9 =	sshll.u32 s7, $0x5;
	s6 =	sshll.u32 s7, $0x1  }
0x9: {  	v0 =	vand.u32 $0x7, v2;
	v2 =	vor.u32 $0x8, v2;
	v1 =	vmul.u32 $0x8, v1;
	s7 =	sadd.s32 s4, s9;
	s8 =	smax.u32 s8, $0x1;
	s9 =	simm.s32 $0x5  }
.LBB2_4:
0xa: {  	s12 =	sand.u32 $0x1, s12  }
0xb: {  	_ =	strace $0x8000005F;
	s12 =	sadd.s32 $0x3, s12  }
0xc: {  	_ =	swait.ge [sflag:s12], $0x8000  }
0xd: {  	[sflag:s12] =	ssyncset.done $0x0  }
0xe: {  	s11 =	sadd.s32 $0x1, s11;
	[sflag:s12] =	ssyncadd.s32 $0xFFFF8000  }
0xf: {  	p0 =	sne.s32 s11, s8;
	_ =	strace $0x9000005F  }
.Ltmp1:
0x10: {  	_ =	strace $0x80000060;
	(pc) =	sbr.rel @!p0 .LBB2_5-.Ltmp1, $4  }
0x11: {  	_ =	swait.ge [sflag:s10], $0x8000  }
0x12: {  	[sflag:s10] =	ssyncset.done $0x0  }
0x13: {  	[sflag:s10] =	ssyncadd.s32 $0xFFFF8000  }
0x14: {  	_ =	strace $0x90000060  }
.LBB2_1:
0x15: {  	_ =	strace $0x8000005A  }
0x16: {  	p0 =	por $0x1, $0x1;
	p2 =	por $0x0, $0x0;
	s13 =	simm.s32 $0x0  }
0x17: {  	s12 =	simm.s32 $0x0;
	s17 =	simm.s32 $0x0;
	s14 =	simm.s32 $0x0  }
0x18: {  	[tilespmem:s1], [sflag:$0x1] =	stream.linear.gather [hbm4b:s7+s1], $0x80, $0x200038;
	[tilespmem:$0x10100] =	vst v63  }
0x19: {  	s15 =	simm.s32 $0x1;
	s16 =	simm.s32 $0x0;
	_ =	strace $0x9000005A  }
.LBB2_2:
0x1a: {  	s18 =	smov.u32 s13;
	s13 =	sadd.s32 $0x1, s13  }
0x1b: {  	p1 =	seq.s32 s13, $0x2  }
0x1c: {  	s13 =	simm.s32 @p1 $0x0  }
0x1d: {  	p1 =	sne.s32 s18, s13  }
0x1e: {  	p1 =	por !p0, !p1  }
0x1f: {  	p1 =	por !p1, !p1  }
0x20: {  	s19 =	sadd.s32 @p1 s6, s13  }
0x21: {  	s20 =	sand.u32 @p1 $0x1, s15;
	s19 =	sshll.u32 @p1 s19, $0x4  }
0x22: {  	_ =	strace @p1 $0x8000005B;
	s22 =	simm.s32 @p1 $0x0;
	s19 =	sand.u32 @p1 $0x1FFFFFF0, s19  }
0x23: {  	s21 =	sshll.u32 @p1 s20, $0x7;
	s20 =	sadd.s32 @p1 $0x1, s20;
	s19 =	sadd.s32 @p1 s4, s19  }
0x24: {  	[tilespmem:s21], [sflag:s20] =	stream.linear.gather @p1 [hbm4b:s19+s22], $0x80, $0x200038;
	[tilespmem:$0x10100] =	vst v63  }
0x25: {  	s23 =	sand.u32 $0x1, s14;
	_ =	strace @p1 $0x9000005B  }
0x26: {  	s19 =	sadd.s32 $0x1, s23;
	_ =	strace $0x8000005C  }
0x27: {  	_ =	swait.ge [sflag:s19], $0x80  }
0x28: {  	[sflag:s19] =	ssyncset.done $0x0  }
0x29: {  	[sflag:s19] =	ssyncadd.s32 $0xFFFFFF80  }
0x2a: {  	s24 =	sshll.u32 s14, $0x7;
	_ =	strace $0x9000005C  }
0x2b: {  	s22 =	sand.u32 $0x80, s24;
	_ =	strace $0x8000005D  }
0x2c: {  	v3 =	vld [tilespmem:s22+$0x0];
	_ =	sdelay $0x4  }
0x2d: {  	v4 =	vshll.u32 v3, $0x1  }
0x2e: {  	v3 =	vand.u32 $0x7, v3;
	v4 =	vand.u32 $0xFFFFFFF0, v4  }
0x2f: {  	v3 =	vor.u32 v3, v4  }
0x30: {  	v4 =	vperm.xlane v3, v0;
	_ =	sdelay $0x1  }
0x31: {  	v3 =	vperm.xlane v3, v2;
	v4 =	vadd.s32 v1, v4;
	_ =	sdelay $0x1  }
0x32: {  	s19 =	sand.u32 $0x1, s17;
	v3 =	vadd.s32 v1, v3  }
0x33: {  	s21 =	sshll.u32 s19, $0xF  }
0x34: {  	s20 =	sor.u32 $0x100, s21  }
0x35: {  	[tilespmem:s20], [sflag:$0x5] =	stream.indirect_vreg.gather [hbm4b:s3+s1], $0x80, v4, vm0, $0x2000b8;
	[tilespmem:$0x10100] =	vst v63  }
0x36: {  	s23 =	sor.u32 $0x900, s21  }
0x37: {  	[tilespmem:s23], [sflag:$0x5] =	stream.indirect_vreg.gather [hbm4b:s3+s1], $0x80, v3, vm0, $0x2000b8;
	[tilespmem:$0x10100] =	vst v63  }
0x38: {  	v3 =	vld [tilespmem:s22+$0x10];
	_ =	sdelay $0x4  }
0x39: {  	v57 =	vshll.u32 v3, $0x1  }
0x3a: {  	v3 =	vand.u32 $0x7, v3;
	v4 =	vand.u32 $0xFFFFFFF0, v57  }
0x3b: {  	v3 =	vor.u32 v3, v4  }
0x3c: {  	v4 =	vperm.xlane v3, v0;
	_ =	sdelay $0x1  }
0x3d: {  	v3 =	vperm.xlane v3, v2;
	v4 =	vadd.s32 v1, v4;
	_ =	sdelay $0x1  }
0x3e: {  	v3 =	vadd.s32 v1, v3;
	_ =	sdelay $0x1  }
0x3f: {  	s25 =	sor.u32 $0x1100, s21  }
0x40: {  	[tilespmem:s25], [sflag:$0x5] =	stream.indirect_vreg.gather [hbm4b:s3+s1], $0x80, v4, vm0, $0x2000b8;
	[tilespmem:$0x10100] =	vst v63  }
0x41: {  	s26 =	sor.u32 $0x1900, s21  }
0x42: {  	[tilespmem:s26], [sflag:$0x5] =	stream.indirect_vreg.gather [hbm4b:s3+s1], $0x80, v3, vm0, $0x2000b8;
	[tilespmem:$0x10100] =	vst v63  }
0x43: {  	v3 =	vld [tilespmem:s22+$0x20];
	_ =	sdelay $0x4  }
0x44: {  	v58 =	vshll.u32 v3, $0x1  }
0x45: {  	v3 =	vand.u32 $0x7, v3;
	v4 =	vand.u32 $0xFFFFFFF0, v58  }
0x46: {  	v3 =	vor.u32 v3, v4  }
0x47: {  	v4 =	vperm.xlane v3, v0;
	_ =	sdelay $0x1  }
0x48: {  	v3 =	vperm.xlane v3, v2;
	v4 =	vadd.s32 v1, v4;
	_ =	sdelay $0x1  }
0x49: {  	v3 =	vadd.s32 v1, v3;
	_ =	sdelay $0x1  }
0x4a: {  	s28 =	sor.u32 $0x2100, s21  }
0x4b: {  	[tilespmem:s28], [sflag:$0x5] =	stream.indirect_vreg.gather [hbm4b:s3+s1], $0x80, v4, vm0, $0x2000b8;
	[tilespmem:$0x10100] =	vst v63  }
0x4c: {  	s29 =	sor.u32 $0x2900, s21  }
0x4d: {  	[tilespmem:s29], [sflag:$0x5] =	stream.indirect_vreg.gather [hbm4b:s3+s1], $0x80, v3, vm0, $0x2000b8;
	[tilespmem:$0x10100] =	vst v63  }
0x4e: {  	v3 =	vld [tilespmem:s22+$0x30];
	_ =	sdelay $0x4  }
0x4f: {  	v59 =	vshll.u32 v3, $0x1  }
0x50: {  	v3 =	vand.u32 $0x7, v3;
	v4 =	vand.u32 $0xFFFFFFF0, v59  }
0x51: {  	v3 =	vor.u32 v3, v4  }
0x52: {  	v4 =	vperm.xlane v3, v0;
	_ =	sdelay $0x1  }
0x53: {  	v3 =	vperm.xlane v3, v2;
	v4 =	vadd.s32 v1, v4;
	_ =	sdelay $0x1  }
0x54: {  	v3 =	vadd.s32 v1, v3;
	_ =	sdelay $0x1  }
0x55: {  	s30 =	sor.u32 $0x3100, s21  }
0x56: {  	[tilespmem:s30], [sflag:$0x5] =	stream.indirect_vreg.gather [hbm4b:s3+s1], $0x80, v4, vm0, $0x2000b8;
	[tilespmem:$0x10100] =	vst v63  }
0x57: {  	s31 =	sor.u32 $0x3900, s21  }
0x58: {  	[tilespmem:s31], [sflag:$0x5] =	stream.indirect_vreg.gather [hbm4b:s3+s1], $0x80, v3, vm0, $0x2000b8;
	[tilespmem:$0x10100] =	vst v63  }
0x59: {  	v3 =	vld [tilespmem:s22+$0x40];
	_ =	sdelay $0x4  }
0x5a: {  	v60 =	vshll.u32 v3, $0x1  }
0x5b: {  	v3 =	vand.u32 $0x7, v3;
	v4 =	vand.u32 $0xFFFFFFF0, v60  }
0x5c: {  	v3 =	vor.u32 v3, v4  }
0x5d: {  	v4 =	vperm.xlane v3, v0;
	_ =	sdelay $0x1  }
0x5e: {  	v3 =	vperm.xlane v3, v2;
	v4 =	vadd.s32 v1, v4;
	_ =	sdelay $0x1  }
0x5f: {  	v3 =	vadd.s32 v1, v3;
	_ =	sdelay $0x1  }
0x60: {  	s24 =	sor.u32 $0x4100, s21  }
0x61: {  	[tilespmem:s24], [sflag:$0x5] =	stream.indirect_vreg.gather [hbm4b:s3+s1], $0x80, v4, vm0, $0x2000b8;
	[tilespmem:$0x10100] =	vst v63  }
0x62: {  	s25 =	sor.u32 $0x4900, s21  }
0x63: {  	[tilespmem:s25], [sflag:$0x5] =	stream.indirect_vreg.gather [hbm4b:s3+s1], $0x80, v3, vm0, $0x2000b8;
	[tilespmem:$0x10100] =	vst v63  }
0x64: {  	v3 =	vld [tilespmem:s22+$0x50];
	_ =	sdelay $0x4  }
0x65: {  	v61 =	vshll.u32 v3, $0x1  }
0x66: {  	v3 =	vand.u32 $0x7, v3;
	v4 =	vand.u32 $0xFFFFFFF0, v61  }
0x67: {  	v3 =	vor.u32 v3, v4  }
0x68: {  	v4 =	vperm.xlane v3, v0;
	_ =	sdelay $0x1  }
0x69: {  	v3 =	vperm.xlane v3, v2;
	v4 =	vadd.s32 v1, v4;
	_ =	sdelay $0x1  }
0x6a: {  	v3 =	vadd.s32 v1, v3;
	_ =	sdelay $0x1  }
0x6b: {  	s26 =	sor.u32 $0x5100, s21  }
0x6c: {  	[tilespmem:s26], [sflag:$0x5] =	stream.indirect_vreg.gather [hbm4b:s3+s1], $0x80, v4, vm0, $0x2000b8;
	[tilespmem:$0x10100] =	vst v63  }
0x6d: {  	s28 =	sor.u32 $0x5900, s21  }
0x6e: {  	[tilespmem:s28], [sflag:$0x5] =	stream.indirect_vreg.gather [hbm4b:s3+s1], $0x80, v3, vm0, $0x2000b8;
	[tilespmem:$0x10100] =	vst v63  }
0x6f: {  	v3 =	vld [tilespmem:s22+$0x60];
	_ =	sdelay $0x4  }
0x70: {  	v62 =	vshll.u32 v3, $0x1  }
0x71: {  	v3 =	vand.u32 $0x7, v3;
	v4 =	vand.u32 $0xFFFFFFF0, v62  }
0x72: {  	v3 =	vor.u32 v3, v4  }
0x73: {  	v4 =	vperm.xlane v3, v0;
	_ =	sdelay $0x1  }
0x74: {  	v3 =	vperm.xlane v3, v2;
	v4 =	vadd.s32 v1, v4;
	_ =	sdelay $0x1  }
0x75: {  	v3 =	vadd.s32 v1, v3;
	_ =	sdelay $0x1  }
0x76: {  	s29 =	sor.u32 $0x6100, s21  }
0x77: {  	[tilespmem:s29], [sflag:$0x5] =	stream.indirect_vreg.gather [hbm4b:s3+s1], $0x80, v4, vm0, $0x2000b8;
	[tilespmem:$0x10100] =	vst v63  }
0x78: {  	s30 =	sor.u32 $0x6900, s21  }
0x79: {  	[tilespmem:s30], [sflag:$0x5] =	stream.indirect_vreg.gather [hbm4b:s3+s1], $0x80, v3, vm0, $0x2000b8;
	[tilespmem:$0x10100] =	vst v63  }
0x7a: {  	v3 =	vld [tilespmem:s22+$0x70];
	_ =	sdelay $0x4  }
0x7b: {  	v63 =	vshll.u32 v3, $0x1  }
0x7c: {  	v3 =	vand.u32 $0x7, v3;
	v4 =	vand.u32 $0xFFFFFFF0, v63  }
0x7d: {  	v3 =	vor.u32 v3, v4  }
0x7e: {  	v4 =	vperm.xlane v3, v0;
	_ =	sdelay $0x1  }
0x7f: {  	v3 =	vperm.xlane v3, v2;
	v4 =	vadd.s32 v1, v4;
	_ =	sdelay $0x1  }
0x80: {  	v3 =	vadd.s32 v1, v3;
	_ =	sdelay $0x1  }
0x81: {  	p2 =	por !p2, !p2;
	p3 =	seq.s32 s18, s13;
	s31 =	sor.u32 $0x7100, s21  }
0x82: {  	[tilespmem:s31], [sflag:$0x5] =	stream.indirect_vreg.gather [hbm4b:s3+s1], $0x80, v4, vm0, $0x2000b8;
	[tilespmem:$0x10100] =	vst v63  }
0x83: {  	p2 =	por !p2, !p3;
	s21 =	sor.u32 $0x7900, s21  }
0x84: {  	[tilespmem:s21], [sflag:$0x5] =	stream.indirect_vreg.gather [hbm4b:s3+s1], $0x80, v3, vm0, $0x2000b8;
	[tilespmem:$0x10100] =	vst v63  }
0x85: {  	s18 =	sadd.s32 s6, s18;
	p2 =	por !p2, !p2;
	_ =	swait.ge [sflag:s9], $0x8000  }
0x86: {  	s18 =	sshll.u32 @!p2 s18, $0xC;
	p0 =	por p2, p0;
	[sflag:s9] =	ssyncset.done $0x0  }
.Ltmp2:
0x87: {  	s18 =	sand.u32 @!p2 $0x1FFFF000, s18;
	[sflag:s9] =	ssyncadd.s32 $0xFFFF8000;
	(pc) =	sbr.rel @!p0 .LBB2_4-.Ltmp2, $4  }
0x88: {  	s18 =	sadd.s32 @!p2 s5, s18;
	_ =	strace $0x9000005D  }
0x89: {  	s19 =	sadd.s32 @!p2 $0x3, s19;
	s21 =	simm.s32 @!p2 $0x0;
	_ =	strace @!p2 $0x8000005E  }
0x8a: {  	[hbm4b:s18+s21] =	stream.linear.scatter @!p2 [tilespmem:s20], [sflag:s19], $0x8000, $0x200038;
	[tilespmem:$0x10100] =	vst v63  }
0x8b: {  	_ =	strace @!p2 $0x9000005E  }
.Ltmp3:
0x8c: {  	s18 =	simm.s32 $0x1;
	(pc) =	sbr.rel .LBB2_2-.Ltmp3, $4  }
0x8d: {  	s19 =	simm.s32 @!p2 $0x1;
	s12 =	sadd.s32 s16, s12;
	s18 =	simm.s32 @!p1 $0x0  }
0x8e: {  	s16 =	simm.s32 $0x1;
	s15 =	sadd.s32 s18, s15;
	s18 =	sadd.s32 @!p2 $0x1, s17  }
0x8f: {  	p0 =	por $0x0, $0x0;
	s19 =	simm.s32 @p2 $0x0;
	s18 =	smov.u32 @p2 s17  }
0x90: {  	s14 =	sadd.s32 s14, s19;
	p2 =	por $0x1, $0x1;
	s17 =	smov.u32 s18  }
.LBB2_5:
0x91: {  	_ =	sfence.sel $0x180000  }
0x92: {  	[bflag:$0x0] =	sbarrier.arrive $0xFFFF  }
0x93: {  	p0 =	sne.s32 s2, $0x0;
	_ =	strace $0x90000059  }
0x94: {  	s0 =	sadd.s32 @!p0 $0x100000, s0;
	[bflag:$0x2] =	sbarrier.arrive $0xFFFF  }
0x95: {  	[sflag:s0] =	ssyncadd.tile.s32 @!p0 $0x1;
	_ =	shalt  }
.Lfunc_end2:
_tile_overlayer_lowered:
.L_overlay_start_2:
0x96: {  	(tag) =	ssettag $0x2  }
0x97: {  	s0 =	rddreg [dreg:$0x0];
	s2 =	stileid.u32  }
0x98: {  	s1 =	rddreg [dreg:$0x1];
	p0 =	sne.s32 s2, $0x0  }
0x99: {  	s3 =	rddreg [dreg:$0x2];
	[bflag:$0x3] =	sbarrier.arrive $0xFFFF;
	s2 =	simm.s32 @!p0 $0x1C01  }
0x9a: {  	[timem:s3], [sflag:s2] =	dma.local @!p0 [hbm:s0], s1  }
0x9b: {  	s0 =	simm.s32 @!p0 $0x1  }
0x9c: {  	_ =	swait.ge @!p0 [sflag:s0], s1  }
0x9d: {  	s1 =	ssub.s32 @!p0 $0x0, s1;
	[sflag:s0] =	ssyncset.done @!p0 $0x0  }
0x9e: {  	[sflag:s0] =	ssyncadd.s32 @!p0 s1  }
0x9f: {  	[bflag:$0x3] =	sbarrier.arrive $0xFFFF  }
0xa0: {  	_ =	shalt  }

// kernel: kernel.6.cloned.1.call-start
scs
__scs_entry_jumppad:
0x0: {  	(pc) =	sbr.rel $0x88, $3  }
0x1: {  	(tag) =	ssettag $0x0;
	lr =	simm.s32 $0x1  }
0x2: {  	[smem:$0x3F9B] =	sst lr;
	_ =	strace $0xD0000000  }
0x3: {  	_ = 	snop  }
0x4: {  	_ = 	snop  }
0x5: {  	_ = 	snop  }
0x6: {  	_ = 	snop  }
0x7: {  	_ = 	snop  }
__scs_overlays_trampoline_lowered:
0x8: {  	[smem:$0x3FAA] =	sst s0  }
0x9: {  	[smem:$0x3FAB] =	sst s1  }
0xa: {  	[smem:$0x3FAC] =	sst s2  }
0xb: {  	[smem:$0x3FAD] =	sst s3  }
0xc: {  	[smem:$0x3FAE] =	sst s4  }
0xd: {  	[smem:$0x3FAF] =	sst s5  }
0xe: {  	[smem:$0x3FB0] =	sst s6  }
0xf: {  	[smem:$0x3FB1] =	sst s7  }
0x10: {  	[smem:$0x3FB2] =	sst s8  }
0x11: {  	[smem:$0x3FB3] =	sst s9;
	s0 =	simm.s32 @!p0 $0x0  }
0x12: {  	s1 =	sld [smem:$0x3F99];
	s0 =	simm.s32 @p0 $0x1  }
0x13: {  	[smem:$0x3FB4] =	sst s0;
	s0 =	simm.s32 @!p1 $0x0  }
0x14: {  	s2 =	sld [smem:$0x3F98];
	s0 =	simm.s32 @p1 $0x1  }
0x15: {  	[smem:$0x3FB5] =	sst s0;
	s0 =	simm.s32 @!p2 $0x0  }
0x16: {  	s3 =	sld [smem:$0x3FDB];
	s0 =	simm.s32 @p2 $0x1  }
0x17: {  	s4 =	simm.s32 $0x1BF5;
	[smem:$0x3FB7] =	sst s0  }
0x18: {  	s0 =	sld [smem:$0x3F9A];
	_ =	swait.ge [sflag:s4], $0x0  }
0x19: {  	s7 =	sld [smem:$0x3F9B]  }
0x1a: {  	s8 =	sadd.s32 $0xFFFFE003, lr  }
0x1b: {  	s9 =	sadd.s32 $0xFFFFFEF7, lr;
	s5 =	simm.s32 $0xFFFFFFFF;
	p2 =	slt.u32 s8, $0xFFFFF086  }
0x1c: {  	p1 =	slt.u32 s9, $0xF7A;
	s5 =	simm.s32 @!p2 $0x0  }
0x1d: {  	s5 =	simm.s32 @p1 $0x1;
	p0 =	seq.s32 s7, s2  }
0x1e: {  	s7 =	smul.u32 @!p0 $0xF7A, s2;
	p2 =	seq.s32 @!p0 s5, $0x0  }
0x1f: {  	s9 =	smul.u32 $0xF7A, s1;
	s8 =	simm.s32 @!p0 $0x1BF5;
	p2 =	por !p2, p0  }
0x20: {  	[sflag:s8] =	ssyncset.s32 @!p0 $0xFFFFF086;
	s6 =	sadd.s32 @!p0 s3, s7;
	s7 =	simm.s32 @!p0 $0x108  }
0x21: {  	s3 =	sadd.s32 s3, s9;
	s6 =	sadd.s32 @!p0 $0x88, s6;
	s7 =	simm.s32 @p2 $0x1082  }
0x22: {  	[simem:s7], [sflag:s8] =	dma.local @!p0 [hbm:s6], $0xF7A  }
0x23: {  	s9 =	sor.u32 $0xD0000000, s2;
	s6 =	simm.s32 $0x108;
	_ =	swait.ge @!p0 [sflag:s8], $0x0  }
0x24: {  	s3 =	sadd.s32 $0x88, s3;
	s6 =	simm.s32 @!p1 $0x1082;
	[sflag:s4] =	ssyncset.s32 $0xFFFFF086  }
0x25: {  	[simem:s6], [sflag:s4] =	dma.local [hbm:s3], $0xF7A  }
0x26: {  	[smem:$0x3F9B] =	sst s1;
	(tag) =	ssettag s2;
	_ =	strace s9  }
0x27: {  	s1 =	sld [smem:$0x3FAB]  }
0x28: {  	s2 =	sld [smem:$0x3FAC]  }
0x29: {  	s4 =	sld [smem:$0x3FAE]  }
0x2a: {  	p0 =	seq.s32 s5, $0x0;
	s5 =	sld [smem:$0x3FAF]  }
0x2b: {  	s6 =	sld [smem:$0x3FB0]  }
0x2c: {  	s7 =	sld [smem:$0x3FB1]  }
0x2d: {  	s3 =	simm.s32 $0x108;
	s8 =	sld [smem:$0x3FB2]  }
0x2e: {  	s3 =	simm.s32 @!p0 $0x1082;
	s9 =	sld [smem:$0x3FB3]  }
0x2f: {  	lr =	sadd.s32 s0, s3;
	s0 =	sld [smem:$0x3FAA]  }
0x30: {  	s3 =	sld [smem:$0x3FAD]  }
0x31: {  	[smem:$0x3FB6] =	sst s10  }
0x32: {  	s10 =	sld [smem:$0x3FB4];
	_ =	sdelay $0x3  }
0x33: {  	p0 =	seq.s32 s10, $0x1;
	s10 =	sld [smem:$0x3FB6];
	_ =	sdelay $0x3  }
0x34: {  	[smem:$0x3FB6] =	sst s10  }
0x35: {  	s10 =	sld [smem:$0x3FB5];
	_ =	sdelay $0x3  }
0x36: {  	p1 =	seq.s32 s10, $0x1;
	s10 =	sld [smem:$0x3FB6];
	_ =	sdelay $0x3  }
0x37: {  	[smem:$0x3FB6] =	sst s10  }
0x38: {  	s10 =	sld [smem:$0x3FB7]  }
0x39: {  	_ = 	snop;
	(pc) =	sbr.ind lr, $3  }
0x3a: {  	_ = 	snop  }
0x3b: {  	_ = 	snop  }
0x3c: {  	p2 =	seq.s32 s10, $0x1;
	s10 =	sld [smem:$0x3FB6]  }
0x3d: {  	_ =	shalt  }
0x3e: {  	_ =	shalt  }
0x3f: {  	_ =	shalt  }
0x40: {  	_ =	shalt  }
0x41: {  	_ =	shalt  }
0x42: {  	_ =	shalt  }
0x43: {  	_ =	shalt  }
0x44: {  	_ =	shalt  }
0x45: {  	_ =	shalt  }
0x46: {  	_ =	shalt  }
0x47: {  	_ =	shalt  }
0x48: {  	_ =	shalt  }
0x49: {  	_ =	shalt  }
0x4a: {  	_ =	shalt  }
0x4b: {  	_ =	shalt  }
0x4c: {  	_ =	shalt  }
0x4d: {  	_ =	shalt  }
0x4e: {  	_ =	shalt  }
0x4f: {  	_ =	shalt  }
0x50: {  	_ =	shalt  }
0x51: {  	_ =	shalt  }
0x52: {  	_ =	shalt  }
0x53: {  	_ =	shalt  }
0x54: {  	_ =	shalt  }
0x55: {  	_ =	shalt  }
0x56: {  	_ =	shalt  }
0x57: {  	_ =	shalt  }
0x58: {  	_ =	shalt  }
0x59: {  	_ =	shalt  }
0x5a: {  	_ =	shalt  }
0x5b: {  	_ =	shalt  }
0x5c: {  	_ =	shalt  }
0x5d: {  	_ =	shalt  }
0x5e: {  	_ =	shalt  }
0x5f: {  	_ =	shalt  }
0x60: {  	_ =	shalt  }
0x61: {  	_ =	shalt  }
0x62: {  	_ =	shalt  }
0x63: {  	_ =	shalt  }
0x64: {  	_ =	shalt  }
0x65: {  	_ =	shalt  }
0x66: {  	_ =	shalt  }
0x67: {  	_ =	shalt  }
0x68: {  	_ =	shalt  }
0x69: {  	_ =	shalt  }
0x6a: {  	_ =	shalt  }
0x6b: {  	_ =	shalt  }
0x6c: {  	_ =	shalt  }
0x6d: {  	_ =	shalt  }
0x6e: {  	_ =	shalt  }
0x6f: {  	_ =	shalt  }
0x70: {  	_ =	shalt  }
0x71: {  	_ =	shalt  }
0x72: {  	_ =	shalt  }
0x73: {  	_ =	shalt  }
0x74: {  	_ =	shalt  }
0x75: {  	_ =	shalt  }
0x76: {  	_ =	shalt  }
0x77: {  	_ =	shalt  }
0x78: {  	_ =	shalt  }
0x79: {  	_ =	shalt  }
0x7a: {  	_ =	shalt  }
0x7b: {  	_ =	shalt  }
0x7c: {  	_ =	shalt  }
0x7d: {  	_ =	shalt  }
0x7e: {  	_ =	shalt  }
0x7f: {  	_ =	shalt  }
0x80: {  	_ =	shalt  }
0x81: {  	_ =	shalt  }
0x82: {  	_ =	shalt  }
0x83: {  	_ =	shalt  }
0x84: {  	_ =	shalt  }
0x85: {  	_ =	shalt  }
0x86: {  	_ =	shalt  }
0x87: {  	_ =	shalt  }
.Lfunc_end0:
.L_simem_size_0:
called_computation_lowered:
.L_overlay_start_0:
0x88: {  	s2 =	sld [smem:$0x3FD9]  }
0x89: {  	s3 =	sld [smem:$0x3FFE];
	_ =	sdelay $0x1  }
0x8a: {  	s1 =	srdreg.scid  }
0x8b: {  	s0 =	sand.u32 $0x1, s1  }
0x8c: {  	s17 =	sshll.u32 s0, $0xA;
	s2 =	sadd.s32 s3, s2  }
0x8d: {  	s2 =	sadd.s32 s2, s17  }
0x8e: {  	[smem:$0x3FC2] =	sst s2  }
0x8f: {  	_ = 	snop  }
0x90: {  	s2 =	sld [smem:$0x3FD0];
	(tm) =	ssettm $0x1  }
0x91: {  	s18 =	sld [smem:$0x3FFB];
	_ =	sdelay $0x3  }
0x92: {  	_ =	strace s18  }
0x93: {  	s3 =	sld [smem:$0x3FFC];
	_ =	sdelay $0x3  }
0x94: {  	_ =	strace s3  }
0x95: {  	s3 =	sld [smem:$0x3FFD];
	_ =	sdelay $0x3  }
0x96: {  	_ =	strace s3  }
0x97: {  	_ =	strace $0x8FFFFFFF  }
0x98: {  	s19 =	sld [smem:$0x3FDB];
	_ =	sdelay $0x1  }
0x99: {  	s4 =	simm.s32 $_scs_section_size  }
0x9a: {  	s5 =	simm.s32 $_size__tile_overlayer_lowered;
	s6 =	simm.s32 $_tile_overlayer_lowered  }
0x9b: {  	s22 =	simm.s32 $0x1BFF;
	s21 =	sshll.u32 s6, $0x1;
	s3 =	sadd.s32 s4, s19  }
0x9c: {  	s7 =	simm.s32 $0x0;
	s20 =	sshll.u32 s5, $0x1;
	s5 =	sadd.s32 s21, s3  }
0x9d: {  	[timem:s7], [sflag:s22] =	dma.local [hbm:s5], s20  }
0x9e: {  	_ =	swait.ge [sflag:s22], s20  }
0x9f: {  	s4 =	ssub.s32 $0x0, s20;
	[sflag:s22] =	ssyncset.done $0x0  }
0xa0: {  	[sflag:s22] =	ssyncadd.s32 s4;
	_ =	sdelay $0x1  }
0xa1: {  	s23 =	simm.s32 $0x1B8B  }
0xa2: {  	_ =	swait.ge [sflag:s23], $0x1  }
0xa3: {  	[sflag:s23] =	ssyncset.done $0x0  }
0xa4: {  	s25 =	simm.s32 $0x1B8E;
	s24 =	sld [smem:$0x3FFE];
	[sflag:s23] =	ssyncadd.s32 $0xFFFFFFFF  }
0xa5: {  	s26 =	simm.s32 $execute0_lowered;
	[smem:$0x3FD2] =	sst s25  }
0xa6: {  	s5 =	sshll.u32 s26, $0x1;
	_ =	strace $0x80000046;
	[dreg:$0x1] =	wrdreg $0xFFFFFFFF  }
0xa7: {  	s28 =	simm.s32 $_size_execute0_lowered;
	s3 =	sadd.s32 s3, s5;
	[dreg:$0x0] =	wrdreg $0x0  }
0xa8: {  	s5 =	sshll.u32 s28, $0x1;
	[dreg:$0x2] =	wrdreg s3  }
0xa9: {  	[dreg:$0x3] =	wrdreg s5  }
0xaa: {  	[dreg:$0x4] =	wrdreg $0xC0  }
0xab: {  	_ =	task [dreg:s7], $0x5FFFF  }
0xac: {  	[dreg:$0x1] =	wrdreg $0xFFFFFFFF  }
0xad: {  	[dreg:$0x0] =	wrdreg $0x60  }
0xae: {  	[dreg:$0x2] =	wrdreg s2  }
0xaf: {  	[dreg:$0x3] =	wrdreg s24  }
0xb0: {  	[dreg:$0x4] =	wrdreg $0x9  }
0xb1: {  	_ =	task.clear_ibuf [dreg:s7], $0x5FFFF;
	_ =	strace $0x90000046  }
0xb2: {  	s29 =	simm.s32 $0x9;
	_ =	strace $0x8000004E  }
0xb3: {  	_ =	swait.ge [sflag:s29], $0x1  }
0xb4: {  	[sflag:s29] =	ssyncadd.s32 $0xFFFFFFFF  }
0xb5: {  	_ =	strace $0x9000004E  }
0xb6: {  	_ =	sfence  }
0xb7: {  	s30 =	sld [smem:$0x0];
	_ =	sdelay $0x2  }
0xb8: {  	s31 =	sshll.u32 s1, $0xD;
	s1 =	sshrl.u32 s1, $0x2  }
0xb9: {  	s3 =	sand.u32 $0x4000, s31;
	s1 =	sadd.s32 s1, s30  }
0xba: {  	s0 =	sor.u32 s3, s0;
	s1 =	sshll.u32 s1, $0x11  }
0xbb: {  	s0 =	sor.u32 s1, s0  }
0xbc: {  	s0 =	sadd.s32 $0x8F2B, s0  }
0xbd: {  	[sflag:s0] =	ssyncadd.remote.s32 $0x1  }
0xbe: {  	_ =	sfence.sel $0xFFFF  }
0xbf: {  	[dreg:$0x0] =	wrdreg $0xFFFFFFFF;
	(pc) =	sbr.abs _section_cstart, $3  }
0xc0: {  	[dreg:$0x1] =	wrdreg $0xFFFFFFFF  }
0xc1: {  	_ =	task.clear_ibuf [dreg:s7], $0x2FFFF;
	_ =	strace $0x9FFFFFFF  }
0xc2: {  	(tm) =	ssettm $0x7FFFFFFF  }
0xc3: {  	_ =	shalt  }
tec
execute0_lowered:
.L_overlay_start_1:
0x0: {  	(tag) =	ssettag $0x1  }
0x1: {  	s1 =	rddreg [dreg:$0x0]  }
0x2: {  	s5 =	rddreg [dreg:$0x1]  }
0x3: {  	s0 =	rddreg [dreg:$0x2];
	s2 =	simm.s32 $0x0  }
0x4: {  	s3 =	srdreg.scid;
	s11 =	simm.s32 $0x5;
	s12 =	simm.s32 $0x0  }
0x5: {  	[smem:$0x7FF] =	sst s2;
	s6 =	sand.u32 $0x1, s3;
	s4 =	sadd.s32 $0x200, s5  }
0x6: {  	s3 =	stileid.u32;
	s7 =	ssub.s32 $0x2, s6;
	s6 =	sshll.u32 s6, $0x4  }
0x7: {  	s5 =	sadd.s32 $0x600, s5;
	s8 =	sshrl.u32 s7, $0x1;
	s30 =	sor.u32 s3, s6  }
0x8: {  	v2 =	vlaneseq.u32;
	_ =	strace $0x80000047;
	s9 =	ssub.s32 s7, s8;
	s31 =	sshll.u32 s30, $0xD  }
0x9: {  	vm0 =	vmmov $0xffff;
	v1 =	vshrl.u32 v2, $0x3;
	s6 =	sshll.u32 s30, $0x1;
	s10 =	sshll.u32 s30, $0x5;
	s7 =	sadd.s32 s1, s31  }
0xa: {  	v0 =	vand.u32 $0x7, v2;
	v2 =	vor.u32 $0x8, v2;
	v1 =	vmul.u32 $0x8, v1;
	s8 =	sadd.s32 s4, s10;
	s9 =	smax.u32 s9, $0x1;
	s10 =	simm.s32 $0x10000  }
.LBB2_1:
0xb: {  	_ =	strace $0x80000048;
	p2 =	por $0x1, $0x1;
	p0 =	por $0x0, $0x0  }
0xc: {  	[tilespmem:s2], [sflag:$0x1] =	stream.linear.gather [hbm4b:s7+s2], $0x8000, $0x200038;
	[tilespmem:$0x10100] =	vst v63  }
0xd: {  	s13 =	simm.s32 $0x0;
	s14 =	simm.s32 $0x0;
	s15 =	simm.s32 $0x1  }
0xe: {  	[tilespmem:s10], [sflag:$0x3] =	stream.linear.gather [hbm4b:s8+s2], $0x80, $0x200038;
	[tilespmem:$0x10100] =	vst v63  }
0xf: {  	s16 =	simm.s32 $0x0;
	s17 =	simm.s32 $0x1;
	_ =	strace $0x90000048  }
.LBB2_2:
0x10: {  	s18 =	smov.u32 s13;
	s13 =	sadd.s32 $0x1, s13  }
0x11: {  	p3 =	seq.s32 s13, $0x2  }
0x12: {  	s13 =	simm.s32 @p3 $0x0  }
0x13: {  	p1 =	por p2, p2;
	p2 =	seq.s32 @p2 s18, s13  }
0x14: {  	p3 =	por p2, !p1  }
0x15: {  	s19 =	sadd.s32 @!p3 s6, s13  }
0x16: {  	s20 =	sand.u32 @!p3 $0x1, s17;
	_ =	strace @!p3 $0x80000049;
	s21 =	sshll.u32 @!p3 s19, $0xC  }
0x17: {  	s23 =	simm.s32 @!p3 $0x0;
	s22 =	sshll.u32 @!p3 s20, $0xF;
	s21 =	sand.u32 @!p3 $0x1FFFF000, s21  }
0x18: {  	s20 =	sadd.s32 @!p3 $0x1, s20;
	s19 =	sshll.u32 @!p3 s19, $0x4;
	s21 =	sadd.s32 @!p3 s1, s21  }
0x19: {  	[tilespmem:s22], [sflag:s20] =	stream.linear.gather @!p3 [hbm4b:s21+s23], $0x8000, $0x200038;
	[tilespmem:$0x10100] =	vst v63  }
0x1a: {  	s19 =	sand.u32 @!p3 $0x1FFFFFF0, s19;
	s20 =	sand.u32 @!p3 $0x1, s15  }
0x1b: {  	s19 =	sadd.s32 @!p3 s4, s19;
	_ =	strace @!p3 $0x90000049;
	s21 =	sshll.u32 @!p3 s20, $0x7  }
0x1c: {  	s20 =	sadd.s32 @!p3 $0x3, s20;
	_ =	strace @!p3 $0x8000004A;
	s21 =	sor.u32 @!p3 $0x10000, s21  }
0x1d: {  	[tilespmem:s21], [sflag:s20] =	stream.linear.gather @!p3 [hbm4b:s19+s23], $0x80, $0x200038;
	[tilespmem:$0x10100] =	vst v63  }
0x1e: {  	s22 =	sand.u32 $0x1, s16;
	_ =	strace @!p3 $0x9000004A  }
0x1f: {  	s19 =	sadd.s32 $0x1, s22;
	_ =	strace $0x8000004B  }
0x20: {  	_ =	swait.ge [sflag:s19], $0x8000  }
0x21: {  	[sflag:s19] =	ssyncset.done $0x0  }
0x22: {  	[sflag:s19] =	ssyncadd.s32 $0xFFFF8000  }
0x23: {  	s23 =	sand.u32 $0x1, s14;
	_ =	strace $0x9000004B  }
0x24: {  	s19 =	sadd.s32 $0x3, s23;
	_ =	strace $0x8000004C  }
0x25: {  	_ =	swait.ge [sflag:s19], $0x80  }
0x26: {  	[sflag:s19] =	ssyncset.done $0x0  }
0x27: {  	[sflag:s19] =	ssyncadd.s32 $0xFFFFFF80  }
0x28: {  	s24 =	sshll.u32 s14, $0x7;
	_ =	strace $0x9000004C  }
0x29: {  	s20 =	sand.u32 $0x80, s24;
	_ =	strace $0x8000004D  }
0x2a: {  	v3 =	vld [tilespmem:s20+$0x10000];
	_ =	sdelay $0x4  }
0x2b: {  	v4 =	vshll.u32 v3, $0x1  }
0x2c: {  	v3 =	vand.u32 $0x7, v3;
	v4 =	vand.u32 $0xFFFFFFF0, v4  }
0x2d: {  	v3 =	vor.u32 v3, v4  }
0x2e: {  	v4 =	vperm.xlane v3, v0;
	_ =	sdelay $0x1  }
0x2f: {  	v3 =	vperm.xlane v3, v2;
	v4 =	vadd.s32 v1, v4;
	_ =	sdelay $0x1  }
0x30: {  	v3 =	vadd.s32 v1, v3  }
0x31: {  	s25 =	sshll.u32 s16, $0xF  }
0x32: {  	s19 =	sand.u32 $0x8000, s25  }
0x33: {  	[hbm4b:s5+s2] =	stream.indirect_vreg.scatter [tilespmem:s19], [sflag:$0x5], $0x80, v4, vm0, $0x2000b8;
	[tilespmem:$0x10100] =	vst v63  }
0x34: {  	s26 =	sor.u32 $0x800, s19  }
0x35: {  	[hbm4b:s5+s2] =	stream.indirect_vreg.scatter [tilespmem:s26], [sflag:$0x5], $0x80, v3, vm0, $0x2000b8;
	[tilespmem:$0x10100] =	vst v63  }
0x36: {  	v3 =	vld [tilespmem:s20+$0x10010];
	_ =	sdelay $0x4  }
0x37: {  	v57 =	vshll.u32 v3, $0x1  }
0x38: {  	v3 =	vand.u32 $0x7, v3;
	v4 =	vand.u32 $0xFFFFFFF0, v57  }
0x39: {  	v3 =	vor.u32 v3, v4  }
0x3a: {  	v4 =	vperm.xlane v3, v0;
	_ =	sdelay $0x1  }
0x3b: {  	v3 =	vperm.xlane v3, v2;
	v4 =	vadd.s32 v1, v4;
	_ =	sdelay $0x1  }
0x3c: {  	v3 =	vadd.s32 v1, v3;
	_ =	sdelay $0x1  }
0x3d: {  	s28 =	sor.u32 $0x1000, s19  }
0x3e: {  	[hbm4b:s5+s2] =	stream.indirect_vreg.scatter [tilespmem:s28], [sflag:$0x5], $0x80, v4, vm0, $0x2000b8;
	[tilespmem:$0x10100] =	vst v63  }
0x3f: {  	s29 =	sor.u32 $0x1800, s19  }
0x40: {  	[hbm4b:s5+s2] =	stream.indirect_vreg.scatter [tilespmem:s29], [sflag:$0x5], $0x80, v3, vm0, $0x2000b8;
	[tilespmem:$0x10100] =	vst v63  }
0x41: {  	v3 =	vld [tilespmem:s20+$0x10020];
	_ =	sdelay $0x4  }
0x42: {  	v58 =	vshll.u32 v3, $0x1  }
0x43: {  	v3 =	vand.u32 $0x7, v3;
	v4 =	vand.u32 $0xFFFFFFF0, v58  }
0x44: {  	v3 =	vor.u32 v3, v4  }
0x45: {  	v4 =	vperm.xlane v3, v0;
	_ =	sdelay $0x1  }
0x46: {  	v3 =	vperm.xlane v3, v2;
	v4 =	vadd.s32 v1, v4;
	_ =	sdelay $0x1  }
0x47: {  	v3 =	vadd.s32 v1, v3;
	_ =	sdelay $0x1  }
0x48: {  	s30 =	sor.u32 $0x2000, s19  }
0x49: {  	[hbm4b:s5+s2] =	stream.indirect_vreg.scatter [tilespmem:s30], [sflag:$0x5], $0x80, v4, vm0, $0x2000b8;
	[tilespmem:$0x10100] =	vst v63  }
0x4a: {  	s31 =	sor.u32 $0x2800, s19  }
0x4b: {  	[hbm4b:s5+s2] =	stream.indirect_vreg.scatter [tilespmem:s31], [sflag:$0x5], $0x80, v3, vm0, $0x2000b8;
	[tilespmem:$0x10100] =	vst v63  }
0x4c: {  	v3 =	vld [tilespmem:s20+$0x10030];
	_ =	sdelay $0x4  }
0x4d: {  	v59 =	vshll.u32 v3, $0x1  }
0x4e: {  	v3 =	vand.u32 $0x7, v3;
	v4 =	vand.u32 $0xFFFFFFF0, v59  }
0x4f: {  	v3 =	vor.u32 v3, v4  }
0x50: {  	v4 =	vperm.xlane v3, v0;
	_ =	sdelay $0x1  }
0x51: {  	v3 =	vperm.xlane v3, v2;
	v4 =	vadd.s32 v1, v4;
	_ =	sdelay $0x1  }
0x52: {  	v3 =	vadd.s32 v1, v3;
	_ =	sdelay $0x1  }
0x53: {  	s22 =	sor.u32 $0x3000, s19  }
0x54: {  	[hbm4b:s5+s2] =	stream.indirect_vreg.scatter [tilespmem:s22], [sflag:$0x5], $0x80, v4, vm0, $0x2000b8;
	[tilespmem:$0x10100] =	vst v63  }
0x55: {  	s23 =	sor.u32 $0x3800, s19  }
0x56: {  	[hbm4b:s5+s2] =	stream.indirect_vreg.scatter [tilespmem:s23], [sflag:$0x5], $0x80, v3, vm0, $0x2000b8;
	[tilespmem:$0x10100] =	vst v63  }
0x57: {  	v3 =	vld [tilespmem:s20+$0x10040];
	_ =	sdelay $0x4  }
0x58: {  	v60 =	vshll.u32 v3, $0x1  }
0x59: {  	v3 =	vand.u32 $0x7, v3;
	v4 =	vand.u32 $0xFFFFFFF0, v60  }
0x5a: {  	v3 =	vor.u32 v3, v4  }
0x5b: {  	v4 =	vperm.xlane v3, v0;
	_ =	sdelay $0x1  }
0x5c: {  	v3 =	vperm.xlane v3, v2;
	v4 =	vadd.s32 v1, v4;
	_ =	sdelay $0x1  }
0x5d: {  	v3 =	vadd.s32 v1, v3;
	_ =	sdelay $0x1  }
0x5e: {  	s24 =	sor.u32 $0x4000, s19  }
0x5f: {  	[hbm4b:s5+s2] =	stream.indirect_vreg.scatter [tilespmem:s24], [sflag:$0x5], $0x80, v4, vm0, $0x2000b8;
	[tilespmem:$0x10100] =	vst v63  }
0x60: {  	s25 =	sor.u32 $0x4800, s19  }
0x61: {  	[hbm4b:s5+s2] =	stream.indirect_vreg.scatter [tilespmem:s25], [sflag:$0x5], $0x80, v3, vm0, $0x2000b8;
	[tilespmem:$0x10100] =	vst v63  }
0x62: {  	v3 =	vld [tilespmem:s20+$0x10050];
	_ =	sdelay $0x4  }
0x63: {  	v61 =	vshll.u32 v3, $0x1  }
0x64: {  	v3 =	vand.u32 $0x7, v3;
	v4 =	vand.u32 $0xFFFFFFF0, v61  }
0x65: {  	v3 =	vor.u32 v3, v4  }
0x66: {  	v4 =	vperm.xlane v3, v0;
	_ =	sdelay $0x1  }
0x67: {  	v3 =	vperm.xlane v3, v2;
	v4 =	vadd.s32 v1, v4;
	_ =	sdelay $0x1  }
0x68: {  	v3 =	vadd.s32 v1, v3;
	_ =	sdelay $0x1  }
0x69: {  	s26 =	sor.u32 $0x5000, s19  }
0x6a: {  	[hbm4b:s5+s2] =	stream.indirect_vreg.scatter [tilespmem:s26], [sflag:$0x5], $0x80, v4, vm0, $0x2000b8;
	[tilespmem:$0x10100] =	vst v63  }
0x6b: {  	s28 =	sor.u32 $0x5800, s19  }
0x6c: {  	[hbm4b:s5+s2] =	stream.indirect_vreg.scatter [tilespmem:s28], [sflag:$0x5], $0x80, v3, vm0, $0x2000b8;
	[tilespmem:$0x10100] =	vst v63  }
0x6d: {  	v3 =	vld [tilespmem:s20+$0x10060];
	_ =	sdelay $0x4  }
0x6e: {  	v62 =	vshll.u32 v3, $0x1  }
0x6f: {  	v3 =	vand.u32 $0x7, v3;
	v4 =	vand.u32 $0xFFFFFFF0, v62  }
0x70: {  	v3 =	vor.u32 v3, v4  }
0x71: {  	v4 =	vperm.xlane v3, v0;
	_ =	sdelay $0x1  }
0x72: {  	v3 =	vperm.xlane v3, v2;
	v4 =	vadd.s32 v1, v4;
	_ =	sdelay $0x1  }
0x73: {  	v3 =	vadd.s32 v1, v3;
	_ =	sdelay $0x1  }
0x74: {  	s29 =	sor.u32 $0x6000, s19  }
0x75: {  	[hbm4b:s5+s2] =	stream.indirect_vreg.scatter [tilespmem:s29], [sflag:$0x5], $0x80, v4, vm0, $0x2000b8;
	[tilespmem:$0x10100] =	vst v63  }
0x76: {  	s30 =	sor.u32 $0x6800, s19  }
0x77: {  	[hbm4b:s5+s2] =	stream.indirect_vreg.scatter [tilespmem:s30], [sflag:$0x5], $0x80, v3, vm0, $0x2000b8;
	[tilespmem:$0x10100] =	vst v63  }
0x78: {  	v3 =	vld [tilespmem:s20+$0x10070];
	_ =	sdelay $0x4  }
0x79: {  	v63 =	vshll.u32 v3, $0x1  }
0x7a: {  	v3 =	vand.u32 $0x7, v3;
	v4 =	vand.u32 $0xFFFFFFF0, v63  }
0x7b: {  	v3 =	vor.u32 v3, v4  }
0x7c: {  	v4 =	vperm.xlane v3, v0;
	_ =	sdelay $0x1  }
0x7d: {  	v3 =	vperm.xlane v3, v2;
	v4 =	vadd.s32 v1, v4;
	_ =	sdelay $0x1  }
0x7e: {  	p6 =	sne.s32 s18, s13;
	v3 =	vadd.s32 v1, v3  }
0x7f: {  	s18 =	simm.s32 $0x1;
	p0 =	por p0, p6  }
0x80: {  	p2 =	por !p2, !p1;
	s18 =	simm.s32 @!p0 $0x0;
	s31 =	sor.u32 $0x7000, s19  }
0x81: {  	[hbm4b:s5+s2] =	stream.indirect_vreg.scatter [tilespmem:s31], [sflag:$0x5], $0x80, v4, vm0, $0x2000b8;
	[tilespmem:$0x10100] =	vst v63  }
0x82: {  	p0 =	por $0x1, $0x1;
	s21 =	simm.s32 $0x0;
	s19 =	sor.u32 $0x7800, s19  }
0x83: {  	[hbm4b:s5+s2] =	stream.indirect_vreg.scatter [tilespmem:s19], [sflag:$0x5], $0x80, v3, vm0, $0x2000b8;
	[tilespmem:$0x10100] =	vst v63  }
.Ltmp0:
0x84: {  	s16 =	sadd.s32 s18, s16;
	s21 =	simm.s32 @p2 $0x1;
	(pc) =	sbr.rel @p1 .LBB2_2-.Ltmp0, $4  }
0x85: {  	s14 =	sadd.s32 s18, s14;
	s21 =	simm.s32 @!p1 $0x0;
	_ =	swait.ge [sflag:s11], $0x8000  }
0x86: {  	s23 =	smov.u32 s17;
	s20 =	sadd.s32 @!p3 $0x1, s17;
	[sflag:s11] =	ssyncset.done $0x0  }
0x87: {  	s15 =	sadd.s32 s15, s21;
	s23 =	smov.u32 @p2 s20;
	[sflag:s11] =	ssyncadd.s32 $0xFFFF8000  }
0x88: {  	p2 =	por $0x0, $0x0;
	s17 =	smov.u32 @p1 s23;
	_ =	strace $0x9000004D  }
0x89: {  	s12 =	sadd.s32 $0x1, s12  }
0x8a: {  	p0 =	sne.s32 s12, s9  }
.Ltmp1:
0x8b: {  	_ = 	snop;
	(pc) =	sbr.rel @p0 .LBB2_1-.Ltmp1, $1  }
0x8c: {  	_ =	sdelay $0x3  }
0x8d: {  	_ =	sfence.sel $0x180000  }
0x8e: {  	[bflag:$0x0] =	sbarrier.arrive $0xFFFF  }
0x8f: {  	p0 =	sne.s32 s3, $0x0;
	_ =	strace $0x90000047  }
0x90: {  	s0 =	sadd.s32 @!p0 $0x100000, s0;
	[bflag:$0x2] =	sbarrier.arrive $0xFFFF  }
0x91: {  	[sflag:s0] =	ssyncadd.tile.s32 @!p0 $0x1;
	_ =	shalt  }
.Lfunc_end2:
_tile_overlayer_lowered:
.L_overlay_start_2:
0x92: {  	(tag) =	ssettag $0x2  }
0x93: {  	s0 =	rddreg [dreg:$0x0];
	s2 =	stileid.u32  }
0x94: {  	s1 =	rddreg [dreg:$0x1];
	p0 =	sne.s32 s2, $0x0  }
0x95: {  	s3 =	rddreg [dreg:$0x2];
	[bflag:$0x3] =	sbarrier.arrive $0xFFFF;
	s2 =	simm.s32 @!p0 $0x1C01  }
0x96: {  	[timem:s3], [sflag:s2] =	dma.local @!p0 [hbm:s0], s1  }
0x97: {  	s0 =	simm.s32 @!p0 $0x1  }
0x98: {  	_ =	swait.ge @!p0 [sflag:s0], s1  }
0x99: {  	s1 =	ssub.s32 @!p0 $0x0, s1;
	[sflag:s0] =	ssyncset.done @!p0 $0x0  }
0x9a: {  	[sflag:s0] =	ssyncadd.s32 @!p0 s1  }
0x9b: {  	[bflag:$0x3] =	sbarrier.arrive $0xFFFF  }
0x9c: {  	_ =	shalt  }

// kernel: kernel.9.cloned.1.call-start
scs
__scs_entry_jumppad:
0x0: {  	(pc) =	sbr.rel $0x88, $3  }
0x1: {  	(tag) =	ssettag $0x0;
	lr =	simm.s32 $0x1  }
0x2: {  	[smem:$0x3F9B] =	sst lr;
	_ =	strace $0xD0000000  }
0x3: {  	_ = 	snop  }
0x4: {  	_ = 	snop  }
0x5: {  	_ = 	snop  }
0x6: {  	_ = 	snop  }
0x7: {  	_ = 	snop  }
__scs_overlays_trampoline_lowered:
0x8: {  	[smem:$0x3FAA] =	sst s0  }
0x9: {  	[smem:$0x3FAB] =	sst s1  }
0xa: {  	[smem:$0x3FAC] =	sst s2  }
0xb: {  	[smem:$0x3FAD] =	sst s3  }
0xc: {  	[smem:$0x3FAE] =	sst s4  }
0xd: {  	[smem:$0x3FAF] =	sst s5  }
0xe: {  	[smem:$0x3FB0] =	sst s6  }
0xf: {  	[smem:$0x3FB1] =	sst s7  }
0x10: {  	[smem:$0x3FB2] =	sst s8  }
0x11: {  	[smem:$0x3FB3] =	sst s9;
	s0 =	simm.s32 @!p0 $0x0  }
0x12: {  	s1 =	sld [smem:$0x3F99];
	s0 =	simm.s32 @p0 $0x1  }
0x13: {  	[smem:$0x3FB4] =	sst s0;
	s0 =	simm.s32 @!p1 $0x0  }
0x14: {  	s2 =	sld [smem:$0x3F98];
	s0 =	simm.s32 @p1 $0x1  }
0x15: {  	[smem:$0x3FB5] =	sst s0;
	s0 =	simm.s32 @!p2 $0x0  }
0x16: {  	s3 =	sld [smem:$0x3FDB];
	s0 =	simm.s32 @p2 $0x1  }
0x17: {  	s4 =	simm.s32 $0x1BF5;
	[smem:$0x3FB7] =	sst s0  }
0x18: {  	s0 =	sld [smem:$0x3F9A];
	_ =	swait.ge [sflag:s4], $0x0  }
0x19: {  	s7 =	sld [smem:$0x3F9B]  }
0x1a: {  	s8 =	sadd.s32 $0xFFFFE003, lr  }
0x1b: {  	s9 =	sadd.s32 $0xFFFFFEF7, lr;
	s5 =	simm.s32 $0xFFFFFFFF;
	p2 =	slt.u32 s8, $0xFFFFF086  }
0x1c: {  	p1 =	slt.u32 s9, $0xF7A;
	s5 =	simm.s32 @!p2 $0x0  }
0x1d: {  	s5 =	simm.s32 @p1 $0x1;
	p0 =	seq.s32 s7, s2  }
0x1e: {  	s7 =	smul.u32 @!p0 $0xF7A, s2;
	p2 =	seq.s32 @!p0 s5, $0x0  }
0x1f: {  	s9 =	smul.u32 $0xF7A, s1;
	s8 =	simm.s32 @!p0 $0x1BF5;
	p2 =	por !p2, p0  }
0x20: {  	[sflag:s8] =	ssyncset.s32 @!p0 $0xFFFFF086;
	s6 =	sadd.s32 @!p0 s3, s7;
	s7 =	simm.s32 @!p0 $0x108  }
0x21: {  	s3 =	sadd.s32 s3, s9;
	s6 =	sadd.s32 @!p0 $0x88, s6;
	s7 =	simm.s32 @p2 $0x1082  }
0x22: {  	[simem:s7], [sflag:s8] =	dma.local @!p0 [hbm:s6], $0xF7A  }
0x23: {  	s9 =	sor.u32 $0xD0000000, s2;
	s6 =	simm.s32 $0x108;
	_ =	swait.ge @!p0 [sflag:s8], $0x0  }
0x24: {  	s3 =	sadd.s32 $0x88, s3;
	s6 =	simm.s32 @!p1 $0x1082;
	[sflag:s4] =	ssyncset.s32 $0xFFFFF086  }
0x25: {  	[simem:s6], [sflag:s4] =	dma.local [hbm:s3], $0xF7A  }
0x26: {  	[smem:$0x3F9B] =	sst s1;
	(tag) =	ssettag s2;
	_ =	strace s9  }
0x27: {  	s1 =	sld [smem:$0x3FAB]  }
0x28: {  	s2 =	sld [smem:$0x3FAC]  }
0x29: {  	s4 =	sld [smem:$0x3FAE]  }
0x2a: {  	p0 =	seq.s32 s5, $0x0;
	s5 =	sld [smem:$0x3FAF]  }
0x2b: {  	s6 =	sld [smem:$0x3FB0]  }
0x2c: {  	s7 =	sld [smem:$0x3FB1]  }
0x2d: {  	s3 =	simm.s32 $0x108;
	s8 =	sld [smem:$0x3FB2]  }
0x2e: {  	s3 =	simm.s32 @!p0 $0x1082;
	s9 =	sld [smem:$0x3FB3]  }
0x2f: {  	lr =	sadd.s32 s0, s3;
	s0 =	sld [smem:$0x3FAA]  }
0x30: {  	s3 =	sld [smem:$0x3FAD]  }
0x31: {  	[smem:$0x3FB6] =	sst s10  }
0x32: {  	s10 =	sld [smem:$0x3FB4];
	_ =	sdelay $0x3  }
0x33: {  	p0 =	seq.s32 s10, $0x1;
	s10 =	sld [smem:$0x3FB6];
	_ =	sdelay $0x3  }
0x34: {  	[smem:$0x3FB6] =	sst s10  }
0x35: {  	s10 =	sld [smem:$0x3FB5];
	_ =	sdelay $0x3  }
0x36: {  	p1 =	seq.s32 s10, $0x1;
	s10 =	sld [smem:$0x3FB6];
	_ =	sdelay $0x3  }
0x37: {  	[smem:$0x3FB6] =	sst s10  }
0x38: {  	s10 =	sld [smem:$0x3FB7]  }
0x39: {  	_ = 	snop;
	(pc) =	sbr.ind lr, $3  }
0x3a: {  	_ = 	snop  }
0x3b: {  	_ = 	snop  }
0x3c: {  	p2 =	seq.s32 s10, $0x1;
	s10 =	sld [smem:$0x3FB6]  }
0x3d: {  	_ =	shalt  }
0x3e: {  	_ =	shalt  }
0x3f: {  	_ =	shalt  }
0x40: {  	_ =	shalt  }
0x41: {  	_ =	shalt  }
0x42: {  	_ =	shalt  }
0x43: {  	_ =	shalt  }
0x44: {  	_ =	shalt  }
0x45: {  	_ =	shalt  }
0x46: {  	_ =	shalt  }
0x47: {  	_ =	shalt  }
0x48: {  	_ =	shalt  }
0x49: {  	_ =	shalt  }
0x4a: {  	_ =	shalt  }
0x4b: {  	_ =	shalt  }
0x4c: {  	_ =	shalt  }
0x4d: {  	_ =	shalt  }
0x4e: {  	_ =	shalt  }
0x4f: {  	_ =	shalt  }
0x50: {  	_ =	shalt  }
0x51: {  	_ =	shalt  }
0x52: {  	_ =	shalt  }
0x53: {  	_ =	shalt  }
0x54: {  	_ =	shalt  }
0x55: {  	_ =	shalt  }
0x56: {  	_ =	shalt  }
0x57: {  	_ =	shalt  }
0x58: {  	_ =	shalt  }
0x59: {  	_ =	shalt  }
0x5a: {  	_ =	shalt  }
0x5b: {  	_ =	shalt  }
0x5c: {  	_ =	shalt  }
0x5d: {  	_ =	shalt  }
0x5e: {  	_ =	shalt  }
0x5f: {  	_ =	shalt  }
0x60: {  	_ =	shalt  }
0x61: {  	_ =	shalt  }
0x62: {  	_ =	shalt  }
0x63: {  	_ =	shalt  }
0x64: {  	_ =	shalt  }
0x65: {  	_ =	shalt  }
0x66: {  	_ =	shalt  }
0x67: {  	_ =	shalt  }
0x68: {  	_ =	shalt  }
0x69: {  	_ =	shalt  }
0x6a: {  	_ =	shalt  }
0x6b: {  	_ =	shalt  }
0x6c: {  	_ =	shalt  }
0x6d: {  	_ =	shalt  }
0x6e: {  	_ =	shalt  }
0x6f: {  	_ =	shalt  }
0x70: {  	_ =	shalt  }
0x71: {  	_ =	shalt  }
0x72: {  	_ =	shalt  }
0x73: {  	_ =	shalt  }
0x74: {  	_ =	shalt  }
0x75: {  	_ =	shalt  }
0x76: {  	_ =	shalt  }
0x77: {  	_ =	shalt  }
0x78: {  	_ =	shalt  }
0x79: {  	_ =	shalt  }
0x7a: {  	_ =	shalt  }
0x7b: {  	_ =	shalt  }
0x7c: {  	_ =	shalt  }
0x7d: {  	_ =	shalt  }
0x7e: {  	_ =	shalt  }
0x7f: {  	_ =	shalt  }
0x80: {  	_ =	shalt  }
0x81: {  	_ =	shalt  }
0x82: {  	_ =	shalt  }
0x83: {  	_ =	shalt  }
0x84: {  	_ =	shalt  }
0x85: {  	_ =	shalt  }
0x86: {  	_ =	shalt  }
0x87: {  	_ =	shalt  }
.Lfunc_end0:
.L_simem_size_0:
called_computation.1_lowered:
.L_overlay_start_0:
0x88: {  	s2 =	sld [smem:$0x3FD9]  }
0x89: {  	s3 =	sld [smem:$0x3FFE];
	_ =	sdelay $0x1  }
0x8a: {  	s1 =	srdreg.scid  }
0x8b: {  	s0 =	sand.u32 $0x1, s1  }
0x8c: {  	s17 =	sshll.u32 s0, $0xA;
	s2 =	sadd.s32 s3, s2  }
0x8d: {  	s2 =	sadd.s32 s2, s17  }
0x8e: {  	[smem:$0x3FC2] =	sst s2  }
0x8f: {  	_ = 	snop  }
0x90: {  	(tm) =	ssettm $0x1  }
0x91: {  	s18 =	sld [smem:$0x3FFB];
	_ =	sdelay $0x3  }
0x92: {  	_ =	strace s18  }
0x93: {  	s2 =	sld [smem:$0x3FFC];
	_ =	sdelay $0x3  }
0x94: {  	_ =	strace s2  }
0x95: {  	s2 =	sld [smem:$0x3FFD];
	_ =	sdelay $0x3  }
0x96: {  	_ =	strace s2  }
0x97: {  	_ =	strace $0x8FFFFFFF  }
0x98: {  	s19 =	sld [smem:$0x3FDB];
	_ =	sdelay $0x1  }
0x99: {  	s20 =	simm.s32 $_scs_section_size  }
0x9a: {  	s4 =	simm.s32 $_size__tile_overlayer_lowered;
	s5 =	simm.s32 $_tile_overlayer_lowered  }
0x9b: {  	s6 =	simm.s32 $0x1BFF;
	s21 =	sshll.u32 s5, $0x1;
	s3 =	sadd.s32 s20, s19  }
0x9c: {  	s22 =	simm.s32 $0x0;
	s4 =	sshll.u32 s4, $0x1;
	s5 =	sadd.s32 s21, s3  }
0x9d: {  	[timem:s22], [sflag:s6] =	dma.local [hbm:s5], s4  }
0x9e: {  	_ =	swait.ge [sflag:s6], s4  }
0x9f: {  	s4 =	ssub.s32 $0x0, s4;
	[sflag:s6] =	ssyncset.done $0x0  }
0xa0: {  	[sflag:s6] =	ssyncadd.s32 s4;
	_ =	sdelay $0x1  }
0xa1: {  	s23 =	simm.s32 $0x1B8B  }
0xa2: {  	_ =	swait.ge [sflag:s23], $0x1  }
0xa3: {  	[sflag:s23] =	ssyncset.done $0x0  }
0xa4: {  	[sflag:s23] =	ssyncadd.s32 $0xFFFFFFFF  }
0xa5: {  	s4 =	sld [smem:$0x0]  }
0xa6: {  	s5 =	sand.u32 $0xFFFFFFFE, s1  }
0xa7: {  	p0 =	sne.s32 s1, s5  }
0xa8: {  	s5 =	sshll.u32 @p0 s5, $0xE  }
0xa9: {  	s5 =	sadd.s32 @p0 $0x11B8D, s5;
	s6 =	sshll.u32 @p0 s4, $0x11  }
0xaa: {  	s5 =	sor.u32 @p0 s6, s5  }
0xab: {  	[sflag:s5] =	ssyncadd.remote.s32 @p0 $0x1;
	_ =	sdelay $0x1  }
0xac: {  	s5 =	simm.s32 @p0 $0x1B8D  }
0xad: {  	_ =	swait.eq @p0 [sflag:s5], $0x1  }
0xae: {  	[sflag:s5] =	ssyncadd.s32 @p0 $0xFFFFFFFF  }
0xaf: {  	s6 =	sshll.u32 @!p0 s1, $0xE  }
0xb0: {  	s6 =	sor.u32 @!p0 $0x4000, s6;
	s5 =	simm.s32 @!p0 $0x1B8D  }
0xb1: {  	s4 =	sshll.u32 @!p0 s4, $0x11;
	s6 =	sadd.s32 @!p0 $0x11B8D, s6;
	_ =	swait.eq @!p0 [sflag:s5], $0x1  }
0xb2: {  	s4 =	sor.u32 @!p0 s4, s6;
	[sflag:s5] =	ssyncadd.s32 @!p0 $0xFFFFFFFF  }
0xb3: {  	s25 =	simm.s32 $0x1B8E;
	s24 =	sld [smem:$0x3FFE];
	[sflag:s4] =	ssyncadd.remote.s32 @!p0 $0x1  }
0xb4: {  	s26 =	simm.s32 $execute0_lowered;
	[smem:$0x3FD2] =	sst s25  }
0xb5: {  	s5 =	sshll.u32 s26, $0x1;
	_ =	strace $0x8000004F;
	[dreg:$0x1] =	wrdreg $0xFFFFFFFF  }
0xb6: {  	s28 =	simm.s32 $_size_execute0_lowered;
	s3 =	sadd.s32 s3, s5;
	[dreg:$0x0] =	wrdreg $0x0  }
0xb7: {  	s5 =	sshll.u32 s28, $0x1;
	[dreg:$0x2] =	wrdreg s3  }
0xb8: {  	[dreg:$0x3] =	wrdreg s5  }
0xb9: {  	[dreg:$0x4] =	wrdreg $0xC0  }
0xba: {  	_ =	task [dreg:s22], $0x5FFFF  }
0xbb: {  	[dreg:$0x1] =	wrdreg $0xFFFFFFFF  }
0xbc: {  	[dreg:$0x0] =	wrdreg $0x60  }
0xbd: {  	[dreg:$0x2] =	wrdreg s24  }
0xbe: {  	[dreg:$0x3] =	wrdreg $0xA  }
0xbf: {  	_ =	task.clear_ibuf [dreg:s22], $0x4FFFF;
	_ =	strace $0x9000004F  }
0xc0: {  	s29 =	simm.s32 $0xA;
	_ =	strace $0x80000057  }
0xc1: {  	_ =	swait.ge [sflag:s29], $0x1  }
0xc2: {  	[sflag:s29] =	ssyncadd.s32 $0xFFFFFFFF  }
0xc3: {  	_ =	strace $0x90000057  }
0xc4: {  	_ =	sfence  }
0xc5: {  	s30 =	sld [smem:$0x0];
	_ =	sdelay $0x2  }
0xc6: {  	s31 =	sshll.u32 s1, $0xD;
	s1 =	sshrl.u32 s1, $0x2  }
0xc7: {  	s4 =	sand.u32 $0x4000, s31;
	s1 =	sadd.s32 s1, s30  }
0xc8: {  	s0 =	sor.u32 s4, s0;
	s1 =	sshll.u32 s1, $0x11  }
0xc9: {  	s0 =	sor.u32 s1, s0  }
0xca: {  	s0 =	sadd.s32 $0x8F2B, s0  }
0xcb: {  	[sflag:s0] =	ssyncadd.remote.s32 $0x1  }
0xcc: {  	_ =	sfence.sel $0xFFFF  }
0xcd: {  	[dreg:$0x0] =	wrdreg $0xFFFFFFFF;
	(pc) =	sbr.abs _section_cstart, $3  }
0xce: {  	[dreg:$0x1] =	wrdreg $0xFFFFFFFF  }
0xcf: {  	_ =	task.clear_ibuf [dreg:s22], $0x2FFFF;
	_ =	strace $0x9FFFFFFF  }
0xd0: {  	(tm) =	ssettm $0x7FFFFFFF  }
0xd1: {  	_ =	shalt  }
tec
execute0_lowered:
.L_overlay_start_1:
0x0: {  	(tag) =	ssettag $0x1  }
0x1: {  	s0 =	rddreg [dreg:$0x0]  }
0x2: {  	s1 =	rddreg [dreg:$0x1];
	s2 =	simm.s32 $0x0;
	s3 =	srdreg.scid  }
0x3: {  	[smem:$0x7FF] =	sst s2;
	s31 =	sand.u32 $0x1, s3  }
0x4: {  	s3 =	stileid.u32;
	s2 =	sadd.s32 $0x48600, s0;
	p0 =	seq.s32 s31, $0x1  }
0x5: {  	_ =	strace $0x80000050;
	s4 =	sshll.u32 @!p0 s3, $0x4;
	s5 =	sshll.u32 @!p0 s3, $0xB  }
0x6: {  	_ =	strace @!p0 $0x80000051;
	s2 =	sadd.s32 @!p0 s2, s5;
	s5 =	simm.s32 @!p0 $0x0  }
0x7: {  	[tilespmem:s5], [sflag:$0x1] =	stream.linear.gather @!p0 [hbm4b:s2+s5], $0x4000, $0x200038;
	[tilespmem:$0x8100] =	vst v63  }
0x8: {  	s2 =	sadd.s32 @!p0 s0, s4;
	s4 =	simm.s32 @!p0 $0x8000  }
0x9: {  	[tilespmem:s4], [sflag:$0x3] =	stream.linear.gather @!p0 [hbm4b:s2+s5], $0x80, $0x200038;
	[tilespmem:$0x8100] =	vst v63  }
0xa: {  	_ =	strace @!p0 $0x90000051  }
0xb: {  	s2 =	simm.s32 @!p0 $0x1;
	_ =	strace @!p0 $0x80000054  }
0xc: {  	_ =	swait.ge @!p0 [sflag:s2], $0x4000  }
0xd: {  	[sflag:s2] =	ssyncset.done @!p0 $0x0  }
0xe: {  	[sflag:s2] =	ssyncadd.s32 @!p0 $0xFFFFC000  }
0xf: {  	_ =	strace @!p0 $0x90000054  }
0x10: {  	s2 =	simm.s32 @!p0 $0x3;
	_ =	strace @!p0 $0x80000055  }
0x11: {  	_ =	swait.ge @!p0 [sflag:s2], $0x80  }
0x12: {  	[sflag:s2] =	ssyncset.done @!p0 $0x0  }
0x13: {  	[sflag:s2] =	ssyncadd.s32 @!p0 $0xFFFFFF80  }
0x14: {  	_ =	strace @!p0 $0x90000055  }
0x15: {  	s0 =	sadd.s32 $0x50600, s0;
	s2 =	simm.s32 @!p0 $0x80;
	_ =	strace @!p0 $0x80000056  }
0x16: {  	[hbm4b:s0+s2] =	stream.indirect.scatter @!p0 [tilespmem:s5], [sflag:$0x5], $0x80, s4, s2, $0x2000b8;
	[tilespmem:$0x8100] =	vst v63  }
0x17: {  	s0 =	simm.s32 @!p0 $0x5  }
0x18: {  	_ =	swait.ge @!p0 [sflag:s0], $0x4000  }
0x19: {  	[sflag:s0] =	ssyncset.done @!p0 $0x0  }
0x1a: {  	[sflag:s0] =	ssyncadd.s32 @!p0 $0xFFFFC000  }
0x1b: {  	_ =	strace @!p0 $0x90000056  }
0x1c: {  	_ =	sfence.sel $0x180000  }
0x1d: {  	[bflag:$0x0] =	sbarrier.arrive $0xFFFF  }
0x1e: {  	p0 =	sne.s32 s3, $0x0;
	_ =	strace $0x90000050  }
0x1f: {  	s0 =	sadd.s32 @!p0 $0x100000, s1;
	[bflag:$0x2] =	sbarrier.arrive $0xFFFF  }
0x20: {  	[sflag:s0] =	ssyncadd.tile.s32 @!p0 $0x1;
	_ =	shalt  }
.Lfunc_end2:
_tile_overlayer_lowered:
.L_overlay_start_2:
0x21: {  	(tag) =	ssettag $0x2  }
0x22: {  	s0 =	rddreg [dreg:$0x0];
	s2 =	stileid.u32  }
0x23: {  	s1 =	rddreg [dreg:$0x1];
	p0 =	sne.s32 s2, $0x0  }
0x24: {  	s3 =	rddreg [dreg:$0x2];
	[bflag:$0x3] =	sbarrier.arrive $0xFFFF;
	s2 =	simm.s32 @!p0 $0x1C01  }
0x25: {  	[timem:s3], [sflag:s2] =	dma.local @!p0 [hbm:s0], s1  }
0x26: {  	s0 =	simm.s32 @!p0 $0x1  }
0x27: {  	_ =	swait.ge @!p0 [sflag:s0], s1  }
0x28: {  	s1 =	ssub.s32 @!p0 $0x0, s1;
	[sflag:s0] =	ssyncset.done @!p0 $0x0  }
0x29: {  	[sflag:s0] =	ssyncadd.s32 @!p0 s1  }
0x2a: {  	[bflag:$0x3] =	sbarrier.arrive $0xFFFF  }
0x2b: {  	_ =	shalt  }

</sc_bundles>
